<compile_context>
chip_gen: v7x
topology: tpu7x:2x2x1
jax: 0.10.2.dev20260603
libtpu: 0.0.44.dev20260713+nightly
codegen_flags: <defaults>
</compile_context>

<pallas_src>
import functools

import jax
import jax.numpy as jnp
from jax import lax
from jax.experimental import pallas as pl
from jax.experimental.pallas import tpu as pltpu
from jax.experimental.pallas import tpu_sc as plsc

N_NODES = 10000
N_EDGES = 320000
D_FEAT = 128

NC = 2
NS = 16
NW = NC * NS

EDGES_PER_WORKER = N_EDGES // NW
CHUNK = 80
NCHUNK = EDGES_PER_WORKER // CHUNK
NROW = 4
NIDX = 8
LOOK = 2

STRIPE = 624
ZROWS = 8

_mesh = plsc.VectorSubcoreMesh(core_axis_name="c", subcore_axis_name="s")


@functools.partial(
    pl.kernel,
    out_type=jax.ShapeDtypeStruct((NC, N_NODES, D_FEAT), jnp.float32),
    mesh=_mesh,
    scratch_types=[
        pltpu.VMEM((NIDX, CHUNK), jnp.int32),
        pltpu.VMEM((NIDX, CHUNK), jnp.int32),
        pltpu.VMEM((NROW, CHUNK, D_FEAT), jnp.float32),
        pltpu.VMEM((ZROWS, D_FEAT), jnp.float32),
        pltpu.VMEM_SHARED((N_NODES, D_FEAT), jnp.float32),
        pltpu.SemaphoreType.DMA((NIDX,)),
        pltpu.SemaphoreType.DMA((NROW,)),
        pltpu.SemaphoreType.DMA((NROW,)),
    ],
)
def _sc_message_passing(x_hbm, ei_hbm, out_hbm,
                        sidx, didx, rows, zbuf, acc, semi, semg, sems):
    cid = lax.axis_index("c")
    sid = lax.axis_index("s")
    wid = sid * NC + cid
    base_w = wid * EDGES_PER_WORKER

    z16 = jnp.zeros((16,), jnp.float32)

    @pl.loop(0, ZROWS)
    def _(i):
        for j in range(D_FEAT // 16):
            zbuf[i, pl.ds(j * 16, 16)] = z16

    @pl.loop(0, STRIPE // ZROWS)
    def _(t):
        pltpu.async_copy(zbuf, acc.at[pl.ds(sid * STRIPE + t * ZROWS, ZROWS)], semg.at[0])

    @pl.when(sid == NS - 1)
    def _():
        for t in range((N_NODES - NS * STRIPE) // ZROWS):
            pltpu.async_copy(zbuf, acc.at[pl.ds(NS * STRIPE + t * ZROWS, ZROWS)], semg.at[0])

    @pl.loop(0, STRIPE // ZROWS)
    def _(t):
        pltpu.make_async_copy(zbuf, acc.at[pl.ds(0, ZROWS)], semg.at[0]).wait()

    @pl.when(sid == NS - 1)
    def _():
        for t in range((N_NODES - NS * STRIPE) // ZROWS):
            pltpu.make_async_copy(zbuf, acc.at[pl.ds(0, ZROWS)], semg.at[0]).wait()

    plsc.subcore_barrier()

    def idx_issue(k, si):
        b = base_w + k * CHUNK
        pltpu.async_copy(ei_hbm.at[pl.ds(b, CHUNK)], sidx.at[si], semi.at[si])
        pltpu.async_copy(ei_hbm.at[pl.ds(N_EDGES + b, CHUNK)], didx.at[si], semi.at[si])

    def idx_wait(si):
        pltpu.make_async_copy(ei_hbm.at[pl.ds(0, CHUNK)], sidx.at[si], semi.at[si]).wait()
        pltpu.make_async_copy(ei_hbm.at[pl.ds(0, CHUNK)], didx.at[si], semi.at[si]).wait()

    def g_issue(rp, si):
        pltpu.async_copy(x_hbm.at[sidx.at[si]], rows.at[rp], semg.at[rp])

    def g_wait(rp, si):
        pltpu.make_async_copy(x_hbm.at[sidx.at[si]], rows.at[rp], semg.at[rp]).wait()

    def s_issue(rp, si):
        pltpu.async_copy(rows.at[rp], acc.at[didx.at[si]], sems.at[rp], add=True)

    def s_wait(rp, si):
        pltpu.make_async_copy(rows.at[rp], acc.at[didx.at[si]], sems.at[rp]).wait()

    for k in range(2 * LOOK):
        idx_issue(k, k)
    for k in range(LOOK):
        idx_wait(k % NIDX)
        g_issue(k % NROW, k % NIDX)

    def body(k, rp, rg, sik, sig, sii, first, more_g=True, more_i=True):
        g_wait(rp, sik)
        s_issue(rp, sik)
        if not first:
            s_wait(rg, (sig - 2 * LOOK) % NIDX)
        if more_g:
            idx_wait(sig)
            g_issue(rg, sig)
        if more_i:
            @pl.when(k + 2 * LOOK < NCHUNK)
            def _():
                idx_issue(k + 2 * LOOK, sii)

    for k in range(LOOK):
        body(k, k % NROW, (k + LOOK) % NROW,
             k % NIDX, (k + LOOK) % NIDX, (k + 2 * LOOK) % NIDX, first=True)

    _EPI = (NCHUNK - LOOK) % NIDX

    @pl.loop(0, (NCHUNK - LOOK - _EPI) // NIDX)
    def _(i):
        base_k = LOOK + i * NIDX
        for j in range(NIDX):
            body(base_k + j, (LOOK + j) % NROW, j % NROW,
                 (LOOK + j) % NIDX, (2 * LOOK + j) % NIDX,
                 (3 * LOOK + j) % NIDX, first=False)

    for k in range(NCHUNK - _EPI, NCHUNK):
        body(k, k % NROW, (k + LOOK) % NROW,
             k % NIDX, (k + LOOK) % NIDX, (k + 2 * LOOK) % NIDX,
             first=False, more_g=(k + LOOK < NCHUNK), more_i=False)
    for k in range(NCHUNK - LOOK, NCHUNK):
        s_wait(k % NROW, k % NIDX)

    plsc.subcore_barrier()

    pltpu.sync_copy(
        acc.at[pl.ds(sid * STRIPE, STRIPE)],
        out_hbm.at[cid, pl.ds(sid * STRIPE, STRIPE)],
    )

    @pl.when(sid == NS - 1)
    def _():
        pltpu.sync_copy(
            acc.at[pl.ds(NS * STRIPE, N_NODES - NS * STRIPE)],
            out_hbm.at[cid, pl.ds(NS * STRIPE, N_NODES - NS * STRIPE)],
        )


def _tc_add_body(p_ref, o_ref):
    o_ref[...] = p_ref[0] + p_ref[1]


_ROWS_PER_BLOCK = 10000


def _tc_add(partials):
    return pl.pallas_call(
        _tc_add_body,
        out_shape=jax.ShapeDtypeStruct((N_NODES, D_FEAT), jnp.float32),
        grid=(N_NODES // _ROWS_PER_BLOCK,),
        in_specs=[pl.BlockSpec((NC, _ROWS_PER_BLOCK, D_FEAT), lambda i: (0, i, 0))],
        out_specs=pl.BlockSpec((_ROWS_PER_BLOCK, D_FEAT), lambda i: (i, 0)),
    )(partials)


def kernel(x, edge_index):
    ei = edge_index.astype(jnp.int32).reshape(-1)
    partials = _sc_message_passing(x, ei)
    return _tc_add(partials)

# --- scband reference (transcript-rebuilt; emitter-appended) ---
"""Pipeline reference for scband-message-passing-18545668784703 (READ-ONLY COPY).

The authoritative reference and input builder live on the scoring server;
editing this copy changes nothing except your own understanding.
"""

import jax, jax.numpy as jnp
import numpy as np

N_NODES = 10000
N_EDGES = 320000
D_FEAT = 128


def setup_inputs(seed: int = 0) -> dict:
    key = jax.random.key(seed)
    k1, k2 = jax.random.split(key)
    x = jax.random.normal(k1, (N_NODES, D_FEAT), dtype=jnp.float32)
    edge_index = jax.random.randint(k2, (2, N_EDGES), 0, N_NODES, dtype=jnp.int64 if jax.config.jax_enable_x64 else jnp.int32)
    return {"x": x, "edge_index": edge_index}


def reference(x, edge_index):
    # MessagePassing with aggr='add', flow='source_to_target':
    #   i, j = (1, 0); message(x_j) = x[edge_index[0]] (identity message)
    #   aggregate: scatter_add messages at dst indices edge_index[1], dim_size = N
    #   update: identity
    src = edge_index[0]
    dst = edge_index[1]
    msgs = jnp.take(x, src, axis=0)  # gather: x_j per edge
    out = jax.ops.segment_sum(msgs, dst, num_segments=x.shape[0])  # scatter-add
    return out

if __name__ == "__main__":
    import jax
    _d = setup_inputs()
    print(jax.jit(kernel)(*tuple(_d.values())))

</pallas_src>

<mosaic_0001>
#map = affine_map<(d0, d1) -> (0, 0)>
#map1 = affine_map<(d0, d1) -> (0)>
#map2 = affine_map<(d0, d1) -> (0, 0, 0)>
module attributes {stable_mosaic.version = 14 : i64} {
  func.func @_sc_message_passing(%arg0: i32, %arg1: i32, %arg2: memref<10000x128xf32, #tpu.memory_space<hbm>>, %arg3: memref<640000xi32, #tpu.memory_space<hbm>>, %arg4: memref<2x10000x128xf32, #tpu.memory_space<hbm>>, %arg5: memref<8x80xi32, #tpu.memory_space<vmem>>, %arg6: memref<8x80xi32, #tpu.memory_space<vmem>>, %arg7: memref<4x80x128xf32, #tpu.memory_space<vmem>>, %arg8: memref<8x128xf32, #tpu.memory_space<vmem>>, %arg9: memref<10000x128xf32, #tpu.memory_space<vmem_shared>>, %arg10: memref<8x!tpu.dma_semaphore, #tpu.memory_space<semaphore_mem>>, %arg11: memref<4x!tpu.dma_semaphore, #tpu.memory_space<semaphore_mem>>, %arg12: memref<4x!tpu.dma_semaphore, #tpu.memory_space<semaphore_mem>>) attributes {dimension_semantics = [#tpu.dimension_semantics<core_parallel>, #tpu.dimension_semantics<subcore_parallel>], iteration_bounds = array<i64: 2, 16>, scalar_prefetch = 0 : i64, scratch_operands = 8 : i64, tpu.core_type = #tpu.core_type<sc_vector_subcore>, window_params = [{transform_indices = #map}, {transform_indices = #map1}, {transform_indices = #map2}]} {
    %mul3A = arith.constant 2 : i32
    %mul3A_0 = arith.muli %arg1, %mul3A : i32
    %add3A = arith.addi %mul3A_0, %arg0 : i32
    %mul3A_1 = arith.constant 10000 : i32
    %mul3A_2 = arith.muli %add3A, %mul3A_1 : i32
    %broadcast_in_dim3A = arith.constant 0.000000e+00 : f32
    %broadcast_in_dim3A_3 = vector.broadcast %broadcast_in_dim3A : f32 to vector<16xf32>
    %scan3A = arith.constant 0 : i32
    %scan3A_4 = arith.constant 8 : i32
    %scan3A_5 = arith.addi %scan3A, %scan3A_4 : i32
    %scan3A_6 = arith.constant 1 : i32
    scf.for %scan3A_646 = %scan3A to %scan3A_5 step %scan3A_6  : i32 {
      %mul3A_647 = arith.constant 1 : i32
      %mul3A_648 = arith.muli %scan3A_646, %mul3A_647 : i32
      %add3A_649 = arith.constant 0 : i32
      %add3A_650 = arith.addi %add3A_649, %mul3A_648 : i32
      %swap3A = arith.index_cast %add3A_650 : i32 to index
      %swap3A_651 = arith.constant 0 : index
      %swap3A_652 = tpu.vector_load %arg8[%swap3A, %swap3A_651] {strides = array<i32>} : memref<8x128xf32, #tpu.memory_space<vmem>>, vector<1x16xf32>,
      %swap3A_653 = vector.shape_cast %swap3A_652 : vector<1x16xf32> to vector<16xf32>
      %swap3A_654 = vector.shape_cast %broadcast_in_dim3A_3 : vector<16xf32> to vector<1x16xf32>
      tpu.vector_store %arg8[%swap3A, %swap3A_651], %swap3A_654 {strides = array<i32>} : memref<8x128xf32, #tpu.memory_space<vmem>>, vector<1x16xf32>,
      %swap3A_655 = arith.index_cast %add3A_650 : i32 to index
      %swap3A_656 = arith.constant 16 : index
      %swap3A_657 = tpu.vector_load %arg8[%swap3A_655, %swap3A_656] {strides = array<i32>} : memref<8x128xf32, #tpu.memory_space<vmem>>, vector<1x16xf32>,
      %swap3A_658 = vector.shape_cast %swap3A_657 : vector<1x16xf32> to vector<16xf32>
      %swap3A_659 = vector.shape_cast %broadcast_in_dim3A_3 : vector<16xf32> to vector<1x16xf32>
      tpu.vector_store %arg8[%swap3A_655, %swap3A_656], %swap3A_659 {strides = array<i32>} : memref<8x128xf32, #tpu.memory_space<vmem>>, vector<1x16xf32>,
      %swap3A_660 = arith.index_cast %add3A_650 : i32 to index
      %swap3A_661 = arith.constant 32 : index
      %swap3A_662 = tpu.vector_load %arg8[%swap3A_660, %swap3A_661] {strides = array<i32>} : memref<8x128xf32, #tpu.memory_space<vmem>>, vector<1x16xf32>,
      %swap3A_663 = vector.shape_cast %swap3A_662 : vector<1x16xf32> to vector<16xf32>
      %swap3A_664 = vector.shape_cast %broadcast_in_dim3A_3 : vector<16xf32> to vector<1x16xf32>
      tpu.vector_store %arg8[%swap3A_660, %swap3A_661], %swap3A_664 {strides = array<i32>} : memref<8x128xf32, #tpu.memory_space<vmem>>, vector<1x16xf32>,
      %swap3A_665 = arith.index_cast %add3A_650 : i32 to index
      %swap3A_666 = arith.constant 48 : index
      %swap3A_667 = tpu.vector_load %arg8[%swap3A_665, %swap3A_666] {strides = array<i32>} : memref<8x128xf32, #tpu.memory_space<vmem>>, vector<1x16xf32>,
      %swap3A_668 = vector.shape_cast %swap3A_667 : vector<1x16xf32> to vector<16xf32>
      %swap3A_669 = vector.shape_cast %broadcast_in_dim3A_3 : vector<16xf32> to vector<1x16xf32>
      tpu.vector_store %arg8[%swap3A_665, %swap3A_666], %swap3A_669 {strides = array<i32>} : memref<8x128xf32, #tpu.memory_space<vmem>>, vector<1x16xf32>,
      %swap3A_670 = arith.index_cast %add3A_650 : i32 to index
      %swap3A_671 = arith.constant 64 : index
      %swap3A_672 = tpu.vector_load %arg8[%swap3A_670, %swap3A_671] {strides = array<i32>} : memref<8x128xf32, #tpu.memory_space<vmem>>, vector<1x16xf32>,
      %swap3A_673 = vector.shape_cast %swap3A_672 : vector<1x16xf32> to vector<16xf32>
      %swap3A_674 = vector.shape_cast %broadcast_in_dim3A_3 : vector<16xf32> to vector<1x16xf32>
      tpu.vector_store %arg8[%swap3A_670, %swap3A_671], %swap3A_674 {strides = array<i32>} : memref<8x128xf32, #tpu.memory_space<vmem>>, vector<1x16xf32>,
      %swap3A_675 = arith.index_cast %add3A_650 : i32 to index
      %swap3A_676 = arith.constant 80 : index
      %swap3A_677 = tpu.vector_load %arg8[%swap3A_675, %swap3A_676] {strides = array<i32>} : memref<8x128xf32, #tpu.memory_space<vmem>>, vector<1x16xf32>,
      %swap3A_678 = vector.shape_cast %swap3A_677 : vector<1x16xf32> to vector<16xf32>
      %swap3A_679 = vector.shape_cast %broadcast_in_dim3A_3 : vector<16xf32> to vector<1x16xf32>
      tpu.vector_store %arg8[%swap3A_675, %swap3A_676], %swap3A_679 {strides = array<i32>} : memref<8x128xf32, #tpu.memory_space<vmem>>, vector<1x16xf32>,
      %swap3A_680 = arith.index_cast %add3A_650 : i32 to index
      %swap3A_681 = arith.constant 96 : index
      %swap3A_682 = tpu.vector_load %arg8[%swap3A_680, %swap3A_681] {strides = array<i32>} : memref<8x128xf32, #tpu.memory_space<vmem>>, vector<1x16xf32>,
      %swap3A_683 = vector.shape_cast %swap3A_682 : vector<1x16xf32> to vector<16xf32>
      %swap3A_684 = vector.shape_cast %broadcast_in_dim3A_3 : vector<16xf32> to vector<1x16xf32>
      tpu.vector_store %arg8[%swap3A_680, %swap3A_681], %swap3A_684 {strides = array<i32>} : memref<8x128xf32, #tpu.memory_space<vmem>>, vector<1x16xf32>,
      %swap3A_685 = arith.index_cast %add3A_650 : i32 to index
      %swap3A_686 = arith.constant 112 : index
      %swap3A_687 = tpu.vector_load %arg8[%swap3A_685, %swap3A_686] {strides = array<i32>} : memref<8x128xf32, #tpu.memory_space<vmem>>, vector<1x16xf32>,
      %swap3A_688 = vector.shape_cast %swap3A_687 : vector<1x16xf32> to vector<16xf32>
      %swap3A_689 = vector.shape_cast %broadcast_in_dim3A_3 : vector<16xf32> to vector<1x16xf32>
      tpu.vector_store %arg8[%swap3A_685, %swap3A_686], %swap3A_689 {strides = array<i32>} : memref<8x128xf32, #tpu.memory_space<vmem>>, vector<1x16xf32>,
    }
    %scan3A_7 = arith.constant 8 : i32
    %scan3A_8 = arith.constant 0 : i32
    %scan3A_9 = arith.constant 78 : i32
    %scan3A_10 = arith.addi %scan3A_8, %scan3A_9 : i32
    %scan3A_11 = arith.constant 1 : i32
    scf.for %scan3A_646 = %scan3A_8 to %scan3A_10 step %scan3A_11  : i32 {
      %mul3A_647 = arith.constant 1 : i32
      %mul3A_648 = arith.muli %scan3A_646, %mul3A_647 : i32
      %add3A_649 = arith.constant 0 : i32
      %add3A_650 = arith.addi %add3A_649, %mul3A_648 : i32
      %mul3A_651 = arith.constant 624 : i32
      %mul3A_652 = arith.muli %arg1, %mul3A_651 : i32
      %mul3A_653 = arith.constant 8 : i32
      %mul3A_654 = arith.muli %add3A_650, %mul3A_653 : i32
      %add3A_655 = arith.addi %mul3A_652, %mul3A_654 : i32
      %dma_start3A_656 = arith.constant 0 : i32
      %dma_start3A_657 = arith.constant 0 : i32
      %dma_start3A_658 = tpu.memref_slice %arg9[%add3A_655, %dma_start3A_657] : memref<10000x128xf32, #tpu.memory_space<vmem_shared>> -> memref<8x128xf32, #tpu.memory_space<vmem_shared>>
      %dma_start3A_659 = tpu.memref_slice %arg11[%dma_start3A_656] : memref<4x!tpu.dma_semaphore, #tpu.memory_space<semaphore_mem>> -> memref<1x!tpu.dma_semaphore, #tpu.memory_space<semaphore_mem>>
      %dma_start3A_660 = tpu.memref_squeeze %dma_start3A_659 : memref<1x!tpu.dma_semaphore, #tpu.memory_space<semaphore_mem>> -> memref<!tpu.dma_semaphore, #tpu.memory_space<semaphore_mem>>
      %dma_start3A_661 = arith.constant 0 : i32
      %dma_start3A_662 = tpu.memref_slice %arg9[%add3A_655, %dma_start3A_661] : memref<10000x128xf32, #tpu.memory_space<vmem_shared>> -> memref<8x128xf32, #tpu.memory_space<vmem_shared>>
      tpu.enqueue_dma source(%arg8 : memref<8x128xf32, #tpu.memory_space<vmem>>) target(%dma_start3A_662 : memref<8x128xf32, #tpu.memory_space<vmem_shared>>) target_semaphore(%dma_start3A_660 : memref<!tpu.dma_semaphore, #tpu.memory_space<semaphore_mem>>)
    }
    %scan3A_12 = arith.constant 78 : i32
    %eq3A = arith.constant 15 : i32
    %eq3A_13 = arith.cmpi eq, %arg1, %eq3A : i32
    %convert_element_type3A = arith.extui %eq3A_13 : i1 to i32
    %cond3A = arith.constant 0 : i32
    %cond3A_14 = arith.cmpi ne, %convert_element_type3A, %cond3A : i32
    scf.if %cond3A_14 {
      %dma_start3A_646 = arith.constant 0 : i32
      %dma_start3A_647 = arith.constant 9984 : i32
      %dma_start3A_648 = arith.constant 0 : i32
      %dma_start3A_649 = tpu.memref_slice %arg9[%dma_start3A_647, %dma_start3A_648] : memref<10000x128xf32, #tpu.memory_space<vmem_shared>> -> memref<8x128xf32, #tpu.memory_space<vmem_shared>>
      %dma_start3A_650 = tpu.memref_slice %arg11[%dma_start3A_646] : memref<4x!tpu.dma_semaphore, #tpu.memory_space<semaphore_mem>> -> memref<1x!tpu.dma_semaphore, #tpu.memory_space<semaphore_mem>>
      %dma_start3A_651 = tpu.memref_squeeze %dma_start3A_650 : memref<1x!tpu.dma_semaphore, #tpu.memory_space<semaphore_mem>> -> memref<!tpu.dma_semaphore, #tpu.memory_space<semaphore_mem>>
      %dma_start3A_652 = arith.constant 9984 : i32
      %dma_start3A_653 = arith.constant 0 : i32
      %dma_start3A_654 = tpu.memref_slice %arg9[%dma_start3A_652, %dma_start3A_653] : memref<10000x128xf32, #tpu.memory_space<vmem_shared>> -> memref<8x128xf32, #tpu.memory_space<vmem_shared>>
      tpu.enqueue_dma source(%arg8 : memref<8x128xf32, #tpu.memory_space<vmem>>) target(%dma_start3A_654 : memref<8x128xf32, #tpu.memory_space<vmem_shared>>) target_semaphore(%dma_start3A_651 : memref<!tpu.dma_semaphore, #tpu.memory_space<semaphore_mem>>)
      %dma_start3A_655 = arith.constant 0 : i32
      %dma_start3A_656 = arith.constant 9992 : i32
      %dma_start3A_657 = arith.constant 0 : i32
      %dma_start3A_658 = tpu.memref_slice %arg9[%dma_start3A_656, %dma_start3A_657] : memref<10000x128xf32, #tpu.memory_space<vmem_shared>> -> memref<8x128xf32, #tpu.memory_space<vmem_shared>>
      %dma_start3A_659 = tpu.memref_slice %arg11[%dma_start3A_655] : memref<4x!tpu.dma_semaphore, #tpu.memory_space<semaphore_mem>> -> memref<1x!tpu.dma_semaphore, #tpu.memory_space<semaphore_mem>>
      %dma_start3A_660 = tpu.memref_squeeze %dma_start3A_659 : memref<1x!tpu.dma_semaphore, #tpu.memory_space<semaphore_mem>> -> memref<!tpu.dma_semaphore, #tpu.memory_space<semaphore_mem>>
      %dma_start3A_661 = arith.constant 9992 : i32
      %dma_start3A_662 = arith.constant 0 : i32
      %dma_start3A_663 = tpu.memref_slice %arg9[%dma_start3A_661, %dma_start3A_662] : memref<10000x128xf32, #tpu.memory_space<vmem_shared>> -> memref<8x128xf32, #tpu.memory_space<vmem_shared>>
      tpu.enqueue_dma source(%arg8 : memref<8x128xf32, #tpu.memory_space<vmem>>) target(%dma_start3A_663 : memref<8x128xf32, #tpu.memory_space<vmem_shared>>) target_semaphore(%dma_start3A_660 : memref<!tpu.dma_semaphore, #tpu.memory_space<semaphore_mem>>)
    } else {
    }
    %scan3A_15 = arith.constant 0 : i32
    %scan3A_16 = arith.constant 78 : i32
    %scan3A_17 = arith.addi %scan3A_15, %scan3A_16 : i32
    %scan3A_18 = arith.constant 1 : i32
    scf.for %scan3A_646 = %scan3A_15 to %scan3A_17 step %scan3A_18  : i32 {
      %mul3A_647 = arith.constant 1 : i32
      %mul3A_648 = arith.muli %scan3A_646, %mul3A_647 : i32
      %add3A_649 = arith.constant 0 : i32
      %add3A_650 = arith.addi %add3A_649, %mul3A_648 : i32
      %dma_wait3A_651 = arith.constant 0 : i32
      %dma_wait3A_652 = arith.constant 0 : i32
      %dma_wait3A_653 = arith.constant 0 : i32
      %dma_wait3A_654 = tpu.memref_slice %arg9[%dma_wait3A_652, %dma_wait3A_653] : memref<10000x128xf32, #tpu.memory_space<vmem_shared>> -> memref<8x128xf32, #tpu.memory_space<vmem_shared>>
      %dma_wait3A_655 = tpu.memref_slice %arg11[%dma_wait3A_651] : memref<4x!tpu.dma_semaphore, #tpu.memory_space<semaphore_mem>> -> memref<1x!tpu.dma_semaphore, #tpu.memory_space<semaphore_mem>>
      %dma_wait3A_656 = tpu.memref_squeeze %dma_wait3A_655 : memref<1x!tpu.dma_semaphore, #tpu.memory_space<semaphore_mem>> -> memref<!tpu.dma_semaphore, #tpu.memory_space<semaphore_mem>>
      %dma_wait3A_657 = arith.constant 0 : i32
      %dma_wait3A_658 = arith.constant 0 : i32
      %dma_wait3A_659 = tpu.memref_slice %arg9[%dma_wait3A_657, %dma_wait3A_658] : memref<10000x128xf32, #tpu.memory_space<vmem_shared>> -> memref<8x128xf32, #tpu.memory_space<vmem_shared>>
      tpu.wait_dma2 semaphore(%dma_wait3A_656 : memref<!tpu.dma_semaphore, #tpu.memory_space<semaphore_mem>>) src(%arg8 : memref<8x128xf32, #tpu.memory_space<vmem>>) dst(%dma_wait3A_659 : memref<8x128xf32, #tpu.memory_space<vmem_shared>>)
    }
    %scan3A_19 = arith.constant 78 : i32
    %eq3A_20 = arith.constant 15 : i32
    %eq3A_21 = arith.cmpi eq, %arg1, %eq3A_20 : i32
    %convert_element_type3A_22 = arith.extui %eq3A_21 : i1 to i32
    %cond3A_23 = arith.constant 0 : i32
    %cond3A_24 = arith.cmpi ne, %convert_element_type3A_22, %cond3A_23 : i32
    scf.if %cond3A_24 {
      %dma_wait3A_646 = arith.constant 0 : i32
      %dma_wait3A_647 = arith.constant 0 : i32
      %dma_wait3A_648 = arith.constant 0 : i32
      %dma_wait3A_649 = tpu.memref_slice %arg9[%dma_wait3A_647, %dma_wait3A_648] : memref<10000x128xf32, #tpu.memory_space<vmem_shared>> -> memref<8x128xf32, #tpu.memory_space<vmem_shared>>
      %dma_wait3A_650 = tpu.memref_slice %arg11[%dma_wait3A_646] : memref<4x!tpu.dma_semaphore, #tpu.memory_space<semaphore_mem>> -> memref<1x!tpu.dma_semaphore, #tpu.memory_space<semaphore_mem>>
      %dma_wait3A_651 = tpu.memref_squeeze %dma_wait3A_650 : memref<1x!tpu.dma_semaphore, #tpu.memory_space<semaphore_mem>> -> memref<!tpu.dma_semaphore, #tpu.memory_space<semaphore_mem>>
      %dma_wait3A_652 = arith.constant 0 : i32
      %dma_wait3A_653 = arith.constant 0 : i32
      %dma_wait3A_654 = tpu.memref_slice %arg9[%dma_wait3A_652, %dma_wait3A_653] : memref<10000x128xf32, #tpu.memory_space<vmem_shared>> -> memref<8x128xf32, #tpu.memory_space<vmem_shared>>
      tpu.wait_dma2 semaphore(%dma_wait3A_651 : memref<!tpu.dma_semaphore, #tpu.memory_space<semaphore_mem>>) src(%arg8 : memref<8x128xf32, #tpu.memory_space<vmem>>) dst(%dma_wait3A_654 : memref<8x128xf32, #tpu.memory_space<vmem_shared>>)
      %dma_wait3A_655 = arith.constant 0 : i32
      %dma_wait3A_656 = arith.constant 0 : i32
      %dma_wait3A_657 = arith.constant 0 : i32
      %dma_wait3A_658 = tpu.memref_slice %arg9[%dma_wait3A_656, %dma_wait3A_657] : memref<10000x128xf32, #tpu.memory_space<vmem_shared>> -> memref<8x128xf32, #tpu.memory_space<vmem_shared>>
      %dma_wait3A_659 = tpu.memref_slice %arg11[%dma_wait3A_655] : memref<4x!tpu.dma_semaphore, #tpu.memory_space<semaphore_mem>> -> memref<1x!tpu.dma_semaphore, #tpu.memory_space<semaphore_mem>>
      %dma_wait3A_660 = tpu.memref_squeeze %dma_wait3A_659 : memref<1x!tpu.dma_semaphore, #tpu.memory_space<semaphore_mem>> -> memref<!tpu.dma_semaphore, #tpu.memory_space<semaphore_mem>>
      %dma_wait3A_661 = arith.constant 0 : i32
      %dma_wait3A_662 = arith.constant 0 : i32
      %dma_wait3A_663 = tpu.memref_slice %arg9[%dma_wait3A_661, %dma_wait3A_662] : memref<10000x128xf32, #tpu.memory_space<vmem_shared>> -> memref<8x128xf32, #tpu.memory_space<vmem_shared>>
      tpu.wait_dma2 semaphore(%dma_wait3A_660 : memref<!tpu.dma_semaphore, #tpu.memory_space<semaphore_mem>>) src(%arg8 : memref<8x128xf32, #tpu.memory_space<vmem>>) dst(%dma_wait3A_663 : memref<8x128xf32, #tpu.memory_space<vmem_shared>>)
    } else {
    }
    %barrier3A = arith.constant 0 : index
    tpu.barrier barrier_id(%barrier3A)
    %add3A_25 = arith.constant 0 : i32
    %add3A_26 = arith.addi %mul3A_2, %add3A_25 : i32
    %dma_start3A = arith.constant 0 : i32
    %dma_start3A_27 = arith.constant 0 : i32
    %dma_start3A_28 = arith.constant 0 : i32
    %dma_start3A_29 = tpu.memref_slice %arg5[%dma_start3A, %dma_start3A_28] : memref<8x80xi32, #tpu.memory_space<vmem>> -> memref<1x80xi32, #tpu.memory_space<vmem>>
    %dma_start3A_30 = tpu.memref_squeeze %dma_start3A_29 : memref<1x80xi32, #tpu.memory_space<vmem>> -> memref<80xi32, #tpu.memory_space<vmem>>
    %dma_start3A_31 = tpu.memref_slice %arg3[%add3A_26] : memref<640000xi32, #tpu.memory_space<hbm>> -> memref<80xi32, #tpu.memory_space<hbm>>
    %dma_start3A_32 = tpu.memref_slice %arg10[%dma_start3A_27] : memref<8x!tpu.dma_semaphore, #tpu.memory_space<semaphore_mem>> -> memref<1x!tpu.dma_semaphore, #tpu.memory_space<semaphore_mem>>
    %dma_start3A_33 = tpu.memref_squeeze %dma_start3A_32 : memref<1x!tpu.dma_semaphore, #tpu.memory_space<semaphore_mem>> -> memref<!tpu.dma_semaphore, #tpu.memory_space<semaphore_mem>>
    %dma_start3A_34 = arith.constant 0 : i32
    %dma_start3A_35 = tpu.memref_slice %arg5[%dma_start3A, %dma_start3A_34] : memref<8x80xi32, #tpu.memory_space<vmem>> -> memref<1x80xi32, #tpu.memory_space<vmem>>
    %dma_start3A_36 = tpu.memref_squeeze %dma_start3A_35 : memref<1x80xi32, #tpu.memory_space<vmem>> -> memref<80xi32, #tpu.memory_space<vmem>>
    %dma_start3A_37 = tpu.memref_slice %arg3[%add3A_26] : memref<640000xi32, #tpu.memory_space<hbm>> -> memref<80xi32, #tpu.memory_space<hbm>>
    tpu.enqueue_dma source(%dma_start3A_37 : memref<80xi32, #tpu.memory_space<hbm>>) target(%dma_start3A_36 : memref<80xi32, #tpu.memory_space<vmem>>) target_semaphore(%dma_start3A_33 : memref<!tpu.dma_semaphore, #tpu.memory_space<semaphore_mem>>)
    %add3A_38 = arith.constant 320000 : i32
    %add3A_39 = arith.addi %add3A_38, %add3A_26 : i32
    %dma_start3A_40 = arith.constant 0 : i32
    %dma_start3A_41 = arith.constant 0 : i32
    %dma_start3A_42 = arith.constant 0 : i32
    %dma_start3A_43 = tpu.memref_slice %arg6[%dma_start3A_40, %dma_start3A_42] : memref<8x80xi32, #tpu.memory_space<vmem>> -> memref<1x80xi32, #tpu.memory_space<vmem>>
    %dma_start3A_44 = tpu.memref_squeeze %dma_start3A_43 : memref<1x80xi32, #tpu.memory_space<vmem>> -> memref<80xi32, #tpu.memory_space<vmem>>
    %dma_start3A_45 = tpu.memref_slice %arg3[%add3A_39] : memref<640000xi32, #tpu.memory_space<hbm>> -> memref<80xi32, #tpu.memory_space<hbm>>
    %dma_start3A_46 = tpu.memref_slice %arg10[%dma_start3A_41] : memref<8x!tpu.dma_semaphore, #tpu.memory_space<semaphore_mem>> -> memref<1x!tpu.dma_semaphore, #tpu.memory_space<semaphore_mem>>
    %dma_start3A_47 = tpu.memref_squeeze %dma_start3A_46 : memref<1x!tpu.dma_semaphore, #tpu.memory_space<semaphore_mem>> -> memref<!tpu.dma_semaphore, #tpu.memory_space<semaphore_mem>>
    %dma_start3A_48 = arith.constant 0 : i32
    %dma_start3A_49 = tpu.memref_slice %arg6[%dma_start3A_40, %dma_start3A_48] : memref<8x80xi32, #tpu.memory_space<vmem>> -> memref<1x80xi32, #tpu.memory_space<vmem>>
    %dma_start3A_50 = tpu.memref_squeeze %dma_start3A_49 : memref<1x80xi32, #tpu.memory_space<vmem>> -> memref<80xi32, #tpu.memory_space<vmem>>
    %dma_start3A_51 = tpu.memref_slice %arg3[%add3A_39] : memref<640000xi32, #tpu.memory_space<hbm>> -> memref<80xi32, #tpu.memory_space<hbm>>
    tpu.enqueue_dma source(%dma_start3A_51 : memref<80xi32, #tpu.memory_space<hbm>>) target(%dma_start3A_50 : memref<80xi32, #tpu.memory_space<vmem>>) target_semaphore(%dma_start3A_47 : memref<!tpu.dma_semaphore, #tpu.memory_space<semaphore_mem>>)
    %add3A_52 = arith.constant 80 : i32
    %add3A_53 = arith.addi %mul3A_2, %add3A_52 : i32
    %dma_start3A_54 = arith.constant 1 : i32
    %dma_start3A_55 = arith.constant 1 : i32
    %dma_start3A_56 = arith.constant 0 : i32
    %dma_start3A_57 = tpu.memref_slice %arg5[%dma_start3A_54, %dma_start3A_56] : memref<8x80xi32, #tpu.memory_space<vmem>> -> memref<1x80xi32, #tpu.memory_space<vmem>>
    %dma_start3A_58 = tpu.memref_squeeze %dma_start3A_57 : memref<1x80xi32, #tpu.memory_space<vmem>> -> memref<80xi32, #tpu.memory_space<vmem>>
    %dma_start3A_59 = tpu.memref_slice %arg3[%add3A_53] : memref<640000xi32, #tpu.memory_space<hbm>> -> memref<80xi32, #tpu.memory_space<hbm>>
    %dma_start3A_60 = tpu.memref_slice %arg10[%dma_start3A_55] : memref<8x!tpu.dma_semaphore, #tpu.memory_space<semaphore_mem>> -> memref<1x!tpu.dma_semaphore, #tpu.memory_space<semaphore_mem>>
    %dma_start3A_61 = tpu.memref_squeeze %dma_start3A_60 : memref<1x!tpu.dma_semaphore, #tpu.memory_space<semaphore_mem>> -> memref<!tpu.dma_semaphore, #tpu.memory_space<semaphore_mem>>
    %dma_start3A_62 = arith.constant 0 : i32
    %dma_start3A_63 = tpu.memref_slice %arg5[%dma_start3A_54, %dma_start3A_62] : memref<8x80xi32, #tpu.memory_space<vmem>> -> memref<1x80xi32, #tpu.memory_space<vmem>>
    %dma_start3A_64 = tpu.memref_squeeze %dma_start3A_63 : memref<1x80xi32, #tpu.memory_space<vmem>> -> memref<80xi32, #tpu.memory_space<vmem>>
    %dma_start3A_65 = tpu.memref_slice %arg3[%add3A_53] : memref<640000xi32, #tpu.memory_space<hbm>> -> memref<80xi32, #tpu.memory_space<hbm>>
    tpu.enqueue_dma source(%dma_start3A_65 : memref<80xi32, #tpu.memory_space<hbm>>) target(%dma_start3A_64 : memref<80xi32, #tpu.memory_space<vmem>>) target_semaphore(%dma_start3A_61 : memref<!tpu.dma_semaphore, #tpu.memory_space<semaphore_mem>>)
    %add3A_66 = arith.constant 320000 : i32
    %add3A_67 = arith.addi %add3A_66, %add3A_53 : i32
    %dma_start3A_68 = arith.constant 1 : i32
    %dma_start3A_69 = arith.constant 1 : i32
    %dma_start3A_70 = arith.constant 0 : i32
    %dma_start3A_71 = tpu.memref_slice %arg6[%dma_start3A_68, %dma_start3A_70] : memref<8x80xi32, #tpu.memory_space<vmem>> -> memref<1x80xi32, #tpu.memory_space<vmem>>
    %dma_start3A_72 = tpu.memref_squeeze %dma_start3A_71 : memref<1x80xi32, #tpu.memory_space<vmem>> -> memref<80xi32, #tpu.memory_space<vmem>>
    %dma_start3A_73 = tpu.memref_slice %arg3[%add3A_67] : memref<640000xi32, #tpu.memory_space<hbm>> -> memref<80xi32, #tpu.memory_space<hbm>>
    %dma_start3A_74 = tpu.memref_slice %arg10[%dma_start3A_69] : memref<8x!tpu.dma_semaphore, #tpu.memory_space<semaphore_mem>> -> memref<1x!tpu.dma_semaphore, #tpu.memory_space<semaphore_mem>>
    %dma_start3A_75 = tpu.memref_squeeze %dma_start3A_74 : memref<1x!tpu.dma_semaphore, #tpu.memory_space<semaphore_mem>> -> memref<!tpu.dma_semaphore, #tpu.memory_space<semaphore_mem>>
    %dma_start3A_76 = arith.constant 0 : i32
    %dma_start3A_77 = tpu.memref_slice %arg6[%dma_start3A_68, %dma_start3A_76] : memref<8x80xi32, #tpu.memory_space<vmem>> -> memref<1x80xi32, #tpu.memory_space<vmem>>
    %dma_start3A_78 = tpu.memref_squeeze %dma_start3A_77 : memref<1x80xi32, #tpu.memory_space<vmem>> -> memref<80xi32, #tpu.memory_space<vmem>>
    %dma_start3A_79 = tpu.memref_slice %arg3[%add3A_67] : memref<640000xi32, #tpu.memory_space<hbm>> -> memref<80xi32, #tpu.memory_space<hbm>>
    tpu.enqueue_dma source(%dma_start3A_79 : memref<80xi32, #tpu.memory_space<hbm>>) target(%dma_start3A_78 : memref<80xi32, #tpu.memory_space<vmem>>) target_semaphore(%dma_start3A_75 : memref<!tpu.dma_semaphore, #tpu.memory_space<semaphore_mem>>)
    %add3A_80 = arith.constant 160 : i32
    %add3A_81 = arith.addi %mul3A_2, %add3A_80 : i32
    %dma_start3A_82 = arith.constant 2 : i32
    %dma_start3A_83 = arith.constant 2 : i32
    %dma_start3A_84 = arith.constant 0 : i32
    %dma_start3A_85 = tpu.memref_slice %arg5[%dma_start3A_82, %dma_start3A_84] : memref<8x80xi32, #tpu.memory_space<vmem>> -> memref<1x80xi32, #tpu.memory_space<vmem>>
    %dma_start3A_86 = tpu.memref_squeeze %dma_start3A_85 : memref<1x80xi32, #tpu.memory_space<vmem>> -> memref<80xi32, #tpu.memory_space<vmem>>
    %dma_start3A_87 = tpu.memref_slice %arg3[%add3A_81] : memref<640000xi32, #tpu.memory_space<hbm>> -> memref<80xi32, #tpu.memory_space<hbm>>
    %dma_start3A_88 = tpu.memref_slice %arg10[%dma_start3A_83] : memref<8x!tpu.dma_semaphore, #tpu.memory_space<semaphore_mem>> -> memref<1x!tpu.dma_semaphore, #tpu.memory_space<semaphore_mem>>
    %dma_start3A_89 = tpu.memref_squeeze %dma_start3A_88 : memref<1x!tpu.dma_semaphore, #tpu.memory_space<semaphore_mem>> -> memref<!tpu.dma_semaphore, #tpu.memory_space<semaphore_mem>>
    %dma_start3A_90 = arith.constant 0 : i32
    %dma_start3A_91 = tpu.memref_slice %arg5[%dma_start3A_82, %dma_start3A_90] : memref<8x80xi32, #tpu.memory_space<vmem>> -> memref<1x80xi32, #tpu.memory_space<vmem>>
    %dma_start3A_92 = tpu.memref_squeeze %dma_start3A_91 : memref<1x80xi32, #tpu.memory_space<vmem>> -> memref<80xi32, #tpu.memory_space<vmem>>
    %dma_start3A_93 = tpu.memref_slice %arg3[%add3A_81] : memref<640000xi32, #tpu.memory_space<hbm>> -> memref<80xi32, #tpu.memory_space<hbm>>
    tpu.enqueue_dma source(%dma_start3A_93 : memref<80xi32, #tpu.memory_space<hbm>>) target(%dma_start3A_92 : memref<80xi32, #tpu.memory_space<vmem>>) target_semaphore(%dma_start3A_89 : memref<!tpu.dma_semaphore, #tpu.memory_space<semaphore_mem>>)
    %add3A_94 = arith.constant 320000 : i32
    %add3A_95 = arith.addi %add3A_94, %add3A_81 : i32
    %dma_start3A_96 = arith.constant 2 : i32
    %dma_start3A_97 = arith.constant 2 : i32
    %dma_start3A_98 = arith.constant 0 : i32
    %dma_start3A_99 = tpu.memref_slice %arg6[%dma_start3A_96, %dma_start3A_98] : memref<8x80xi32, #tpu.memory_space<vmem>> -> memref<1x80xi32, #tpu.memory_space<vmem>>
    %dma_start3A_100 = tpu.memref_squeeze %dma_start3A_99 : memref<1x80xi32, #tpu.memory_space<vmem>> -> memref<80xi32, #tpu.memory_space<vmem>>
    %dma_start3A_101 = tpu.memref_slice %arg3[%add3A_95] : memref<640000xi32, #tpu.memory_space<hbm>> -> memref<80xi32, #tpu.memory_space<hbm>>
    %dma_start3A_102 = tpu.memref_slice %arg10[%dma_start3A_97] : memref<8x!tpu.dma_semaphore, #tpu.memory_space<semaphore_mem>> -> memref<1x!tpu.dma_semaphore, #tpu.memory_space<semaphore_mem>>
    %dma_start3A_103 = tpu.memref_squeeze %dma_start3A_102 : memref<1x!tpu.dma_semaphore, #tpu.memory_space<semaphore_mem>> -> memref<!tpu.dma_semaphore, #tpu.memory_space<semaphore_mem>>
    %dma_start3A_104 = arith.constant 0 : i32
    %dma_start3A_105 = tpu.memref_slice %arg6[%dma_start3A_96, %dma_start3A_104] : memref<8x80xi32, #tpu.memory_space<vmem>> -> memref<1x80xi32, #tpu.memory_space<vmem>>
    %dma_start3A_106 = tpu.memref_squeeze %dma_start3A_105 : memref<1x80xi32, #tpu.memory_space<vmem>> -> memref<80xi32, #tpu.memory_space<vmem>>
    %dma_start3A_107 = tpu.memref_slice %arg3[%add3A_95] : memref<640000xi32, #tpu.memory_space<hbm>> -> memref<80xi32, #tpu.memory_space<hbm>>
    tpu.enqueue_dma source(%dma_start3A_107 : memref<80xi32, #tpu.memory_space<hbm>>) target(%dma_start3A_106 : memref<80xi32, #tpu.memory_space<vmem>>) target_semaphore(%dma_start3A_103 : memref<!tpu.dma_semaphore, #tpu.memory_space<semaphore_mem>>)
    %add3A_108 = arith.constant 240 : i32
    %add3A_109 = arith.addi %mul3A_2, %add3A_108 : i32
    %dma_start3A_110 = arith.constant 3 : i32
    %dma_start3A_111 = arith.constant 3 : i32
    %dma_start3A_112 = arith.constant 0 : i32
    %dma_start3A_113 = tpu.memref_slice %arg5[%dma_start3A_110, %dma_start3A_112] : memref<8x80xi32, #tpu.memory_space<vmem>> -> memref<1x80xi32, #tpu.memory_space<vmem>>
    %dma_start3A_114 = tpu.memref_squeeze %dma_start3A_113 : memref<1x80xi32, #tpu.memory_space<vmem>> -> memref<80xi32, #tpu.memory_space<vmem>>
    %dma_start3A_115 = tpu.memref_slice %arg3[%add3A_109] : memref<640000xi32, #tpu.memory_space<hbm>> -> memref<80xi32, #tpu.memory_space<hbm>>
    %dma_start3A_116 = tpu.memref_slice %arg10[%dma_start3A_111] : memref<8x!tpu.dma_semaphore, #tpu.memory_space<semaphore_mem>> -> memref<1x!tpu.dma_semaphore, #tpu.memory_space<semaphore_mem>>
    %dma_start3A_117 = tpu.memref_squeeze %dma_start3A_116 : memref<1x!tpu.dma_semaphore, #tpu.memory_space<semaphore_mem>> -> memref<!tpu.dma_semaphore, #tpu.memory_space<semaphore_mem>>
    %dma_start3A_118 = arith.constant 0 : i32
    %dma_start3A_119 = tpu.memref_slice %arg5[%dma_start3A_110, %dma_start3A_118] : memref<8x80xi32, #tpu.memory_space<vmem>> -> memref<1x80xi32, #tpu.memory_space<vmem>>
    %dma_start3A_120 = tpu.memref_squeeze %dma_start3A_119 : memref<1x80xi32, #tpu.memory_space<vmem>> -> memref<80xi32, #tpu.memory_space<vmem>>
    %dma_start3A_121 = tpu.memref_slice %arg3[%add3A_109] : memref<640000xi32, #tpu.memory_space<hbm>> -> memref<80xi32, #tpu.memory_space<hbm>>
    tpu.enqueue_dma source(%dma_start3A_121 : memref<80xi32, #tpu.memory_space<hbm>>) target(%dma_start3A_120 : memref<80xi32, #tpu.memory_space<vmem>>) target_semaphore(%dma_start3A_117 : memref<!tpu.dma_semaphore, #tpu.memory_space<semaphore_mem>>)
    %add3A_122 = arith.constant 320000 : i32
    %add3A_123 = arith.addi %add3A_122, %add3A_109 : i32
    %dma_start3A_124 = arith.constant 3 : i32
    %dma_start3A_125 = arith.constant 3 : i32
    %dma_start3A_126 = arith.constant 0 : i32
    %dma_start3A_127 = tpu.memref_slice %arg6[%dma_start3A_124, %dma_start3A_126] : memref<8x80xi32, #tpu.memory_space<vmem>> -> memref<1x80xi32, #tpu.memory_space<vmem>>
    %dma_start3A_128 = tpu.memref_squeeze %dma_start3A_127 : memref<1x80xi32, #tpu.memory_space<vmem>> -> memref<80xi32, #tpu.memory_space<vmem>>
    %dma_start3A_129 = tpu.memref_slice %arg3[%add3A_123] : memref<640000xi32, #tpu.memory_space<hbm>> -> memref<80xi32, #tpu.memory_space<hbm>>
    %dma_start3A_130 = tpu.memref_slice %arg10[%dma_start3A_125] : memref<8x!tpu.dma_semaphore, #tpu.memory_space<semaphore_mem>> -> memref<1x!tpu.dma_semaphore, #tpu.memory_space<semaphore_mem>>
    %dma_start3A_131 = tpu.memref_squeeze %dma_start3A_130 : memref<1x!tpu.dma_semaphore, #tpu.memory_space<semaphore_mem>> -> memref<!tpu.dma_semaphore, #tpu.memory_space<semaphore_mem>>
    %dma_start3A_132 = arith.constant 0 : i32
    %dma_start3A_133 = tpu.memref_slice %arg6[%dma_start3A_124, %dma_start3A_132] : memref<8x80xi32, #tpu.memory_space<vmem>> -> memref<1x80xi32, #tpu.memory_space<vmem>>
    %dma_start3A_134 = tpu.memref_squeeze %dma_start3A_133 : memref<1x80xi32, #tpu.memory_space<vmem>> -> memref<80xi32, #tpu.memory_space<vmem>>
    %dma_start3A_135 = tpu.memref_slice %arg3[%add3A_123] : memref<640000xi32, #tpu.memory_space<hbm>> -> memref<80xi32, #tpu.memory_space<hbm>>
    tpu.enqueue_dma source(%dma_start3A_135 : memref<80xi32, #tpu.memory_space<hbm>>) target(%dma_start3A_134 : memref<80xi32, #tpu.memory_space<vmem>>) target_semaphore(%dma_start3A_131 : memref<!tpu.dma_semaphore, #tpu.memory_space<semaphore_mem>>)
    %dma_wait3A = arith.constant 0 : i32
    %dma_wait3A_136 = arith.constant 0 : i32
    %dma_wait3A_137 = arith.constant 0 : i32
    %dma_wait3A_138 = tpu.memref_slice %arg5[%dma_wait3A, %dma_wait3A_137] : memref<8x80xi32, #tpu.memory_space<vmem>> -> memref<1x80xi32, #tpu.memory_space<vmem>>
    %dma_wait3A_139 = tpu.memref_squeeze %dma_wait3A_138 : memref<1x80xi32, #tpu.memory_space<vmem>> -> memref<80xi32, #tpu.memory_space<vmem>>
    %dma_wait3A_140 = arith.constant 0 : i32
    %dma_wait3A_141 = tpu.memref_slice %arg3[%dma_wait3A_140] : memref<640000xi32, #tpu.memory_space<hbm>> -> memref<80xi32, #tpu.memory_space<hbm>>
    %dma_wait3A_142 = tpu.memref_slice %arg10[%dma_wait3A_136] : memref<8x!tpu.dma_semaphore, #tpu.memory_space<semaphore_mem>> -> memref<1x!tpu.dma_semaphore, #tpu.memory_space<semaphore_mem>>
    %dma_wait3A_143 = tpu.memref_squeeze %dma_wait3A_142 : memref<1x!tpu.dma_semaphore, #tpu.memory_space<semaphore_mem>> -> memref<!tpu.dma_semaphore, #tpu.memory_space<semaphore_mem>>
    %dma_wait3A_144 = arith.constant 0 : i32
    %dma_wait3A_145 = tpu.memref_slice %arg5[%dma_wait3A, %dma_wait3A_144] : memref<8x80xi32, #tpu.memory_space<vmem>> -> memref<1x80xi32, #tpu.memory_space<vmem>>
    %dma_wait3A_146 = tpu.memref_squeeze %dma_wait3A_145 : memref<1x80xi32, #tpu.memory_space<vmem>> -> memref<80xi32, #tpu.memory_space<vmem>>
    %dma_wait3A_147 = arith.constant 0 : i32
    %dma_wait3A_148 = tpu.memref_slice %arg3[%dma_wait3A_147] : memref<640000xi32, #tpu.memory_space<hbm>> -> memref<80xi32, #tpu.memory_space<hbm>>
    tpu.wait_dma2 semaphore(%dma_wait3A_143 : memref<!tpu.dma_semaphore, #tpu.memory_space<semaphore_mem>>) src(%dma_wait3A_148 : memref<80xi32, #tpu.memory_space<hbm>>) dst(%dma_wait3A_146 : memref<80xi32, #tpu.memory_space<vmem>>)
    %dma_wait3A_149 = arith.constant 0 : i32
    %dma_wait3A_150 = arith.constant 0 : i32
    %dma_wait3A_151 = arith.constant 0 : i32
    %dma_wait3A_152 = tpu.memref_slice %arg6[%dma_wait3A_149, %dma_wait3A_151] : memref<8x80xi32, #tpu.memory_space<vmem>> -> memref<1x80xi32, #tpu.memory_space<vmem>>
    %dma_wait3A_153 = tpu.memref_squeeze %dma_wait3A_152 : memref<1x80xi32, #tpu.memory_space<vmem>> -> memref<80xi32, #tpu.memory_space<vmem>>
    %dma_wait3A_154 = arith.constant 0 : i32
    %dma_wait3A_155 = tpu.memref_slice %arg3[%dma_wait3A_154] : memref<640000xi32, #tpu.memory_space<hbm>> -> memref<80xi32, #tpu.memory_space<hbm>>
    %dma_wait3A_156 = tpu.memref_slice %arg10[%dma_wait3A_150] : memref<8x!tpu.dma_semaphore, #tpu.memory_space<semaphore_mem>> -> memref<1x!tpu.dma_semaphore, #tpu.memory_space<semaphore_mem>>
    %dma_wait3A_157 = tpu.memref_squeeze %dma_wait3A_156 : memref<1x!tpu.dma_semaphore, #tpu.memory_space<semaphore_mem>> -> memref<!tpu.dma_semaphore, #tpu.memory_space<semaphore_mem>>
    %dma_wait3A_158 = arith.constant 0 : i32
    %dma_wait3A_159 = tpu.memref_slice %arg6[%dma_wait3A_149, %dma_wait3A_158] : memref<8x80xi32, #tpu.memory_space<vmem>> -> memref<1x80xi32, #tpu.memory_space<vmem>>
    %dma_wait3A_160 = tpu.memref_squeeze %dma_wait3A_159 : memref<1x80xi32, #tpu.memory_space<vmem>> -> memref<80xi32, #tpu.memory_space<vmem>>
    %dma_wait3A_161 = arith.constant 0 : i32
    %dma_wait3A_162 = tpu.memref_slice %arg3[%dma_wait3A_161] : memref<640000xi32, #tpu.memory_space<hbm>> -> memref<80xi32, #tpu.memory_space<hbm>>
    tpu.wait_dma2 semaphore(%dma_wait3A_157 : memref<!tpu.dma_semaphore, #tpu.memory_space<semaphore_mem>>) src(%dma_wait3A_162 : memref<80xi32, #tpu.memory_space<hbm>>) dst(%dma_wait3A_160 : memref<80xi32, #tpu.memory_space<vmem>>)
    %dma_start3A_163 = arith.constant 0 : i32
    %dma_start3A_164 = arith.constant 0 : i32
    %dma_start3A_165 = arith.constant 0 : i32
    %dma_start3A_166 = arith.constant 0 : i32
    %dma_start3A_167 = arith.constant 0 : i32
    %dma_start3A_168 = tpu.memref_slice %arg7[%dma_start3A_164, %dma_start3A_166, %dma_start3A_167] : memref<4x80x128xf32, #tpu.memory_space<vmem>> -> memref<1x80x128xf32, #tpu.memory_space<vmem>>
    %dma_start3A_169 = tpu.memref_squeeze %dma_start3A_168 : memref<1x80x128xf32, #tpu.memory_space<vmem>> -> memref<80x128xf32, #tpu.memory_space<vmem>>
    %dma_start3A_170 = arith.constant 0 : i32
    %dma_start3A_171 = tpu.memref_slice %arg5[%dma_start3A_163, %dma_start3A_170] : memref<8x80xi32, #tpu.memory_space<vmem>> -> memref<1x80xi32, #tpu.memory_space<vmem>>
    %dma_start3A_172 = tpu.memref_squeeze %dma_start3A_171 : memref<1x80xi32, #tpu.memory_space<vmem>> -> memref<80xi32, #tpu.memory_space<vmem>>
    %dma_start3A_173 = arith.constant 0 : i32
    %dma_start3A_174 = arith.constant 0 : i32
    %dma_start3A_175 = tpu.memref_slice %arg2[%dma_start3A_173, %dma_start3A_174] : memref<10000x128xf32, #tpu.memory_space<hbm>> -> memref<10000x128xf32, #tpu.memory_space<hbm>>
    %dma_start3A_176 = tpu.memref_slice %arg11[%dma_start3A_165] : memref<4x!tpu.dma_semaphore, #tpu.memory_space<semaphore_mem>> -> memref<1x!tpu.dma_semaphore, #tpu.memory_space<semaphore_mem>>
    %dma_start3A_177 = tpu.memref_squeeze %dma_start3A_176 : memref<1x!tpu.dma_semaphore, #tpu.memory_space<semaphore_mem>> -> memref<!tpu.dma_semaphore, #tpu.memory_space<semaphore_mem>>
    tpu.enqueue_indirect_dma source(%dma_start3A_175 : memref<10000x128xf32, #tpu.memory_space<hbm>>) target(%dma_start3A_169 : memref<80x128xf32, #tpu.memory_space<vmem>>) offsets(%dma_start3A_172 : memref<80xi32, #tpu.memory_space<vmem>>) semaphore(%dma_start3A_177 : memref<!tpu.dma_semaphore, #tpu.memory_space<semaphore_mem>>)
    %dma_wait3A_178 = arith.constant 1 : i32
    %dma_wait3A_179 = arith.constant 1 : i32
    %dma_wait3A_180 = arith.constant 0 : i32
    %dma_wait3A_181 = tpu.memref_slice %arg5[%dma_wait3A_178, %dma_wait3A_180] : memref<8x80xi32, #tpu.memory_space<vmem>> -> memref<1x80xi32, #tpu.memory_space<vmem>>
    %dma_wait3A_182 = tpu.memref_squeeze %dma_wait3A_181 : memref<1x80xi32, #tpu.memory_space<vmem>> -> memref<80xi32, #tpu.memory_space<vmem>>
    %dma_wait3A_183 = arith.constant 0 : i32
    %dma_wait3A_184 = tpu.memref_slice %arg3[%dma_wait3A_183] : memref<640000xi32, #tpu.memory_space<hbm>> -> memref<80xi32, #tpu.memory_space<hbm>>
    %dma_wait3A_185 = tpu.memref_slice %arg10[%dma_wait3A_179] : memref<8x!tpu.dma_semaphore, #tpu.memory_space<semaphore_mem>> -> memref<1x!tpu.dma_semaphore, #tpu.memory_space<semaphore_mem>>
    %dma_wait3A_186 = tpu.memref_squeeze %dma_wait3A_185 : memref<1x!tpu.dma_semaphore, #tpu.memory_space<semaphore_mem>> -> memref<!tpu.dma_semaphore, #tpu.memory_space<semaphore_mem>>
    %dma_wait3A_187 = arith.constant 0 : i32
    %dma_wait3A_188 = tpu.memref_slice %arg5[%dma_wait3A_178, %dma_wait3A_187] : memref<8x80xi32, #tpu.memory_space<vmem>> -> memref<1x80xi32, #tpu.memory_space<vmem>>
    %dma_wait3A_189 = tpu.memref_squeeze %dma_wait3A_188 : memref<1x80xi32, #tpu.memory_space<vmem>> -> memref<80xi32, #tpu.memory_space<vmem>>
    %dma_wait3A_190 = arith.constant 0 : i32
    %dma_wait3A_191 = tpu.memref_slice %arg3[%dma_wait3A_190] : memref<640000xi32, #tpu.memory_space<hbm>> -> memref<80xi32, #tpu.memory_space<hbm>>
    tpu.wait_dma2 semaphore(%dma_wait3A_186 : memref<!tpu.dma_semaphore, #tpu.memory_space<semaphore_mem>>) src(%dma_wait3A_191 : memref<80xi32, #tpu.memory_space<hbm>>) dst(%dma_wait3A_189 : memref<80xi32, #tpu.memory_space<vmem>>)
    %dma_wait3A_192 = arith.constant 1 : i32
    %dma_wait3A_193 = arith.constant 1 : i32
    %dma_wait3A_194 = arith.constant 0 : i32
    %dma_wait3A_195 = tpu.memref_slice %arg6[%dma_wait3A_192, %dma_wait3A_194] : memref<8x80xi32, #tpu.memory_space<vmem>> -> memref<1x80xi32, #tpu.memory_space<vmem>>
    %dma_wait3A_196 = tpu.memref_squeeze %dma_wait3A_195 : memref<1x80xi32, #tpu.memory_space<vmem>> -> memref<80xi32, #tpu.memory_space<vmem>>
    %dma_wait3A_197 = arith.constant 0 : i32
    %dma_wait3A_198 = tpu.memref_slice %arg3[%dma_wait3A_197] : memref<640000xi32, #tpu.memory_space<hbm>> -> memref<80xi32, #tpu.memory_space<hbm>>
    %dma_wait3A_199 = tpu.memref_slice %arg10[%dma_wait3A_193] : memref<8x!tpu.dma_semaphore, #tpu.memory_space<semaphore_mem>> -> memref<1x!tpu.dma_semaphore, #tpu.memory_space<semaphore_mem>>
    %dma_wait3A_200 = tpu.memref_squeeze %dma_wait3A_199 : memref<1x!tpu.dma_semaphore, #tpu.memory_space<semaphore_mem>> -> memref<!tpu.dma_semaphore, #tpu.memory_space<semaphore_mem>>
    %dma_wait3A_201 = arith.constant 0 : i32
    %dma_wait3A_202 = tpu.memref_slice %arg6[%dma_wait3A_192, %dma_wait3A_201] : memref<8x80xi32, #tpu.memory_space<vmem>> -> memref<1x80xi32, #tpu.memory_space<vmem>>
    %dma_wait3A_203 = tpu.memref_squeeze %dma_wait3A_202 : memref<1x80xi32, #tpu.memory_space<vmem>> -> memref<80xi32, #tpu.memory_space<vmem>>
    %dma_wait3A_204 = arith.constant 0 : i32
    %dma_wait3A_205 = tpu.memref_slice %arg3[%dma_wait3A_204] : memref<640000xi32, #tpu.memory_space<hbm>> -> memref<80xi32, #tpu.memory_space<hbm>>
    tpu.wait_dma2 semaphore(%dma_wait3A_200 : memref<!tpu.dma_semaphore, #tpu.memory_space<semaphore_mem>>) src(%dma_wait3A_205 : memref<80xi32, #tpu.memory_space<hbm>>) dst(%dma_wait3A_203 : memref<80xi32, #tpu.memory_space<vmem>>)
    %dma_start3A_206 = arith.constant 1 : i32
    %dma_start3A_207 = arith.constant 1 : i32
    %dma_start3A_208 = arith.constant 1 : i32
    %dma_start3A_209 = arith.constant 0 : i32
    %dma_start3A_210 = arith.constant 0 : i32
    %dma_start3A_211 = tpu.memref_slice %arg7[%dma_start3A_207, %dma_start3A_209, %dma_start3A_210] : memref<4x80x128xf32, #tpu.memory_space<vmem>> -> memref<1x80x128xf32, #tpu.memory_space<vmem>>
    %dma_start3A_212 = tpu.memref_squeeze %dma_start3A_211 : memref<1x80x128xf32, #tpu.memory_space<vmem>> -> memref<80x128xf32, #tpu.memory_space<vmem>>
    %dma_start3A_213 = arith.constant 0 : i32
    %dma_start3A_214 = tpu.memref_slice %arg5[%dma_start3A_206, %dma_start3A_213] : memref<8x80xi32, #tpu.memory_space<vmem>> -> memref<1x80xi32, #tpu.memory_space<vmem>>
    %dma_start3A_215 = tpu.memref_squeeze %dma_start3A_214 : memref<1x80xi32, #tpu.memory_space<vmem>> -> memref<80xi32, #tpu.memory_space<vmem>>
    %dma_start3A_216 = arith.constant 0 : i32
    %dma_start3A_217 = arith.constant 0 : i32
    %dma_start3A_218 = tpu.memref_slice %arg2[%dma_start3A_216, %dma_start3A_217] : memref<10000x128xf32, #tpu.memory_space<hbm>> -> memref<10000x128xf32, #tpu.memory_space<hbm>>
    %dma_start3A_219 = tpu.memref_slice %arg11[%dma_start3A_208] : memref<4x!tpu.dma_semaphore, #tpu.memory_space<semaphore_mem>> -> memref<1x!tpu.dma_semaphore, #tpu.memory_space<semaphore_mem>>
    %dma_start3A_220 = tpu.memref_squeeze %dma_start3A_219 : memref<1x!tpu.dma_semaphore, #tpu.memory_space<semaphore_mem>> -> memref<!tpu.dma_semaphore, #tpu.memory_space<semaphore_mem>>
    tpu.enqueue_indirect_dma source(%dma_start3A_218 : memref<10000x128xf32, #tpu.memory_space<hbm>>) target(%dma_start3A_212 : memref<80x128xf32, #tpu.memory_space<vmem>>) offsets(%dma_start3A_215 : memref<80xi32, #tpu.memory_space<vmem>>) semaphore(%dma_start3A_220 : memref<!tpu.dma_semaphore, #tpu.memory_space<semaphore_mem>>)
    %dma_wait3A_221 = arith.constant 0 : i32
    %dma_wait3A_222 = arith.constant 0 : i32
    %dma_wait3A_223 = arith.constant 0 : i32
    %dma_wait3A_224 = arith.constant 0 : i32
    %dma_wait3A_225 = arith.constant 0 : i32
    %dma_wait3A_226 = tpu.memref_slice %arg7[%dma_wait3A_222, %dma_wait3A_224, %dma_wait3A_225] : memref<4x80x128xf32, #tpu.memory_space<vmem>> -> memref<1x80x128xf32, #tpu.memory_space<vmem>>
    %dma_wait3A_227 = tpu.memref_squeeze %dma_wait3A_226 : memref<1x80x128xf32, #tpu.memory_space<vmem>> -> memref<80x128xf32, #tpu.memory_space<vmem>>
    %dma_wait3A_228 = arith.constant 0 : i32
    %dma_wait3A_229 = tpu.memref_slice %arg5[%dma_wait3A_221, %dma_wait3A_228] : memref<8x80xi32, #tpu.memory_space<vmem>> -> memref<1x80xi32, #tpu.memory_space<vmem>>
    %dma_wait3A_230 = tpu.memref_squeeze %dma_wait3A_229 : memref<1x80xi32, #tpu.memory_space<vmem>> -> memref<80xi32, #tpu.memory_space<vmem>>
    %dma_wait3A_231 = arith.constant 0 : i32
    %dma_wait3A_232 = arith.constant 0 : i32
    %dma_wait3A_233 = tpu.memref_slice %arg2[%dma_wait3A_231, %dma_wait3A_232] : memref<10000x128xf32, #tpu.memory_space<hbm>> -> memref<10000x128xf32, #tpu.memory_space<hbm>>
    %dma_wait3A_234 = tpu.memref_slice %arg11[%dma_wait3A_223] : memref<4x!tpu.dma_semaphore, #tpu.memory_space<semaphore_mem>> -> memref<1x!tpu.dma_semaphore, #tpu.memory_space<semaphore_mem>>
    %dma_wait3A_235 = tpu.memref_squeeze %dma_wait3A_234 : memref<1x!tpu.dma_semaphore, #tpu.memory_space<semaphore_mem>> -> memref<!tpu.dma_semaphore, #tpu.memory_space<semaphore_mem>>
    tpu.wait_indirect_dma semaphore(%dma_wait3A_235 : memref<!tpu.dma_semaphore, #tpu.memory_space<semaphore_mem>>) src(%dma_wait3A_233 : memref<10000x128xf32, #tpu.memory_space<hbm>>) dst(%dma_wait3A_227 : memref<80x128xf32, #tpu.memory_space<vmem>>)
    %dma_start3A_236 = arith.constant 0 : i32
    %dma_start3A_237 = arith.constant 0 : i32
    %dma_start3A_238 = arith.constant 0 : i32
    %dma_start3A_239 = arith.constant 0 : i32
    %dma_start3A_240 = arith.constant 0 : i32
    %dma_start3A_241 = tpu.memref_slice %arg7[%dma_start3A_236, %dma_start3A_239, %dma_start3A_240] : memref<4x80x128xf32, #tpu.memory_space<vmem>> -> memref<1x80x128xf32, #tpu.memory_space<vmem>>
    %dma_start3A_242 = tpu.memref_squeeze %dma_start3A_241 : memref<1x80x128xf32, #tpu.memory_space<vmem>> -> memref<80x128xf32, #tpu.memory_space<vmem>>
    %dma_start3A_243 = arith.constant 0 : i32
    %dma_start3A_244 = tpu.memref_slice %arg6[%dma_start3A_237, %dma_start3A_243] : memref<8x80xi32, #tpu.memory_space<vmem>> -> memref<1x80xi32, #tpu.memory_space<vmem>>
    %dma_start3A_245 = tpu.memref_squeeze %dma_start3A_244 : memref<1x80xi32, #tpu.memory_space<vmem>> -> memref<80xi32, #tpu.memory_space<vmem>>
    %dma_start3A_246 = arith.constant 0 : i32
    %dma_start3A_247 = arith.constant 0 : i32
    %dma_start3A_248 = tpu.memref_slice %arg9[%dma_start3A_246, %dma_start3A_247] : memref<10000x128xf32, #tpu.memory_space<vmem_shared>> -> memref<10000x128xf32, #tpu.memory_space<vmem_shared>>
    %dma_start3A_249 = tpu.memref_slice %arg12[%dma_start3A_238] : memref<4x!tpu.dma_semaphore, #tpu.memory_space<semaphore_mem>> -> memref<1x!tpu.dma_semaphore, #tpu.memory_space<semaphore_mem>>
    %dma_start3A_250 = tpu.memref_squeeze %dma_start3A_249 : memref<1x!tpu.dma_semaphore, #tpu.memory_space<semaphore_mem>> -> memref<!tpu.dma_semaphore, #tpu.memory_space<semaphore_mem>>
    tpu.enqueue_indirect_dma source(%dma_start3A_242 : memref<80x128xf32, #tpu.memory_space<vmem>>) target(%dma_start3A_248 : memref<10000x128xf32, #tpu.memory_space<vmem_shared>>) offsets(%dma_start3A_245 : memref<80xi32, #tpu.memory_space<vmem>>) semaphore(%dma_start3A_250 : memref<!tpu.dma_semaphore, #tpu.memory_space<semaphore_mem>>) {add = true}
    %dma_wait3A_251 = arith.constant 2 : i32
    %dma_wait3A_252 = arith.constant 2 : i32
    %dma_wait3A_253 = arith.constant 0 : i32
    %dma_wait3A_254 = tpu.memref_slice %arg5[%dma_wait3A_251, %dma_wait3A_253] : memref<8x80xi32, #tpu.memory_space<vmem>> -> memref<1x80xi32, #tpu.memory_space<vmem>>
    %dma_wait3A_255 = tpu.memref_squeeze %dma_wait3A_254 : memref<1x80xi32, #tpu.memory_space<vmem>> -> memref<80xi32, #tpu.memory_space<vmem>>
    %dma_wait3A_256 = arith.constant 0 : i32
    %dma_wait3A_257 = tpu.memref_slice %arg3[%dma_wait3A_256] : memref<640000xi32, #tpu.memory_space<hbm>> -> memref<80xi32, #tpu.memory_space<hbm>>
    %dma_wait3A_258 = tpu.memref_slice %arg10[%dma_wait3A_252] : memref<8x!tpu.dma_semaphore, #tpu.memory_space<semaphore_mem>> -> memref<1x!tpu.dma_semaphore, #tpu.memory_space<semaphore_mem>>
    %dma_wait3A_259 = tpu.memref_squeeze %dma_wait3A_258 : memref<1x!tpu.dma_semaphore, #tpu.memory_space<semaphore_mem>> -> memref<!tpu.dma_semaphore, #tpu.memory_space<semaphore_mem>>
    %dma_wait3A_260 = arith.constant 0 : i32
    %dma_wait3A_261 = tpu.memref_slice %arg5[%dma_wait3A_251, %dma_wait3A_260] : memref<8x80xi32, #tpu.memory_space<vmem>> -> memref<1x80xi32, #tpu.memory_space<vmem>>
    %dma_wait3A_262 = tpu.memref_squeeze %dma_wait3A_261 : memref<1x80xi32, #tpu.memory_space<vmem>> -> memref<80xi32, #tpu.memory_space<vmem>>
    %dma_wait3A_263 = arith.constant 0 : i32
    %dma_wait3A_264 = tpu.memref_slice %arg3[%dma_wait3A_263] : memref<640000xi32, #tpu.memory_space<hbm>> -> memref<80xi32, #tpu.memory_space<hbm>>
    tpu.wait_dma2 semaphore(%dma_wait3A_259 : memref<!tpu.dma_semaphore, #tpu.memory_space<semaphore_mem>>) src(%dma_wait3A_264 : memref<80xi32, #tpu.memory_space<hbm>>) dst(%dma_wait3A_262 : memref<80xi32, #tpu.memory_space<vmem>>)
    %dma_wait3A_265 = arith.constant 2 : i32
    %dma_wait3A_266 = arith.constant 2 : i32
    %dma_wait3A_267 = arith.constant 0 : i32
    %dma_wait3A_268 = tpu.memref_slice %arg6[%dma_wait3A_265, %dma_wait3A_267] : memref<8x80xi32, #tpu.memory_space<vmem>> -> memref<1x80xi32, #tpu.memory_space<vmem>>
    %dma_wait3A_269 = tpu.memref_squeeze %dma_wait3A_268 : memref<1x80xi32, #tpu.memory_space<vmem>> -> memref<80xi32, #tpu.memory_space<vmem>>
    %dma_wait3A_270 = arith.constant 0 : i32
    %dma_wait3A_271 = tpu.memref_slice %arg3[%dma_wait3A_270] : memref<640000xi32, #tpu.memory_space<hbm>> -> memref<80xi32, #tpu.memory_space<hbm>>
    %dma_wait3A_272 = tpu.memref_slice %arg10[%dma_wait3A_266] : memref<8x!tpu.dma_semaphore, #tpu.memory_space<semaphore_mem>> -> memref<1x!tpu.dma_semaphore, #tpu.memory_space<semaphore_mem>>
    %dma_wait3A_273 = tpu.memref_squeeze %dma_wait3A_272 : memref<1x!tpu.dma_semaphore, #tpu.memory_space<semaphore_mem>> -> memref<!tpu.dma_semaphore, #tpu.memory_space<semaphore_mem>>
    %dma_wait3A_274 = arith.constant 0 : i32
    %dma_wait3A_275 = tpu.memref_slice %arg6[%dma_wait3A_265, %dma_wait3A_274] : memref<8x80xi32, #tpu.memory_space<vmem>> -> memref<1x80xi32, #tpu.memory_space<vmem>>
    %dma_wait3A_276 = tpu.memref_squeeze %dma_wait3A_275 : memref<1x80xi32, #tpu.memory_space<vmem>> -> memref<80xi32, #tpu.memory_space<vmem>>
    %dma_wait3A_277 = arith.constant 0 : i32
    %dma_wait3A_278 = tpu.memref_slice %arg3[%dma_wait3A_277] : memref<640000xi32, #tpu.memory_space<hbm>> -> memref<80xi32, #tpu.memory_space<hbm>>
    tpu.wait_dma2 semaphore(%dma_wait3A_273 : memref<!tpu.dma_semaphore, #tpu.memory_space<semaphore_mem>>) src(%dma_wait3A_278 : memref<80xi32, #tpu.memory_space<hbm>>) dst(%dma_wait3A_276 : memref<80xi32, #tpu.memory_space<vmem>>)
    %dma_start3A_279 = arith.constant 2 : i32
    %dma_start3A_280 = arith.constant 2 : i32
    %dma_start3A_281 = arith.constant 2 : i32
    %dma_start3A_282 = arith.constant 0 : i32
    %dma_start3A_283 = arith.constant 0 : i32
    %dma_start3A_284 = tpu.memref_slice %arg7[%dma_start3A_280, %dma_start3A_282, %dma_start3A_283] : memref<4x80x128xf32, #tpu.memory_space<vmem>> -> memref<1x80x128xf32, #tpu.memory_space<vmem>>
    %dma_start3A_285 = tpu.memref_squeeze %dma_start3A_284 : memref<1x80x128xf32, #tpu.memory_space<vmem>> -> memref<80x128xf32, #tpu.memory_space<vmem>>
    %dma_start3A_286 = arith.constant 0 : i32
    %dma_start3A_287 = tpu.memref_slice %arg5[%dma_start3A_279, %dma_start3A_286] : memref<8x80xi32, #tpu.memory_space<vmem>> -> memref<1x80xi32, #tpu.memory_space<vmem>>
    %dma_start3A_288 = tpu.memref_squeeze %dma_start3A_287 : memref<1x80xi32, #tpu.memory_space<vmem>> -> memref<80xi32, #tpu.memory_space<vmem>>
    %dma_start3A_289 = arith.constant 0 : i32
    %dma_start3A_290 = arith.constant 0 : i32
    %dma_start3A_291 = tpu.memref_slice %arg2[%dma_start3A_289, %dma_start3A_290] : memref<10000x128xf32, #tpu.memory_space<hbm>> -> memref<10000x128xf32, #tpu.memory_space<hbm>>
    %dma_start3A_292 = tpu.memref_slice %arg11[%dma_start3A_281] : memref<4x!tpu.dma_semaphore, #tpu.memory_space<semaphore_mem>> -> memref<1x!tpu.dma_semaphore, #tpu.memory_space<semaphore_mem>>
    %dma_start3A_293 = tpu.memref_squeeze %dma_start3A_292 : memref<1x!tpu.dma_semaphore, #tpu.memory_space<semaphore_mem>> -> memref<!tpu.dma_semaphore, #tpu.memory_space<semaphore_mem>>
    tpu.enqueue_indirect_dma source(%dma_start3A_291 : memref<10000x128xf32, #tpu.memory_space<hbm>>) target(%dma_start3A_285 : memref<80x128xf32, #tpu.memory_space<vmem>>) offsets(%dma_start3A_288 : memref<80xi32, #tpu.memory_space<vmem>>) semaphore(%dma_start3A_293 : memref<!tpu.dma_semaphore, #tpu.memory_space<semaphore_mem>>)
    %add3A_294 = arith.constant 320 : i32
    %add3A_295 = arith.addi %mul3A_2, %add3A_294 : i32
    %dma_start3A_296 = arith.constant 4 : i32
    %dma_start3A_297 = arith.constant 4 : i32
    %dma_start3A_298 = arith.constant 0 : i32
    %dma_start3A_299 = tpu.memref_slice %arg5[%dma_start3A_296, %dma_start3A_298] : memref<8x80xi32, #tpu.memory_space<vmem>> -> memref<1x80xi32, #tpu.memory_space<vmem>>
    %dma_start3A_300 = tpu.memref_squeeze %dma_start3A_299 : memref<1x80xi32, #tpu.memory_space<vmem>> -> memref<80xi32, #tpu.memory_space<vmem>>
    %dma_start3A_301 = tpu.memref_slice %arg3[%add3A_295] : memref<640000xi32, #tpu.memory_space<hbm>> -> memref<80xi32, #tpu.memory_space<hbm>>
    %dma_start3A_302 = tpu.memref_slice %arg10[%dma_start3A_297] : memref<8x!tpu.dma_semaphore, #tpu.memory_space<semaphore_mem>> -> memref<1x!tpu.dma_semaphore, #tpu.memory_space<semaphore_mem>>
    %dma_start3A_303 = tpu.memref_squeeze %dma_start3A_302 : memref<1x!tpu.dma_semaphore, #tpu.memory_space<semaphore_mem>> -> memref<!tpu.dma_semaphore, #tpu.memory_space<semaphore_mem>>
    %dma_start3A_304 = arith.constant 0 : i32
    %dma_start3A_305 = tpu.memref_slice %arg5[%dma_start3A_296, %dma_start3A_304] : memref<8x80xi32, #tpu.memory_space<vmem>> -> memref<1x80xi32, #tpu.memory_space<vmem>>
    %dma_start3A_306 = tpu.memref_squeeze %dma_start3A_305 : memref<1x80xi32, #tpu.memory_space<vmem>> -> memref<80xi32, #tpu.memory_space<vmem>>
    %dma_start3A_307 = tpu.memref_slice %arg3[%add3A_295] : memref<640000xi32, #tpu.memory_space<hbm>> -> memref<80xi32, #tpu.memory_space<hbm>>
    tpu.enqueue_dma source(%dma_start3A_307 : memref<80xi32, #tpu.memory_space<hbm>>) target(%dma_start3A_306 : memref<80xi32, #tpu.memory_space<vmem>>) target_semaphore(%dma_start3A_303 : memref<!tpu.dma_semaphore, #tpu.memory_space<semaphore_mem>>)
    %add3A_308 = arith.constant 320000 : i32
    %add3A_309 = arith.addi %add3A_308, %add3A_295 : i32
    %dma_start3A_310 = arith.constant 4 : i32
    %dma_start3A_311 = arith.constant 4 : i32
    %dma_start3A_312 = arith.constant 0 : i32
    %dma_start3A_313 = tpu.memref_slice %arg6[%dma_start3A_310, %dma_start3A_312] : memref<8x80xi32, #tpu.memory_space<vmem>> -> memref<1x80xi32, #tpu.memory_space<vmem>>
    %dma_start3A_314 = tpu.memref_squeeze %dma_start3A_313 : memref<1x80xi32, #tpu.memory_space<vmem>> -> memref<80xi32, #tpu.memory_space<vmem>>
    %dma_start3A_315 = tpu.memref_slice %arg3[%add3A_309] : memref<640000xi32, #tpu.memory_space<hbm>> -> memref<80xi32, #tpu.memory_space<hbm>>
    %dma_start3A_316 = tpu.memref_slice %arg10[%dma_start3A_311] : memref<8x!tpu.dma_semaphore, #tpu.memory_space<semaphore_mem>> -> memref<1x!tpu.dma_semaphore, #tpu.memory_space<semaphore_mem>>
    %dma_start3A_317 = tpu.memref_squeeze %dma_start3A_316 : memref<1x!tpu.dma_semaphore, #tpu.memory_space<semaphore_mem>> -> memref<!tpu.dma_semaphore, #tpu.memory_space<semaphore_mem>>
    %dma_start3A_318 = arith.constant 0 : i32
    %dma_start3A_319 = tpu.memref_slice %arg6[%dma_start3A_310, %dma_start3A_318] : memref<8x80xi32, #tpu.memory_space<vmem>> -> memref<1x80xi32, #tpu.memory_space<vmem>>
    %dma_start3A_320 = tpu.memref_squeeze %dma_start3A_319 : memref<1x80xi32, #tpu.memory_space<vmem>> -> memref<80xi32, #tpu.memory_space<vmem>>
    %dma_start3A_321 = tpu.memref_slice %arg3[%add3A_309] : memref<640000xi32, #tpu.memory_space<hbm>> -> memref<80xi32, #tpu.memory_space<hbm>>
    tpu.enqueue_dma source(%dma_start3A_321 : memref<80xi32, #tpu.memory_space<hbm>>) target(%dma_start3A_320 : memref<80xi32, #tpu.memory_space<vmem>>) target_semaphore(%dma_start3A_317 : memref<!tpu.dma_semaphore, #tpu.memory_space<semaphore_mem>>)
    %dma_wait3A_322 = arith.constant 1 : i32
    %dma_wait3A_323 = arith.constant 1 : i32
    %dma_wait3A_324 = arith.constant 1 : i32
    %dma_wait3A_325 = arith.constant 0 : i32
    %dma_wait3A_326 = arith.constant 0 : i32
    %dma_wait3A_327 = tpu.memref_slice %arg7[%dma_wait3A_323, %dma_wait3A_325, %dma_wait3A_326] : memref<4x80x128xf32, #tpu.memory_space<vmem>> -> memref<1x80x128xf32, #tpu.memory_space<vmem>>
    %dma_wait3A_328 = tpu.memref_squeeze %dma_wait3A_327 : memref<1x80x128xf32, #tpu.memory_space<vmem>> -> memref<80x128xf32, #tpu.memory_space<vmem>>
    %dma_wait3A_329 = arith.constant 0 : i32
    %dma_wait3A_330 = tpu.memref_slice %arg5[%dma_wait3A_322, %dma_wait3A_329] : memref<8x80xi32, #tpu.memory_space<vmem>> -> memref<1x80xi32, #tpu.memory_space<vmem>>
    %dma_wait3A_331 = tpu.memref_squeeze %dma_wait3A_330 : memref<1x80xi32, #tpu.memory_space<vmem>> -> memref<80xi32, #tpu.memory_space<vmem>>
    %dma_wait3A_332 = arith.constant 0 : i32
    %dma_wait3A_333 = arith.constant 0 : i32
    %dma_wait3A_334 = tpu.memref_slice %arg2[%dma_wait3A_332, %dma_wait3A_333] : memref<10000x128xf32, #tpu.memory_space<hbm>> -> memref<10000x128xf32, #tpu.memory_space<hbm>>
    %dma_wait3A_335 = tpu.memref_slice %arg11[%dma_wait3A_324] : memref<4x!tpu.dma_semaphore, #tpu.memory_space<semaphore_mem>> -> memref<1x!tpu.dma_semaphore, #tpu.memory_space<semaphore_mem>>
    %dma_wait3A_336 = tpu.memref_squeeze %dma_wait3A_335 : memref<1x!tpu.dma_semaphore, #tpu.memory_space<semaphore_mem>> -> memref<!tpu.dma_semaphore, #tpu.memory_space<semaphore_mem>>
    tpu.wait_indirect_dma semaphore(%dma_wait3A_336 : memref<!tpu.dma_semaphore, #tpu.memory_space<semaphore_mem>>) src(%dma_wait3A_334 : memref<10000x128xf32, #tpu.memory_space<hbm>>) dst(%dma_wait3A_328 : memref<80x128xf32, #tpu.memory_space<vmem>>)
    %dma_start3A_337 = arith.constant 1 : i32
    %dma_start3A_338 = arith.constant 1 : i32
    %dma_start3A_339 = arith.constant 1 : i32
    %dma_start3A_340 = arith.constant 0 : i32
    %dma_start3A_341 = arith.constant 0 : i32
    %dma_start3A_342 = tpu.memref_slice %arg7[%dma_start3A_337, %dma_start3A_340, %dma_start3A_341] : memref<4x80x128xf32, #tpu.memory_space<vmem>> -> memref<1x80x128xf32, #tpu.memory_space<vmem>>
    %dma_start3A_343 = tpu.memref_squeeze %dma_start3A_342 : memref<1x80x128xf32, #tpu.memory_space<vmem>> -> memref<80x128xf32, #tpu.memory_space<vmem>>
    %dma_start3A_344 = arith.constant 0 : i32
    %dma_start3A_345 = tpu.memref_slice %arg6[%dma_start3A_338, %dma_start3A_344] : memref<8x80xi32, #tpu.memory_space<vmem>> -> memref<1x80xi32, #tpu.memory_space<vmem>>
    %dma_start3A_346 = tpu.memref_squeeze %dma_start3A_345 : memref<1x80xi32, #tpu.memory_space<vmem>> -> memref<80xi32, #tpu.memory_space<vmem>>
    %dma_start3A_347 = arith.constant 0 : i32
    %dma_start3A_348 = arith.constant 0 : i32
    %dma_start3A_349 = tpu.memref_slice %arg9[%dma_start3A_347, %dma_start3A_348] : memref<10000x128xf32, #tpu.memory_space<vmem_shared>> -> memref<10000x128xf32, #tpu.memory_space<vmem_shared>>
    %dma_start3A_350 = tpu.memref_slice %arg12[%dma_start3A_339] : memref<4x!tpu.dma_semaphore, #tpu.memory_space<semaphore_mem>> -> memref<1x!tpu.dma_semaphore, #tpu.memory_space<semaphore_mem>>
    %dma_start3A_351 = tpu.memref_squeeze %dma_start3A_350 : memref<1x!tpu.dma_semaphore, #tpu.memory_space<semaphore_mem>> -> memref<!tpu.dma_semaphore, #tpu.memory_space<semaphore_mem>>
    tpu.enqueue_indirect_dma source(%dma_start3A_343 : memref<80x128xf32, #tpu.memory_space<vmem>>) target(%dma_start3A_349 : memref<10000x128xf32, #tpu.memory_space<vmem_shared>>) offsets(%dma_start3A_346 : memref<80xi32, #tpu.memory_space<vmem>>) semaphore(%dma_start3A_351 : memref<!tpu.dma_semaphore, #tpu.memory_space<semaphore_mem>>) {add = true}
    %dma_wait3A_352 = arith.constant 3 : i32
    %dma_wait3A_353 = arith.constant 3 : i32
    %dma_wait3A_354 = arith.constant 0 : i32
    %dma_wait3A_355 = tpu.memref_slice %arg5[%dma_wait3A_352, %dma_wait3A_354] : memref<8x80xi32, #tpu.memory_space<vmem>> -> memref<1x80xi32, #tpu.memory_space<vmem>>
    %dma_wait3A_356 = tpu.memref_squeeze %dma_wait3A_355 : memref<1x80xi32, #tpu.memory_space<vmem>> -> memref<80xi32, #tpu.memory_space<vmem>>
    %dma_wait3A_357 = arith.constant 0 : i32
    %dma_wait3A_358 = tpu.memref_slice %arg3[%dma_wait3A_357] : memref<640000xi32, #tpu.memory_space<hbm>> -> memref<80xi32, #tpu.memory_space<hbm>>
    %dma_wait3A_359 = tpu.memref_slice %arg10[%dma_wait3A_353] : memref<8x!tpu.dma_semaphore, #tpu.memory_space<semaphore_mem>> -> memref<1x!tpu.dma_semaphore, #tpu.memory_space<semaphore_mem>>
    %dma_wait3A_360 = tpu.memref_squeeze %dma_wait3A_359 : memref<1x!tpu.dma_semaphore, #tpu.memory_space<semaphore_mem>> -> memref<!tpu.dma_semaphore, #tpu.memory_space<semaphore_mem>>
    %dma_wait3A_361 = arith.constant 0 : i32
    %dma_wait3A_362 = tpu.memref_slice %arg5[%dma_wait3A_352, %dma_wait3A_361] : memref<8x80xi32, #tpu.memory_space<vmem>> -> memref<1x80xi32, #tpu.memory_space<vmem>>
    %dma_wait3A_363 = tpu.memref_squeeze %dma_wait3A_362 : memref<1x80xi32, #tpu.memory_space<vmem>> -> memref<80xi32, #tpu.memory_space<vmem>>
    %dma_wait3A_364 = arith.constant 0 : i32
    %dma_wait3A_365 = tpu.memref_slice %arg3[%dma_wait3A_364] : memref<640000xi32, #tpu.memory_space<hbm>> -> memref<80xi32, #tpu.memory_space<hbm>>
    tpu.wait_dma2 semaphore(%dma_wait3A_360 : memref<!tpu.dma_semaphore, #tpu.memory_space<semaphore_mem>>) src(%dma_wait3A_365 : memref<80xi32, #tpu.memory_space<hbm>>) dst(%dma_wait3A_363 : memref<80xi32, #tpu.memory_space<vmem>>)
    %dma_wait3A_366 = arith.constant 3 : i32
    %dma_wait3A_367 = arith.constant 3 : i32
    %dma_wait3A_368 = arith.constant 0 : i32
    %dma_wait3A_369 = tpu.memref_slice %arg6[%dma_wait3A_366, %dma_wait3A_368] : memref<8x80xi32, #tpu.memory_space<vmem>> -> memref<1x80xi32, #tpu.memory_space<vmem>>
    %dma_wait3A_370 = tpu.memref_squeeze %dma_wait3A_369 : memref<1x80xi32, #tpu.memory_space<vmem>> -> memref<80xi32, #tpu.memory_space<vmem>>
    %dma_wait3A_371 = arith.constant 0 : i32
    %dma_wait3A_372 = tpu.memref_slice %arg3[%dma_wait3A_371] : memref<640000xi32, #tpu.memory_space<hbm>> -> memref<80xi32, #tpu.memory_space<hbm>>
    %dma_wait3A_373 = tpu.memref_slice %arg10[%dma_wait3A_367] : memref<8x!tpu.dma_semaphore, #tpu.memory_space<semaphore_mem>> -> memref<1x!tpu.dma_semaphore, #tpu.memory_space<semaphore_mem>>
    %dma_wait3A_374 = tpu.memref_squeeze %dma_wait3A_373 : memref<1x!tpu.dma_semaphore, #tpu.memory_space<semaphore_mem>> -> memref<!tpu.dma_semaphore, #tpu.memory_space<semaphore_mem>>
    %dma_wait3A_375 = arith.constant 0 : i32
    %dma_wait3A_376 = tpu.memref_slice %arg6[%dma_wait3A_366, %dma_wait3A_375] : memref<8x80xi32, #tpu.memory_space<vmem>> -> memref<1x80xi32, #tpu.memory_space<vmem>>
    %dma_wait3A_377 = tpu.memref_squeeze %dma_wait3A_376 : memref<1x80xi32, #tpu.memory_space<vmem>> -> memref<80xi32, #tpu.memory_space<vmem>>
    %dma_wait3A_378 = arith.constant 0 : i32
    %dma_wait3A_379 = tpu.memref_slice %arg3[%dma_wait3A_378] : memref<640000xi32, #tpu.memory_space<hbm>> -> memref<80xi32, #tpu.memory_space<hbm>>
    tpu.wait_dma2 semaphore(%dma_wait3A_374 : memref<!tpu.dma_semaphore, #tpu.memory_space<semaphore_mem>>) src(%dma_wait3A_379 : memref<80xi32, #tpu.memory_space<hbm>>) dst(%dma_wait3A_377 : memref<80xi32, #tpu.memory_space<vmem>>)
    %dma_start3A_380 = arith.constant 3 : i32
    %dma_start3A_381 = arith.constant 3 : i32
    %dma_start3A_382 = arith.constant 3 : i32
    %dma_start3A_383 = arith.constant 0 : i32
    %dma_start3A_384 = arith.constant 0 : i32
    %dma_start3A_385 = tpu.memref_slice %arg7[%dma_start3A_381, %dma_start3A_383, %dma_start3A_384] : memref<4x80x128xf32, #tpu.memory_space<vmem>> -> memref<1x80x128xf32, #tpu.memory_space<vmem>>
    %dma_start3A_386 = tpu.memref_squeeze %dma_start3A_385 : memref<1x80x128xf32, #tpu.memory_space<vmem>> -> memref<80x128xf32, #tpu.memory_space<vmem>>
    %dma_start3A_387 = arith.constant 0 : i32
    %dma_start3A_388 = tpu.memref_slice %arg5[%dma_start3A_380, %dma_start3A_387] : memref<8x80xi32, #tpu.memory_space<vmem>> -> memref<1x80xi32, #tpu.memory_space<vmem>>
    %dma_start3A_389 = tpu.memref_squeeze %dma_start3A_388 : memref<1x80xi32, #tpu.memory_space<vmem>> -> memref<80xi32, #tpu.memory_space<vmem>>
    %dma_start3A_390 = arith.constant 0 : i32
    %dma_start3A_391 = arith.constant 0 : i32
    %dma_start3A_392 = tpu.memref_slice %arg2[%dma_start3A_390, %dma_start3A_391] : memref<10000x128xf32, #tpu.memory_space<hbm>> -> memref<10000x128xf32, #tpu.memory_space<hbm>>
    %dma_start3A_393 = tpu.memref_slice %arg11[%dma_start3A_382] : memref<4x!tpu.dma_semaphore, #tpu.memory_space<semaphore_mem>> -> memref<1x!tpu.dma_semaphore, #tpu.memory_space<semaphore_mem>>
    %dma_start3A_394 = tpu.memref_squeeze %dma_start3A_393 : memref<1x!tpu.dma_semaphore, #tpu.memory_space<semaphore_mem>> -> memref<!tpu.dma_semaphore, #tpu.memory_space<semaphore_mem>>
    tpu.enqueue_indirect_dma source(%dma_start3A_392 : memref<10000x128xf32, #tpu.memory_space<hbm>>) target(%dma_start3A_386 : memref<80x128xf32, #tpu.memory_space<vmem>>) offsets(%dma_start3A_389 : memref<80xi32, #tpu.memory_space<vmem>>) semaphore(%dma_start3A_394 : memref<!tpu.dma_semaphore, #tpu.memory_space<semaphore_mem>>)
    %add3A_395 = arith.constant 400 : i32
    %add3A_396 = arith.addi %mul3A_2, %add3A_395 : i32
    %dma_start3A_397 = arith.constant 5 : i32
    %dma_start3A_398 = arith.constant 5 : i32
    %dma_start3A_399 = arith.constant 0 : i32
    %dma_start3A_400 = tpu.memref_slice %arg5[%dma_start3A_397, %dma_start3A_399] : memref<8x80xi32, #tpu.memory_space<vmem>> -> memref<1x80xi32, #tpu.memory_space<vmem>>
    %dma_start3A_401 = tpu.memref_squeeze %dma_start3A_400 : memref<1x80xi32, #tpu.memory_space<vmem>> -> memref<80xi32, #tpu.memory_space<vmem>>
    %dma_start3A_402 = tpu.memref_slice %arg3[%add3A_396] : memref<640000xi32, #tpu.memory_space<hbm>> -> memref<80xi32, #tpu.memory_space<hbm>>
    %dma_start3A_403 = tpu.memref_slice %arg10[%dma_start3A_398] : memref<8x!tpu.dma_semaphore, #tpu.memory_space<semaphore_mem>> -> memref<1x!tpu.dma_semaphore, #tpu.memory_space<semaphore_mem>>
    %dma_start3A_404 = tpu.memref_squeeze %dma_start3A_403 : memref<1x!tpu.dma_semaphore, #tpu.memory_space<semaphore_mem>> -> memref<!tpu.dma_semaphore, #tpu.memory_space<semaphore_mem>>
    %dma_start3A_405 = arith.constant 0 : i32
    %dma_start3A_406 = tpu.memref_slice %arg5[%dma_start3A_397, %dma_start3A_405] : memref<8x80xi32, #tpu.memory_space<vmem>> -> memref<1x80xi32, #tpu.memory_space<vmem>>
    %dma_start3A_407 = tpu.memref_squeeze %dma_start3A_406 : memref<1x80xi32, #tpu.memory_space<vmem>> -> memref<80xi32, #tpu.memory_space<vmem>>
    %dma_start3A_408 = tpu.memref_slice %arg3[%add3A_396] : memref<640000xi32, #tpu.memory_space<hbm>> -> memref<80xi32, #tpu.memory_space<hbm>>
    tpu.enqueue_dma source(%dma_start3A_408 : memref<80xi32, #tpu.memory_space<hbm>>) target(%dma_start3A_407 : memref<80xi32, #tpu.memory_space<vmem>>) target_semaphore(%dma_start3A_404 : memref<!tpu.dma_semaphore, #tpu.memory_space<semaphore_mem>>)
    %add3A_409 = arith.constant 320000 : i32
    %add3A_410 = arith.addi %add3A_409, %add3A_396 : i32
    %dma_start3A_411 = arith.constant 5 : i32
    %dma_start3A_412 = arith.constant 5 : i32
    %dma_start3A_413 = arith.constant 0 : i32
    %dma_start3A_414 = tpu.memref_slice %arg6[%dma_start3A_411, %dma_start3A_413] : memref<8x80xi32, #tpu.memory_space<vmem>> -> memref<1x80xi32, #tpu.memory_space<vmem>>
    %dma_start3A_415 = tpu.memref_squeeze %dma_start3A_414 : memref<1x80xi32, #tpu.memory_space<vmem>> -> memref<80xi32, #tpu.memory_space<vmem>>
    %dma_start3A_416 = tpu.memref_slice %arg3[%add3A_410] : memref<640000xi32, #tpu.memory_space<hbm>> -> memref<80xi32, #tpu.memory_space<hbm>>
    %dma_start3A_417 = tpu.memref_slice %arg10[%dma_start3A_412] : memref<8x!tpu.dma_semaphore, #tpu.memory_space<semaphore_mem>> -> memref<1x!tpu.dma_semaphore, #tpu.memory_space<semaphore_mem>>
    %dma_start3A_418 = tpu.memref_squeeze %dma_start3A_417 : memref<1x!tpu.dma_semaphore, #tpu.memory_space<semaphore_mem>> -> memref<!tpu.dma_semaphore, #tpu.memory_space<semaphore_mem>>
    %dma_start3A_419 = arith.constant 0 : i32
    %dma_start3A_420 = tpu.memref_slice %arg6[%dma_start3A_411, %dma_start3A_419] : memref<8x80xi32, #tpu.memory_space<vmem>> -> memref<1x80xi32, #tpu.memory_space<vmem>>
    %dma_start3A_421 = tpu.memref_squeeze %dma_start3A_420 : memref<1x80xi32, #tpu.memory_space<vmem>> -> memref<80xi32, #tpu.memory_space<vmem>>
    %dma_start3A_422 = tpu.memref_slice %arg3[%add3A_410] : memref<640000xi32, #tpu.memory_space<hbm>> -> memref<80xi32, #tpu.memory_space<hbm>>
    tpu.enqueue_dma source(%dma_start3A_422 : memref<80xi32, #tpu.memory_space<hbm>>) target(%dma_start3A_421 : memref<80xi32, #tpu.memory_space<vmem>>) target_semaphore(%dma_start3A_418 : memref<!tpu.dma_semaphore, #tpu.memory_space<semaphore_mem>>)
    %scan3A_423 = arith.constant 0 : i32
    %scan3A_424 = arith.constant 15 : i32
    %scan3A_425 = arith.addi %scan3A_423, %scan3A_424 : i32
    %scan3A_426 = arith.constant 1 : i32
    scf.for %scan3A_646 = %scan3A_423 to %scan3A_425 step %scan3A_426  : i32 {
      %mul3A_647 = arith.constant 1 : i32
      %mul3A_648 = arith.muli %scan3A_646, %mul3A_647 : i32
      %add3A_649 = arith.constant 0 : i32
      %add3A_650 = arith.addi %add3A_649, %mul3A_648 : i32
      %mul3A_651 = arith.constant 8 : i32
      %mul3A_652 = arith.muli %add3A_650, %mul3A_651 : i32
      %add3A_653 = arith.constant 2 : i32
      %add3A_654 = arith.addi %add3A_653, %mul3A_652 : i32
      %add3A_655 = arith.constant 0 : i32
      %add3A_656 = arith.addi %add3A_654, %add3A_655 : i32
      %dma_wait3A_657 = arith.constant 2 : i32
      %dma_wait3A_658 = arith.constant 2 : i32
      %dma_wait3A_659 = arith.constant 2 : i32
      %dma_wait3A_660 = arith.constant 0 : i32
      %dma_wait3A_661 = arith.constant 0 : i32
      %dma_wait3A_662 = tpu.memref_slice %arg7[%dma_wait3A_658, %dma_wait3A_660, %dma_wait3A_661] : memref<4x80x128xf32, #tpu.memory_space<vmem>> -> memref<1x80x128xf32, #tpu.memory_space<vmem>>
      %dma_wait3A_663 = tpu.memref_squeeze %dma_wait3A_662 : memref<1x80x128xf32, #tpu.memory_space<vmem>> -> memref<80x128xf32, #tpu.memory_space<vmem>>
      %dma_wait3A_664 = arith.constant 0 : i32
      %dma_wait3A_665 = tpu.memref_slice %arg5[%dma_wait3A_657, %dma_wait3A_664] : memref<8x80xi32, #tpu.memory_space<vmem>> -> memref<1x80xi32, #tpu.memory_space<vmem>>
      %dma_wait3A_666 = tpu.memref_squeeze %dma_wait3A_665 : memref<1x80xi32, #tpu.memory_space<vmem>> -> memref<80xi32, #tpu.memory_space<vmem>>
      %dma_wait3A_667 = arith.constant 0 : i32
      %dma_wait3A_668 = arith.constant 0 : i32
      %dma_wait3A_669 = tpu.memref_slice %arg2[%dma_wait3A_667, %dma_wait3A_668] : memref<10000x128xf32, #tpu.memory_space<hbm>> -> memref<10000x128xf32, #tpu.memory_space<hbm>>
      %dma_wait3A_670 = tpu.memref_slice %arg11[%dma_wait3A_659] : memref<4x!tpu.dma_semaphore, #tpu.memory_space<semaphore_mem>> -> memref<1x!tpu.dma_semaphore, #tpu.memory_space<semaphore_mem>>
      %dma_wait3A_671 = tpu.memref_squeeze %dma_wait3A_670 : memref<1x!tpu.dma_semaphore, #tpu.memory_space<semaphore_mem>> -> memref<!tpu.dma_semaphore, #tpu.memory_space<semaphore_mem>>
      tpu.wait_indirect_dma semaphore(%dma_wait3A_671 : memref<!tpu.dma_semaphore, #tpu.memory_space<semaphore_mem>>) src(%dma_wait3A_669 : memref<10000x128xf32, #tpu.memory_space<hbm>>) dst(%dma_wait3A_663 : memref<80x128xf32, #tpu.memory_space<vmem>>)
      %dma_start3A_672 = arith.constant 2 : i32
      %dma_start3A_673 = arith.constant 2 : i32
      %dma_start3A_674 = arith.constant 2 : i32
      %dma_start3A_675 = arith.constant 0 : i32
      %dma_start3A_676 = arith.constant 0 : i32
      %dma_start3A_677 = tpu.memref_slice %arg7[%dma_start3A_672, %dma_start3A_675, %dma_start3A_676] : memref<4x80x128xf32, #tpu.memory_space<vmem>> -> memref<1x80x128xf32, #tpu.memory_space<vmem>>
      %dma_start3A_678 = tpu.memref_squeeze %dma_start3A_677 : memref<1x80x128xf32, #tpu.memory_space<vmem>> -> memref<80x128xf32, #tpu.memory_space<vmem>>
      %dma_start3A_679 = arith.constant 0 : i32
      %dma_start3A_680 = tpu.memref_slice %arg6[%dma_start3A_673, %dma_start3A_679] : memref<8x80xi32, #tpu.memory_space<vmem>> -> memref<1x80xi32, #tpu.memory_space<vmem>>
      %dma_start3A_681 = tpu.memref_squeeze %dma_start3A_680 : memref<1x80xi32, #tpu.memory_space<vmem>> -> memref<80xi32, #tpu.memory_space<vmem>>
      %dma_start3A_682 = arith.constant 0 : i32
      %dma_start3A_683 = arith.constant 0 : i32
      %dma_start3A_684 = tpu.memref_slice %arg9[%dma_start3A_682, %dma_start3A_683] : memref<10000x128xf32, #tpu.memory_space<vmem_shared>> -> memref<10000x128xf32, #tpu.memory_space<vmem_shared>>
      %dma_start3A_685 = tpu.memref_slice %arg12[%dma_start3A_674] : memref<4x!tpu.dma_semaphore, #tpu.memory_space<semaphore_mem>> -> memref<1x!tpu.dma_semaphore, #tpu.memory_space<semaphore_mem>>
      %dma_start3A_686 = tpu.memref_squeeze %dma_start3A_685 : memref<1x!tpu.dma_semaphore, #tpu.memory_space<semaphore_mem>> -> memref<!tpu.dma_semaphore, #tpu.memory_space<semaphore_mem>>
      tpu.enqueue_indirect_dma source(%dma_start3A_678 : memref<80x128xf32, #tpu.memory_space<vmem>>) target(%dma_start3A_684 : memref<10000x128xf32, #tpu.memory_space<vmem_shared>>) offsets(%dma_start3A_681 : memref<80xi32, #tpu.memory_space<vmem>>) semaphore(%dma_start3A_686 : memref<!tpu.dma_semaphore, #tpu.memory_space<semaphore_mem>>) {add = true}
      %dma_wait3A_687 = arith.constant 0 : i32
      %dma_wait3A_688 = arith.constant 0 : i32
      %dma_wait3A_689 = arith.constant 0 : i32
      %dma_wait3A_690 = arith.constant 0 : i32
      %dma_wait3A_691 = arith.constant 0 : i32
      %dma_wait3A_692 = tpu.memref_slice %arg7[%dma_wait3A_687, %dma_wait3A_690, %dma_wait3A_691] : memref<4x80x128xf32, #tpu.memory_space<vmem>> -> memref<1x80x128xf32, #tpu.memory_space<vmem>>
      %dma_wait3A_693 = tpu.memref_squeeze %dma_wait3A_692 : memref<1x80x128xf32, #tpu.memory_space<vmem>> -> memref<80x128xf32, #tpu.memory_space<vmem>>
      %dma_wait3A_694 = arith.constant 0 : i32
      %dma_wait3A_695 = tpu.memref_slice %arg6[%dma_wait3A_688, %dma_wait3A_694] : memref<8x80xi32, #tpu.memory_space<vmem>> -> memref<1x80xi32, #tpu.memory_space<vmem>>
      %dma_wait3A_696 = tpu.memref_squeeze %dma_wait3A_695 : memref<1x80xi32, #tpu.memory_space<vmem>> -> memref<80xi32, #tpu.memory_space<vmem>>
      %dma_wait3A_697 = arith.constant 0 : i32
      %dma_wait3A_698 = arith.constant 0 : i32
      %dma_wait3A_699 = tpu.memref_slice %arg9[%dma_wait3A_697, %dma_wait3A_698] : memref<10000x128xf32, #tpu.memory_space<vmem_shared>> -> memref<10000x128xf32, #tpu.memory_space<vmem_shared>>
      %dma_wait3A_700 = tpu.memref_slice %arg12[%dma_wait3A_689] : memref<4x!tpu.dma_semaphore, #tpu.memory_space<semaphore_mem>> -> memref<1x!tpu.dma_semaphore, #tpu.memory_space<semaphore_mem>>
      %dma_wait3A_701 = tpu.memref_squeeze %dma_wait3A_700 : memref<1x!tpu.dma_semaphore, #tpu.memory_space<semaphore_mem>> -> memref<!tpu.dma_semaphore, #tpu.memory_space<semaphore_mem>>
      tpu.wait_indirect_dma semaphore(%dma_wait3A_701 : memref<!tpu.dma_semaphore, #tpu.memory_space<semaphore_mem>>) src(%dma_wait3A_693 : memref<80x128xf32, #tpu.memory_space<vmem>>) dst(%dma_wait3A_699 : memref<10000x128xf32, #tpu.memory_space<vmem_shared>>)
      %dma_wait3A_702 = arith.constant 4 : i32
      %dma_wait3A_703 = arith.constant 4 : i32
      %dma_wait3A_704 = arith.constant 0 : i32
      %dma_wait3A_705 = tpu.memref_slice %arg5[%dma_wait3A_702, %dma_wait3A_704] : memref<8x80xi32, #tpu.memory_space<vmem>> -> memref<1x80xi32, #tpu.memory_space<vmem>>
      %dma_wait3A_706 = tpu.memref_squeeze %dma_wait3A_705 : memref<1x80xi32, #tpu.memory_space<vmem>> -> memref<80xi32, #tpu.memory_space<vmem>>
      %dma_wait3A_707 = arith.constant 0 : i32
      %dma_wait3A_708 = tpu.memref_slice %arg3[%dma_wait3A_707] : memref<640000xi32, #tpu.memory_space<hbm>> -> memref<80xi32, #tpu.memory_space<hbm>>
      %dma_wait3A_709 = tpu.memref_slice %arg10[%dma_wait3A_703] : memref<8x!tpu.dma_semaphore, #tpu.memory_space<semaphore_mem>> -> memref<1x!tpu.dma_semaphore, #tpu.memory_space<semaphore_mem>>
      %dma_wait3A_710 = tpu.memref_squeeze %dma_wait3A_709 : memref<1x!tpu.dma_semaphore, #tpu.memory_space<semaphore_mem>> -> memref<!tpu.dma_semaphore, #tpu.memory_space<semaphore_mem>>
      %dma_wait3A_711 = arith.constant 0 : i32
      %dma_wait3A_712 = tpu.memref_slice %arg5[%dma_wait3A_702, %dma_wait3A_711] : memref<8x80xi32, #tpu.memory_space<vmem>> -> memref<1x80xi32, #tpu.memory_space<vmem>>
      %dma_wait3A_713 = tpu.memref_squeeze %dma_wait3A_712 : memref<1x80xi32, #tpu.memory_space<vmem>> -> memref<80xi32, #tpu.memory_space<vmem>>
      %dma_wait3A_714 = arith.constant 0 : i32
      %dma_wait3A_715 = tpu.memref_slice %arg3[%dma_wait3A_714] : memref<640000xi32, #tpu.memory_space<hbm>> -> memref<80xi32, #tpu.memory_space<hbm>>
      tpu.wait_dma2 semaphore(%dma_wait3A_710 : memref<!tpu.dma_semaphore, #tpu.memory_space<semaphore_mem>>) src(%dma_wait3A_715 : memref<80xi32, #tpu.memory_space<hbm>>) dst(%dma_wait3A_713 : memref<80xi32, #tpu.memory_space<vmem>>)
      %dma_wait3A_716 = arith.constant 4 : i32
      %dma_wait3A_717 = arith.constant 4 : i32
      %dma_wait3A_718 = arith.constant 0 : i32
      %dma_wait3A_719 = tpu.memref_slice %arg6[%dma_wait3A_716, %dma_wait3A_718] : memref<8x80xi32, #tpu.memory_space<vmem>> -> memref<1x80xi32, #tpu.memory_space<vmem>>
      %dma_wait3A_720 = tpu.memref_squeeze %dma_wait3A_719 : memref<1x80xi32, #tpu.memory_space<vmem>> -> memref<80xi32, #tpu.memory_space<vmem>>
      %dma_wait3A_721 = arith.constant 0 : i32
      %dma_wait3A_722 = tpu.memref_slice %arg3[%dma_wait3A_721] : memref<640000xi32, #tpu.memory_space<hbm>> -> memref<80xi32, #tpu.memory_space<hbm>>
      %dma_wait3A_723 = tpu.memref_slice %arg10[%dma_wait3A_717] : memref<8x!tpu.dma_semaphore, #tpu.memory_space<semaphore_mem>> -> memref<1x!tpu.dma_semaphore, #tpu.memory_space<semaphore_mem>>
      %dma_wait3A_724 = tpu.memref_squeeze %dma_wait3A_723 : memref<1x!tpu.dma_semaphore, #tpu.memory_space<semaphore_mem>> -> memref<!tpu.dma_semaphore, #tpu.memory_space<semaphore_mem>>
      %dma_wait3A_725 = arith.constant 0 : i32
      %dma_wait3A_726 = tpu.memref_slice %arg6[%dma_wait3A_716, %dma_wait3A_725] : memref<8x80xi32, #tpu.memory_space<vmem>> -> memref<1x80xi32, #tpu.memory_space<vmem>>
      %dma_wait3A_727 = tpu.memref_squeeze %dma_wait3A_726 : memref<1x80xi32, #tpu.memory_space<vmem>> -> memref<80xi32, #tpu.memory_space<vmem>>
      %dma_wait3A_728 = arith.constant 0 : i32
      %dma_wait3A_729 = tpu.memref_slice %arg3[%dma_wait3A_728] : memref<640000xi32, #tpu.memory_space<hbm>> -> memref<80xi32, #tpu.memory_space<hbm>>
      tpu.wait_dma2 semaphore(%dma_wait3A_724 : memref<!tpu.dma_semaphore, #tpu.memory_space<semaphore_mem>>) src(%dma_wait3A_729 : memref<80xi32, #tpu.memory_space<hbm>>) dst(%dma_wait3A_727 : memref<80xi32, #tpu.memory_space<vmem>>)
      %dma_start3A_730 = arith.constant 4 : i32
      %dma_start3A_731 = arith.constant 0 : i32
      %dma_start3A_732 = arith.constant 0 : i32
      %dma_start3A_733 = arith.constant 0 : i32
      %dma_start3A_734 = arith.constant 0 : i32
      %dma_start3A_735 = tpu.memref_slice %arg7[%dma_start3A_731, %dma_start3A_733, %dma_start3A_734] : memref<4x80x128xf32, #tpu.memory_space<vmem>> -> memref<1x80x128xf32, #tpu.memory_space<vmem>>
      %dma_start3A_736 = tpu.memref_squeeze %dma_start3A_735 : memref<1x80x128xf32, #tpu.memory_space<vmem>> -> memref<80x128xf32, #tpu.memory_space<vmem>>
      %dma_start3A_737 = arith.constant 0 : i32
      %dma_start3A_738 = tpu.memref_slice %arg5[%dma_start3A_730, %dma_start3A_737] : memref<8x80xi32, #tpu.memory_space<vmem>> -> memref<1x80xi32, #tpu.memory_space<vmem>>
      %dma_start3A_739 = tpu.memref_squeeze %dma_start3A_738 : memref<1x80xi32, #tpu.memory_space<vmem>> -> memref<80xi32, #tpu.memory_space<vmem>>
      %dma_start3A_740 = arith.constant 0 : i32
      %dma_start3A_741 = arith.constant 0 : i32
      %dma_start3A_742 = tpu.memref_slice %arg2[%dma_start3A_740, %dma_start3A_741] : memref<10000x128xf32, #tpu.memory_space<hbm>> -> memref<10000x128xf32, #tpu.memory_space<hbm>>
      %dma_start3A_743 = tpu.memref_slice %arg11[%dma_start3A_732] : memref<4x!tpu.dma_semaphore, #tpu.memory_space<semaphore_mem>> -> memref<1x!tpu.dma_semaphore, #tpu.memory_space<semaphore_mem>>
      %dma_start3A_744 = tpu.memref_squeeze %dma_start3A_743 : memref<1x!tpu.dma_semaphore, #tpu.memory_space<semaphore_mem>> -> memref<!tpu.dma_semaphore, #tpu.memory_space<semaphore_mem>>
      tpu.enqueue_indirect_dma source(%dma_start3A_742 : memref<10000x128xf32, #tpu.memory_space<hbm>>) target(%dma_start3A_736 : memref<80x128xf32, #tpu.memory_space<vmem>>) offsets(%dma_start3A_739 : memref<80xi32, #tpu.memory_space<vmem>>) semaphore(%dma_start3A_744 : memref<!tpu.dma_semaphore, #tpu.memory_space<semaphore_mem>>)
      %add3A_745 = arith.constant 4 : i32
      %add3A_746 = arith.addi %add3A_656, %add3A_745 : i32
      %lt3A = arith.constant 125 : i32
      %lt3A_747 = arith.cmpi slt, %add3A_746, %lt3A : i32
      %convert_element_type3A_748 = arith.extui %lt3A_747 : i1 to i32
      %cond3A_749 = arith.constant 0 : i32
      %cond3A_750 = arith.cmpi ne, %convert_element_type3A_748, %cond3A_749 : i32
      scf.if %cond3A_750 {
        %add3A_1430 = arith.constant 4 : i32
        %add3A_1431 = arith.addi %add3A_656, %add3A_1430 : i32
        %mul3A_1432 = arith.constant 80 : i32
        %mul3A_1433 = arith.muli %add3A_1431, %mul3A_1432 : i32
        %add3A_1434 = arith.addi %mul3A_2, %mul3A_1433 : i32
        %dma_start3A_1435 = arith.constant 6 : i32
        %dma_start3A_1436 = arith.constant 6 : i32
        %dma_start3A_1437 = arith.constant 0 : i32
        %dma_start3A_1438 = tpu.memref_slice %arg5[%dma_start3A_1435, %dma_start3A_1437] : memref<8x80xi32, #tpu.memory_space<vmem>> -> memref<1x80xi32, #tpu.memory_space<vmem>>
        %dma_start3A_1439 = tpu.memref_squeeze %dma_start3A_1438 : memref<1x80xi32, #tpu.memory_space<vmem>> -> memref<80xi32, #tpu.memory_space<vmem>>
        %dma_start3A_1440 = tpu.memref_slice %arg3[%add3A_1434] : memref<640000xi32, #tpu.memory_space<hbm>> -> memref<80xi32, #tpu.memory_space<hbm>>
        %dma_start3A_1441 = tpu.memref_slice %arg10[%dma_start3A_1436] : memref<8x!tpu.dma_semaphore, #tpu.memory_space<semaphore_mem>> -> memref<1x!tpu.dma_semaphore, #tpu.memory_space<semaphore_mem>>
        %dma_start3A_1442 = tpu.memref_squeeze %dma_start3A_1441 : memref<1x!tpu.dma_semaphore, #tpu.memory_space<semaphore_mem>> -> memref<!tpu.dma_semaphore, #tpu.memory_space<semaphore_mem>>
        %dma_start3A_1443 = arith.constant 0 : i32
        %dma_start3A_1444 = tpu.memref_slice %arg5[%dma_start3A_1435, %dma_start3A_1443] : memref<8x80xi32, #tpu.memory_space<vmem>> -> memref<1x80xi32, #tpu.memory_space<vmem>>
        %dma_start3A_1445 = tpu.memref_squeeze %dma_start3A_1444 : memref<1x80xi32, #tpu.memory_space<vmem>> -> memref<80xi32, #tpu.memory_space<vmem>>
        %dma_start3A_1446 = tpu.memref_slice %arg3[%add3A_1434] : memref<640000xi32, #tpu.memory_space<hbm>> -> memref<80xi32, #tpu.memory_space<hbm>>
        tpu.enqueue_dma source(%dma_start3A_1446 : memref<80xi32, #tpu.memory_space<hbm>>) target(%dma_start3A_1445 : memref<80xi32, #tpu.memory_space<vmem>>) target_semaphore(%dma_start3A_1442 : memref<!tpu.dma_semaphore, #tpu.memory_space<semaphore_mem>>)
        %add3A_1447 = arith.constant 320000 : i32
        %add3A_1448 = arith.addi %add3A_1447, %add3A_1434 : i32
        %dma_start3A_1449 = arith.constant 6 : i32
        %dma_start3A_1450 = arith.constant 6 : i32
        %dma_start3A_1451 = arith.constant 0 : i32
        %dma_start3A_1452 = tpu.memref_slice %arg6[%dma_start3A_1449, %dma_start3A_1451] : memref<8x80xi32, #tpu.memory_space<vmem>> -> memref<1x80xi32, #tpu.memory_space<vmem>>
        %dma_start3A_1453 = tpu.memref_squeeze %dma_start3A_1452 : memref<1x80xi32, #tpu.memory_space<vmem>> -> memref<80xi32, #tpu.memory_space<vmem>>
        %dma_start3A_1454 = tpu.memref_slice %arg3[%add3A_1448] : memref<640000xi32, #tpu.memory_space<hbm>> -> memref<80xi32, #tpu.memory_space<hbm>>
        %dma_start3A_1455 = tpu.memref_slice %arg10[%dma_start3A_1450] : memref<8x!tpu.dma_semaphore, #tpu.memory_space<semaphore_mem>> -> memref<1x!tpu.dma_semaphore, #tpu.memory_space<semaphore_mem>>
        %dma_start3A_1456 = tpu.memref_squeeze %dma_start3A_1455 : memref<1x!tpu.dma_semaphore, #tpu.memory_space<semaphore_mem>> -> memref<!tpu.dma_semaphore, #tpu.memory_space<semaphore_mem>>
        %dma_start3A_1457 = arith.constant 0 : i32
        %dma_start3A_1458 = tpu.memref_slice %arg6[%dma_start3A_1449, %dma_start3A_1457] : memref<8x80xi32, #tpu.memory_space<vmem>> -> memref<1x80xi32, #tpu.memory_space<vmem>>
        %dma_start3A_1459 = tpu.memref_squeeze %dma_start3A_1458 : memref<1x80xi32, #tpu.memory_space<vmem>> -> memref<80xi32, #tpu.memory_space<vmem>>
        %dma_start3A_1460 = tpu.memref_slice %arg3[%add3A_1448] : memref<640000xi32, #tpu.memory_space<hbm>> -> memref<80xi32, #tpu.memory_space<hbm>>
        tpu.enqueue_dma source(%dma_start3A_1460 : memref<80xi32, #tpu.memory_space<hbm>>) target(%dma_start3A_1459 : memref<80xi32, #tpu.memory_space<vmem>>) target_semaphore(%dma_start3A_1456 : memref<!tpu.dma_semaphore, #tpu.memory_space<semaphore_mem>>)
      } else {
      }
      %add3A_751 = arith.constant 1 : i32
      %add3A_752 = arith.addi %add3A_654, %add3A_751 : i32
      %dma_wait3A_753 = arith.constant 3 : i32
      %dma_wait3A_754 = arith.constant 3 : i32
      %dma_wait3A_755 = arith.constant 3 : i32
      %dma_wait3A_756 = arith.constant 0 : i32
      %dma_wait3A_757 = arith.constant 0 : i32
      %dma_wait3A_758 = tpu.memref_slice %arg7[%dma_wait3A_754, %dma_wait3A_756, %dma_wait3A_757] : memref<4x80x128xf32, #tpu.memory_space<vmem>> -> memref<1x80x128xf32, #tpu.memory_space<vmem>>
      %dma_wait3A_759 = tpu.memref_squeeze %dma_wait3A_758 : memref<1x80x128xf32, #tpu.memory_space<vmem>> -> memref<80x128xf32, #tpu.memory_space<vmem>>
      %dma_wait3A_760 = arith.constant 0 : i32
      %dma_wait3A_761 = tpu.memref_slice %arg5[%dma_wait3A_753, %dma_wait3A_760] : memref<8x80xi32, #tpu.memory_space<vmem>> -> memref<1x80xi32, #tpu.memory_space<vmem>>
      %dma_wait3A_762 = tpu.memref_squeeze %dma_wait3A_761 : memref<1x80xi32, #tpu.memory_space<vmem>> -> memref<80xi32, #tpu.memory_space<vmem>>
      %dma_wait3A_763 = arith.constant 0 : i32
      %dma_wait3A_764 = arith.constant 0 : i32
      %dma_wait3A_765 = tpu.memref_slice %arg2[%dma_wait3A_763, %dma_wait3A_764] : memref<10000x128xf32, #tpu.memory_space<hbm>> -> memref<10000x128xf32, #tpu.memory_space<hbm>>
      %dma_wait3A_766 = tpu.memref_slice %arg11[%dma_wait3A_755] : memref<4x!tpu.dma_semaphore, #tpu.memory_space<semaphore_mem>> -> memref<1x!tpu.dma_semaphore, #tpu.memory_space<semaphore_mem>>
      %dma_wait3A_767 = tpu.memref_squeeze %dma_wait3A_766 : memref<1x!tpu.dma_semaphore, #tpu.memory_space<semaphore_mem>> -> memref<!tpu.dma_semaphore, #tpu.memory_space<semaphore_mem>>
      tpu.wait_indirect_dma semaphore(%dma_wait3A_767 : memref<!tpu.dma_semaphore, #tpu.memory_space<semaphore_mem>>) src(%dma_wait3A_765 : memref<10000x128xf32, #tpu.memory_space<hbm>>) dst(%dma_wait3A_759 : memref<80x128xf32, #tpu.memory_space<vmem>>)
      %dma_start3A_768 = arith.constant 3 : i32
      %dma_start3A_769 = arith.constant 3 : i32
      %dma_start3A_770 = arith.constant 3 : i32
      %dma_start3A_771 = arith.constant 0 : i32
      %dma_start3A_772 = arith.constant 0 : i32
      %dma_start3A_773 = tpu.memref_slice %arg7[%dma_start3A_768, %dma_start3A_771, %dma_start3A_772] : memref<4x80x128xf32, #tpu.memory_space<vmem>> -> memref<1x80x128xf32, #tpu.memory_space<vmem>>
      %dma_start3A_774 = tpu.memref_squeeze %dma_start3A_773 : memref<1x80x128xf32, #tpu.memory_space<vmem>> -> memref<80x128xf32, #tpu.memory_space<vmem>>
      %dma_start3A_775 = arith.constant 0 : i32
      %dma_start3A_776 = tpu.memref_slice %arg6[%dma_start3A_769, %dma_start3A_775] : memref<8x80xi32, #tpu.memory_space<vmem>> -> memref<1x80xi32, #tpu.memory_space<vmem>>
      %dma_start3A_777 = tpu.memref_squeeze %dma_start3A_776 : memref<1x80xi32, #tpu.memory_space<vmem>> -> memref<80xi32, #tpu.memory_space<vmem>>
      %dma_start3A_778 = arith.constant 0 : i32
      %dma_start3A_779 = arith.constant 0 : i32
      %dma_start3A_780 = tpu.memref_slice %arg9[%dma_start3A_778, %dma_start3A_779] : memref<10000x128xf32, #tpu.memory_space<vmem_shared>> -> memref<10000x128xf32, #tpu.memory_space<vmem_shared>>
      %dma_start3A_781 = tpu.memref_slice %arg12[%dma_start3A_770] : memref<4x!tpu.dma_semaphore, #tpu.memory_space<semaphore_mem>> -> memref<1x!tpu.dma_semaphore, #tpu.memory_space<semaphore_mem>>
      %dma_start3A_782 = tpu.memref_squeeze %dma_start3A_781 : memref<1x!tpu.dma_semaphore, #tpu.memory_space<semaphore_mem>> -> memref<!tpu.dma_semaphore, #tpu.memory_space<semaphore_mem>>
      tpu.enqueue_indirect_dma source(%dma_start3A_774 : memref<80x128xf32, #tpu.memory_space<vmem>>) target(%dma_start3A_780 : memref<10000x128xf32, #tpu.memory_space<vmem_shared>>) offsets(%dma_start3A_777 : memref<80xi32, #tpu.memory_space<vmem>>) semaphore(%dma_start3A_782 : memref<!tpu.dma_semaphore, #tpu.memory_space<semaphore_mem>>) {add = true}
      %dma_wait3A_783 = arith.constant 1 : i32
      %dma_wait3A_784 = arith.constant 1 : i32
      %dma_wait3A_785 = arith.constant 1 : i32
      %dma_wait3A_786 = arith.constant 0 : i32
      %dma_wait3A_787 = arith.constant 0 : i32
      %dma_wait3A_788 = tpu.memref_slice %arg7[%dma_wait3A_783, %dma_wait3A_786, %dma_wait3A_787] : memref<4x80x128xf32, #tpu.memory_space<vmem>> -> memref<1x80x128xf32, #tpu.memory_space<vmem>>
      %dma_wait3A_789 = tpu.memref_squeeze %dma_wait3A_788 : memref<1x80x128xf32, #tpu.memory_space<vmem>> -> memref<80x128xf32, #tpu.memory_space<vmem>>
      %dma_wait3A_790 = arith.constant 0 : i32
      %dma_wait3A_791 = tpu.memref_slice %arg6[%dma_wait3A_784, %dma_wait3A_790] : memref<8x80xi32, #tpu.memory_space<vmem>> -> memref<1x80xi32, #tpu.memory_space<vmem>>
      %dma_wait3A_792 = tpu.memref_squeeze %dma_wait3A_791 : memref<1x80xi32, #tpu.memory_space<vmem>> -> memref<80xi32, #tpu.memory_space<vmem>>
      %dma_wait3A_793 = arith.constant 0 : i32
      %dma_wait3A_794 = arith.constant 0 : i32
      %dma_wait3A_795 = tpu.memref_slice %arg9[%dma_wait3A_793, %dma_wait3A_794] : memref<10000x128xf32, #tpu.memory_space<vmem_shared>> -> memref<10000x128xf32, #tpu.memory_space<vmem_shared>>
      %dma_wait3A_796 = tpu.memref_slice %arg12[%dma_wait3A_785] : memref<4x!tpu.dma_semaphore, #tpu.memory_space<semaphore_mem>> -> memref<1x!tpu.dma_semaphore, #tpu.memory_space<semaphore_mem>>
      %dma_wait3A_797 = tpu.memref_squeeze %dma_wait3A_796 : memref<1x!tpu.dma_semaphore, #tpu.memory_space<semaphore_mem>> -> memref<!tpu.dma_semaphore, #tpu.memory_space<semaphore_mem>>
      tpu.wait_indirect_dma semaphore(%dma_wait3A_797 : memref<!tpu.dma_semaphore, #tpu.memory_space<semaphore_mem>>) src(%dma_wait3A_789 : memref<80x128xf32, #tpu.memory_space<vmem>>) dst(%dma_wait3A_795 : memref<10000x128xf32, #tpu.memory_space<vmem_shared>>)
      %dma_wait3A_798 = arith.constant 5 : i32
      %dma_wait3A_799 = arith.constant 5 : i32
      %dma_wait3A_800 = arith.constant 0 : i32
      %dma_wait3A_801 = tpu.memref_slice %arg5[%dma_wait3A_798, %dma_wait3A_800] : memref<8x80xi32, #tpu.memory_space<vmem>> -> memref<1x80xi32, #tpu.memory_space<vmem>>
      %dma_wait3A_802 = tpu.memref_squeeze %dma_wait3A_801 : memref<1x80xi32, #tpu.memory_space<vmem>> -> memref<80xi32, #tpu.memory_space<vmem>>
      %dma_wait3A_803 = arith.constant 0 : i32
      %dma_wait3A_804 = tpu.memref_slice %arg3[%dma_wait3A_803] : memref<640000xi32, #tpu.memory_space<hbm>> -> memref<80xi32, #tpu.memory_space<hbm>>
      %dma_wait3A_805 = tpu.memref_slice %arg10[%dma_wait3A_799] : memref<8x!tpu.dma_semaphore, #tpu.memory_space<semaphore_mem>> -> memref<1x!tpu.dma_semaphore, #tpu.memory_space<semaphore_mem>>
      %dma_wait3A_806 = tpu.memref_squeeze %dma_wait3A_805 : memref<1x!tpu.dma_semaphore, #tpu.memory_space<semaphore_mem>> -> memref<!tpu.dma_semaphore, #tpu.memory_space<semaphore_mem>>
      %dma_wait3A_807 = arith.constant 0 : i32
      %dma_wait3A_808 = tpu.memref_slice %arg5[%dma_wait3A_798, %dma_wait3A_807] : memref<8x80xi32, #tpu.memory_space<vmem>> -> memref<1x80xi32, #tpu.memory_space<vmem>>
      %dma_wait3A_809 = tpu.memref_squeeze %dma_wait3A_808 : memref<1x80xi32, #tpu.memory_space<vmem>> -> memref<80xi32, #tpu.memory_space<vmem>>
      %dma_wait3A_810 = arith.constant 0 : i32
      %dma_wait3A_811 = tpu.memref_slice %arg3[%dma_wait3A_810] : memref<640000xi32, #tpu.memory_space<hbm>> -> memref<80xi32, #tpu.memory_space<hbm>>
      tpu.wait_dma2 semaphore(%dma_wait3A_806 : memref<!tpu.dma_semaphore, #tpu.memory_space<semaphore_mem>>) src(%dma_wait3A_811 : memref<80xi32, #tpu.memory_space<hbm>>) dst(%dma_wait3A_809 : memref<80xi32, #tpu.memory_space<vmem>>)
      %dma_wait3A_812 = arith.constant 5 : i32
      %dma_wait3A_813 = arith.constant 5 : i32
      %dma_wait3A_814 = arith.constant 0 : i32
      %dma_wait3A_815 = tpu.memref_slice %arg6[%dma_wait3A_812, %dma_wait3A_814] : memref<8x80xi32, #tpu.memory_space<vmem>> -> memref<1x80xi32, #tpu.memory_space<vmem>>
      %dma_wait3A_816 = tpu.memref_squeeze %dma_wait3A_815 : memref<1x80xi32, #tpu.memory_space<vmem>> -> memref<80xi32, #tpu.memory_space<vmem>>
      %dma_wait3A_817 = arith.constant 0 : i32
      %dma_wait3A_818 = tpu.memref_slice %arg3[%dma_wait3A_817] : memref<640000xi32, #tpu.memory_space<hbm>> -> memref<80xi32, #tpu.memory_space<hbm>>
      %dma_wait3A_819 = tpu.memref_slice %arg10[%dma_wait3A_813] : memref<8x!tpu.dma_semaphore, #tpu.memory_space<semaphore_mem>> -> memref<1x!tpu.dma_semaphore, #tpu.memory_space<semaphore_mem>>
      %dma_wait3A_820 = tpu.memref_squeeze %dma_wait3A_819 : memref<1x!tpu.dma_semaphore, #tpu.memory_space<semaphore_mem>> -> memref<!tpu.dma_semaphore, #tpu.memory_space<semaphore_mem>>
      %dma_wait3A_821 = arith.constant 0 : i32
      %dma_wait3A_822 = tpu.memref_slice %arg6[%dma_wait3A_812, %dma_wait3A_821] : memref<8x80xi32, #tpu.memory_space<vmem>> -> memref<1x80xi32, #tpu.memory_space<vmem>>
      %dma_wait3A_823 = tpu.memref_squeeze %dma_wait3A_822 : memref<1x80xi32, #tpu.memory_space<vmem>> -> memref<80xi32, #tpu.memory_space<vmem>>
      %dma_wait3A_824 = arith.constant 0 : i32
      %dma_wait3A_825 = tpu.memref_slice %arg3[%dma_wait3A_824] : memref<640000xi32, #tpu.memory_space<hbm>> -> memref<80xi32, #tpu.memory_space<hbm>>
      tpu.wait_dma2 semaphore(%dma_wait3A_820 : memref<!tpu.dma_semaphore, #tpu.memory_space<semaphore_mem>>) src(%dma_wait3A_825 : memref<80xi32, #tpu.memory_space<hbm>>) dst(%dma_wait3A_823 : memref<80xi32, #tpu.memory_space<vmem>>)
      %dma_start3A_826 = arith.constant 5 : i32
      %dma_start3A_827 = arith.constant 1 : i32
      %dma_start3A_828 = arith.constant 1 : i32
      %dma_start3A_829 = arith.constant 0 : i32
      %dma_start3A_830 = arith.constant 0 : i32
      %dma_start3A_831 = tpu.memref_slice %arg7[%dma_start3A_827, %dma_start3A_829, %dma_start3A_830] : memref<4x80x128xf32, #tpu.memory_space<vmem>> -> memref<1x80x128xf32, #tpu.memory_space<vmem>>
      %dma_start3A_832 = tpu.memref_squeeze %dma_start3A_831 : memref<1x80x128xf32, #tpu.memory_space<vmem>> -> memref<80x128xf32, #tpu.memory_space<vmem>>
      %dma_start3A_833 = arith.constant 0 : i32
      %dma_start3A_834 = tpu.memref_slice %arg5[%dma_start3A_826, %dma_start3A_833] : memref<8x80xi32, #tpu.memory_space<vmem>> -> memref<1x80xi32, #tpu.memory_space<vmem>>
      %dma_start3A_835 = tpu.memref_squeeze %dma_start3A_834 : memref<1x80xi32, #tpu.memory_space<vmem>> -> memref<80xi32, #tpu.memory_space<vmem>>
      %dma_start3A_836 = arith.constant 0 : i32
      %dma_start3A_837 = arith.constant 0 : i32
      %dma_start3A_838 = tpu.memref_slice %arg2[%dma_start3A_836, %dma_start3A_837] : memref<10000x128xf32, #tpu.memory_space<hbm>> -> memref<10000x128xf32, #tpu.memory_space<hbm>>
      %dma_start3A_839 = tpu.memref_slice %arg11[%dma_start3A_828] : memref<4x!tpu.dma_semaphore, #tpu.memory_space<semaphore_mem>> -> memref<1x!tpu.dma_semaphore, #tpu.memory_space<semaphore_mem>>
      %dma_start3A_840 = tpu.memref_squeeze %dma_start3A_839 : memref<1x!tpu.dma_semaphore, #tpu.memory_space<semaphore_mem>> -> memref<!tpu.dma_semaphore, #tpu.memory_space<semaphore_mem>>
      tpu.enqueue_indirect_dma source(%dma_start3A_838 : memref<10000x128xf32, #tpu.memory_space<hbm>>) target(%dma_start3A_832 : memref<80x128xf32, #tpu.memory_space<vmem>>) offsets(%dma_start3A_835 : memref<80xi32, #tpu.memory_space<vmem>>) semaphore(%dma_start3A_840 : memref<!tpu.dma_semaphore, #tpu.memory_space<semaphore_mem>>)
      %add3A_841 = arith.constant 4 : i32
      %add3A_842 = arith.addi %add3A_752, %add3A_841 : i32
      %lt3A_843 = arith.constant 125 : i32
      %lt3A_844 = arith.cmpi slt, %add3A_842, %lt3A_843 : i32
      %convert_element_type3A_845 = arith.extui %lt3A_844 : i1 to i32
      %cond3A_846 = arith.constant 0 : i32
      %cond3A_847 = arith.cmpi ne, %convert_element_type3A_845, %cond3A_846 : i32
      scf.if %cond3A_847 {
        %add3A_1430 = arith.constant 4 : i32
        %add3A_1431 = arith.addi %add3A_752, %add3A_1430 : i32
        %mul3A_1432 = arith.constant 80 : i32
        %mul3A_1433 = arith.muli %add3A_1431, %mul3A_1432 : i32
        %add3A_1434 = arith.addi %mul3A_2, %mul3A_1433 : i32
        %dma_start3A_1435 = arith.constant 7 : i32
        %dma_start3A_1436 = arith.constant 7 : i32
        %dma_start3A_1437 = arith.constant 0 : i32
        %dma_start3A_1438 = tpu.memref_slice %arg5[%dma_start3A_1435, %dma_start3A_1437] : memref<8x80xi32, #tpu.memory_space<vmem>> -> memref<1x80xi32, #tpu.memory_space<vmem>>
        %dma_start3A_1439 = tpu.memref_squeeze %dma_start3A_1438 : memref<1x80xi32, #tpu.memory_space<vmem>> -> memref<80xi32, #tpu.memory_space<vmem>>
        %dma_start3A_1440 = tpu.memref_slice %arg3[%add3A_1434] : memref<640000xi32, #tpu.memory_space<hbm>> -> memref<80xi32, #tpu.memory_space<hbm>>
        %dma_start3A_1441 = tpu.memref_slice %arg10[%dma_start3A_1436] : memref<8x!tpu.dma_semaphore, #tpu.memory_space<semaphore_mem>> -> memref<1x!tpu.dma_semaphore, #tpu.memory_space<semaphore_mem>>
        %dma_start3A_1442 = tpu.memref_squeeze %dma_start3A_1441 : memref<1x!tpu.dma_semaphore, #tpu.memory_space<semaphore_mem>> -> memref<!tpu.dma_semaphore, #tpu.memory_space<semaphore_mem>>
        %dma_start3A_1443 = arith.constant 0 : i32
        %dma_start3A_1444 = tpu.memref_slice %arg5[%dma_start3A_1435, %dma_start3A_1443] : memref<8x80xi32, #tpu.memory_space<vmem>> -> memref<1x80xi32, #tpu.memory_space<vmem>>
        %dma_start3A_1445 = tpu.memref_squeeze %dma_start3A_1444 : memref<1x80xi32, #tpu.memory_space<vmem>> -> memref<80xi32, #tpu.memory_space<vmem>>
        %dma_start3A_1446 = tpu.memref_slice %arg3[%add3A_1434] : memref<640000xi32, #tpu.memory_space<hbm>> -> memref<80xi32, #tpu.memory_space<hbm>>
        tpu.enqueue_dma source(%dma_start3A_1446 : memref<80xi32, #tpu.memory_space<hbm>>) target(%dma_start3A_1445 : memref<80xi32, #tpu.memory_space<vmem>>) target_semaphore(%dma_start3A_1442 : memref<!tpu.dma_semaphore, #tpu.memory_space<semaphore_mem>>)
        %add3A_1447 = arith.constant 320000 : i32
        %add3A_1448 = arith.addi %add3A_1447, %add3A_1434 : i32
        %dma_start3A_1449 = arith.constant 7 : i32
        %dma_start3A_1450 = arith.constant 7 : i32
        %dma_start3A_1451 = arith.constant 0 : i32
        %dma_start3A_1452 = tpu.memref_slice %arg6[%dma_start3A_1449, %dma_start3A_1451] : memref<8x80xi32, #tpu.memory_space<vmem>> -> memref<1x80xi32, #tpu.memory_space<vmem>>
        %dma_start3A_1453 = tpu.memref_squeeze %dma_start3A_1452 : memref<1x80xi32, #tpu.memory_space<vmem>> -> memref<80xi32, #tpu.memory_space<vmem>>
        %dma_start3A_1454 = tpu.memref_slice %arg3[%add3A_1448] : memref<640000xi32, #tpu.memory_space<hbm>> -> memref<80xi32, #tpu.memory_space<hbm>>
        %dma_start3A_1455 = tpu.memref_slice %arg10[%dma_start3A_1450] : memref<8x!tpu.dma_semaphore, #tpu.memory_space<semaphore_mem>> -> memref<1x!tpu.dma_semaphore, #tpu.memory_space<semaphore_mem>>
        %dma_start3A_1456 = tpu.memref_squeeze %dma_start3A_1455 : memref<1x!tpu.dma_semaphore, #tpu.memory_space<semaphore_mem>> -> memref<!tpu.dma_semaphore, #tpu.memory_space<semaphore_mem>>
        %dma_start3A_1457 = arith.constant 0 : i32
        %dma_start3A_1458 = tpu.memref_slice %arg6[%dma_start3A_1449, %dma_start3A_1457] : memref<8x80xi32, #tpu.memory_space<vmem>> -> memref<1x80xi32, #tpu.memory_space<vmem>>
        %dma_start3A_1459 = tpu.memref_squeeze %dma_start3A_1458 : memref<1x80xi32, #tpu.memory_space<vmem>> -> memref<80xi32, #tpu.memory_space<vmem>>
        %dma_start3A_1460 = tpu.memref_slice %arg3[%add3A_1448] : memref<640000xi32, #tpu.memory_space<hbm>> -> memref<80xi32, #tpu.memory_space<hbm>>
        tpu.enqueue_dma source(%dma_start3A_1460 : memref<80xi32, #tpu.memory_space<hbm>>) target(%dma_start3A_1459 : memref<80xi32, #tpu.memory_space<vmem>>) target_semaphore(%dma_start3A_1456 : memref<!tpu.dma_semaphore, #tpu.memory_space<semaphore_mem>>)
      } else {
      }
      %add3A_848 = arith.constant 2 : i32
      %add3A_849 = arith.addi %add3A_654, %add3A_848 : i32
      %dma_wait3A_850 = arith.constant 4 : i32
      %dma_wait3A_851 = arith.constant 0 : i32
      %dma_wait3A_852 = arith.constant 0 : i32
      %dma_wait3A_853 = arith.constant 0 : i32
      %dma_wait3A_854 = arith.constant 0 : i32
      %dma_wait3A_855 = tpu.memref_slice %arg7[%dma_wait3A_851, %dma_wait3A_853, %dma_wait3A_854] : memref<4x80x128xf32, #tpu.memory_space<vmem>> -> memref<1x80x128xf32, #tpu.memory_space<vmem>>
      %dma_wait3A_856 = tpu.memref_squeeze %dma_wait3A_855 : memref<1x80x128xf32, #tpu.memory_space<vmem>> -> memref<80x128xf32, #tpu.memory_space<vmem>>
      %dma_wait3A_857 = arith.constant 0 : i32
      %dma_wait3A_858 = tpu.memref_slice %arg5[%dma_wait3A_850, %dma_wait3A_857] : memref<8x80xi32, #tpu.memory_space<vmem>> -> memref<1x80xi32, #tpu.memory_space<vmem>>
      %dma_wait3A_859 = tpu.memref_squeeze %dma_wait3A_858 : memref<1x80xi32, #tpu.memory_space<vmem>> -> memref<80xi32, #tpu.memory_space<vmem>>
      %dma_wait3A_860 = arith.constant 0 : i32
      %dma_wait3A_861 = arith.constant 0 : i32
      %dma_wait3A_862 = tpu.memref_slice %arg2[%dma_wait3A_860, %dma_wait3A_861] : memref<10000x128xf32, #tpu.memory_space<hbm>> -> memref<10000x128xf32, #tpu.memory_space<hbm>>
      %dma_wait3A_863 = tpu.memref_slice %arg11[%dma_wait3A_852] : memref<4x!tpu.dma_semaphore, #tpu.memory_space<semaphore_mem>> -> memref<1x!tpu.dma_semaphore, #tpu.memory_space<semaphore_mem>>
      %dma_wait3A_864 = tpu.memref_squeeze %dma_wait3A_863 : memref<1x!tpu.dma_semaphore, #tpu.memory_space<semaphore_mem>> -> memref<!tpu.dma_semaphore, #tpu.memory_space<semaphore_mem>>
      tpu.wait_indirect_dma semaphore(%dma_wait3A_864 : memref<!tpu.dma_semaphore, #tpu.memory_space<semaphore_mem>>) src(%dma_wait3A_862 : memref<10000x128xf32, #tpu.memory_space<hbm>>) dst(%dma_wait3A_856 : memref<80x128xf32, #tpu.memory_space<vmem>>)
      %dma_start3A_865 = arith.constant 0 : i32
      %dma_start3A_866 = arith.constant 4 : i32
      %dma_start3A_867 = arith.constant 0 : i32
      %dma_start3A_868 = arith.constant 0 : i32
      %dma_start3A_869 = arith.constant 0 : i32
      %dma_start3A_870 = tpu.memref_slice %arg7[%dma_start3A_865, %dma_start3A_868, %dma_start3A_869] : memref<4x80x128xf32, #tpu.memory_space<vmem>> -> memref<1x80x128xf32, #tpu.memory_space<vmem>>
      %dma_start3A_871 = tpu.memref_squeeze %dma_start3A_870 : memref<1x80x128xf32, #tpu.memory_space<vmem>> -> memref<80x128xf32, #tpu.memory_space<vmem>>
      %dma_start3A_872 = arith.constant 0 : i32
      %dma_start3A_873 = tpu.memref_slice %arg6[%dma_start3A_866, %dma_start3A_872] : memref<8x80xi32, #tpu.memory_space<vmem>> -> memref<1x80xi32, #tpu.memory_space<vmem>>
      %dma_start3A_874 = tpu.memref_squeeze %dma_start3A_873 : memref<1x80xi32, #tpu.memory_space<vmem>> -> memref<80xi32, #tpu.memory_space<vmem>>
      %dma_start3A_875 = arith.constant 0 : i32
      %dma_start3A_876 = arith.constant 0 : i32
      %dma_start3A_877 = tpu.memref_slice %arg9[%dma_start3A_875, %dma_start3A_876] : memref<10000x128xf32, #tpu.memory_space<vmem_shared>> -> memref<10000x128xf32, #tpu.memory_space<vmem_shared>>
      %dma_start3A_878 = tpu.memref_slice %arg12[%dma_start3A_867] : memref<4x!tpu.dma_semaphore, #tpu.memory_space<semaphore_mem>> -> memref<1x!tpu.dma_semaphore, #tpu.memory_space<semaphore_mem>>
      %dma_start3A_879 = tpu.memref_squeeze %dma_start3A_878 : memref<1x!tpu.dma_semaphore, #tpu.memory_space<semaphore_mem>> -> memref<!tpu.dma_semaphore, #tpu.memory_space<semaphore_mem>>
      tpu.enqueue_indirect_dma source(%dma_start3A_871 : memref<80x128xf32, #tpu.memory_space<vmem>>) target(%dma_start3A_877 : memref<10000x128xf32, #tpu.memory_space<vmem_shared>>) offsets(%dma_start3A_874 : memref<80xi32, #tpu.memory_space<vmem>>) semaphore(%dma_start3A_879 : memref<!tpu.dma_semaphore, #tpu.memory_space<semaphore_mem>>) {add = true}
      %dma_wait3A_880 = arith.constant 2 : i32
      %dma_wait3A_881 = arith.constant 2 : i32
      %dma_wait3A_882 = arith.constant 2 : i32
      %dma_wait3A_883 = arith.constant 0 : i32
      %dma_wait3A_884 = arith.constant 0 : i32
      %dma_wait3A_885 = tpu.memref_slice %arg7[%dma_wait3A_880, %dma_wait3A_883, %dma_wait3A_884] : memref<4x80x128xf32, #tpu.memory_space<vmem>> -> memref<1x80x128xf32, #tpu.memory_space<vmem>>
      %dma_wait3A_886 = tpu.memref_squeeze %dma_wait3A_885 : memref<1x80x128xf32, #tpu.memory_space<vmem>> -> memref<80x128xf32, #tpu.memory_space<vmem>>
      %dma_wait3A_887 = arith.constant 0 : i32
      %dma_wait3A_888 = tpu.memref_slice %arg6[%dma_wait3A_881, %dma_wait3A_887] : memref<8x80xi32, #tpu.memory_space<vmem>> -> memref<1x80xi32, #tpu.memory_space<vmem>>
      %dma_wait3A_889 = tpu.memref_squeeze %dma_wait3A_888 : memref<1x80xi32, #tpu.memory_space<vmem>> -> memref<80xi32, #tpu.memory_space<vmem>>
      %dma_wait3A_890 = arith.constant 0 : i32
      %dma_wait3A_891 = arith.constant 0 : i32
      %dma_wait3A_892 = tpu.memref_slice %arg9[%dma_wait3A_890, %dma_wait3A_891] : memref<10000x128xf32, #tpu.memory_space<vmem_shared>> -> memref<10000x128xf32, #tpu.memory_space<vmem_shared>>
      %dma_wait3A_893 = tpu.memref_slice %arg12[%dma_wait3A_882] : memref<4x!tpu.dma_semaphore, #tpu.memory_space<semaphore_mem>> -> memref<1x!tpu.dma_semaphore, #tpu.memory_space<semaphore_mem>>
      %dma_wait3A_894 = tpu.memref_squeeze %dma_wait3A_893 : memref<1x!tpu.dma_semaphore, #tpu.memory_space<semaphore_mem>> -> memref<!tpu.dma_semaphore, #tpu.memory_space<semaphore_mem>>
      tpu.wait_indirect_dma semaphore(%dma_wait3A_894 : memref<!tpu.dma_semaphore, #tpu.memory_space<semaphore_mem>>) src(%dma_wait3A_886 : memref<80x128xf32, #tpu.memory_space<vmem>>) dst(%dma_wait3A_892 : memref<10000x128xf32, #tpu.memory_space<vmem_shared>>)
      %dma_wait3A_895 = arith.constant 6 : i32
      %dma_wait3A_896 = arith.constant 6 : i32
      %dma_wait3A_897 = arith.constant 0 : i32
      %dma_wait3A_898 = tpu.memref_slice %arg5[%dma_wait3A_895, %dma_wait3A_897] : memref<8x80xi32, #tpu.memory_space<vmem>> -> memref<1x80xi32, #tpu.memory_space<vmem>>
      %dma_wait3A_899 = tpu.memref_squeeze %dma_wait3A_898 : memref<1x80xi32, #tpu.memory_space<vmem>> -> memref<80xi32, #tpu.memory_space<vmem>>
      %dma_wait3A_900 = arith.constant 0 : i32
      %dma_wait3A_901 = tpu.memref_slice %arg3[%dma_wait3A_900] : memref<640000xi32, #tpu.memory_space<hbm>> -> memref<80xi32, #tpu.memory_space<hbm>>
      %dma_wait3A_902 = tpu.memref_slice %arg10[%dma_wait3A_896] : memref<8x!tpu.dma_semaphore, #tpu.memory_space<semaphore_mem>> -> memref<1x!tpu.dma_semaphore, #tpu.memory_space<semaphore_mem>>
      %dma_wait3A_903 = tpu.memref_squeeze %dma_wait3A_902 : memref<1x!tpu.dma_semaphore, #tpu.memory_space<semaphore_mem>> -> memref<!tpu.dma_semaphore, #tpu.memory_space<semaphore_mem>>
      %dma_wait3A_904 = arith.constant 0 : i32
      %dma_wait3A_905 = tpu.memref_slice %arg5[%dma_wait3A_895, %dma_wait3A_904] : memref<8x80xi32, #tpu.memory_space<vmem>> -> memref<1x80xi32, #tpu.memory_space<vmem>>
      %dma_wait3A_906 = tpu.memref_squeeze %dma_wait3A_905 : memref<1x80xi32, #tpu.memory_space<vmem>> -> memref<80xi32, #tpu.memory_space<vmem>>
      %dma_wait3A_907 = arith.constant 0 : i32
      %dma_wait3A_908 = tpu.memref_slice %arg3[%dma_wait3A_907] : memref<640000xi32, #tpu.memory_space<hbm>> -> memref<80xi32, #tpu.memory_space<hbm>>
      tpu.wait_dma2 semaphore(%dma_wait3A_903 : memref<!tpu.dma_semaphore, #tpu.memory_space<semaphore_mem>>) src(%dma_wait3A_908 : memref<80xi32, #tpu.memory_space<hbm>>) dst(%dma_wait3A_906 : memref<80xi32, #tpu.memory_space<vmem>>)
      %dma_wait3A_909 = arith.constant 6 : i32
      %dma_wait3A_910 = arith.constant 6 : i32
      %dma_wait3A_911 = arith.constant 0 : i32
      %dma_wait3A_912 = tpu.memref_slice %arg6[%dma_wait3A_909, %dma_wait3A_911] : memref<8x80xi32, #tpu.memory_space<vmem>> -> memref<1x80xi32, #tpu.memory_space<vmem>>
      %dma_wait3A_913 = tpu.memref_squeeze %dma_wait3A_912 : memref<1x80xi32, #tpu.memory_space<vmem>> -> memref<80xi32, #tpu.memory_space<vmem>>
      %dma_wait3A_914 = arith.constant 0 : i32
      %dma_wait3A_915 = tpu.memref_slice %arg3[%dma_wait3A_914] : memref<640000xi32, #tpu.memory_space<hbm>> -> memref<80xi32, #tpu.memory_space<hbm>>
      %dma_wait3A_916 = tpu.memref_slice %arg10[%dma_wait3A_910] : memref<8x!tpu.dma_semaphore, #tpu.memory_space<semaphore_mem>> -> memref<1x!tpu.dma_semaphore, #tpu.memory_space<semaphore_mem>>
      %dma_wait3A_917 = tpu.memref_squeeze %dma_wait3A_916 : memref<1x!tpu.dma_semaphore, #tpu.memory_space<semaphore_mem>> -> memref<!tpu.dma_semaphore, #tpu.memory_space<semaphore_mem>>
      %dma_wait3A_918 = arith.constant 0 : i32
      %dma_wait3A_919 = tpu.memref_slice %arg6[%dma_wait3A_909, %dma_wait3A_918] : memref<8x80xi32, #tpu.memory_space<vmem>> -> memref<1x80xi32, #tpu.memory_space<vmem>>
      %dma_wait3A_920 = tpu.memref_squeeze %dma_wait3A_919 : memref<1x80xi32, #tpu.memory_space<vmem>> -> memref<80xi32, #tpu.memory_space<vmem>>
      %dma_wait3A_921 = arith.constant 0 : i32
      %dma_wait3A_922 = tpu.memref_slice %arg3[%dma_wait3A_921] : memref<640000xi32, #tpu.memory_space<hbm>> -> memref<80xi32, #tpu.memory_space<hbm>>
      tpu.wait_dma2 semaphore(%dma_wait3A_917 : memref<!tpu.dma_semaphore, #tpu.memory_space<semaphore_mem>>) src(%dma_wait3A_922 : memref<80xi32, #tpu.memory_space<hbm>>) dst(%dma_wait3A_920 : memref<80xi32, #tpu.memory_space<vmem>>)
      %dma_start3A_923 = arith.constant 6 : i32
      %dma_start3A_924 = arith.constant 2 : i32
      %dma_start3A_925 = arith.constant 2 : i32
      %dma_start3A_926 = arith.constant 0 : i32
      %dma_start3A_927 = arith.constant 0 : i32
      %dma_start3A_928 = tpu.memref_slice %arg7[%dma_start3A_924, %dma_start3A_926, %dma_start3A_927] : memref<4x80x128xf32, #tpu.memory_space<vmem>> -> memref<1x80x128xf32, #tpu.memory_space<vmem>>
      %dma_start3A_929 = tpu.memref_squeeze %dma_start3A_928 : memref<1x80x128xf32, #tpu.memory_space<vmem>> -> memref<80x128xf32, #tpu.memory_space<vmem>>
      %dma_start3A_930 = arith.constant 0 : i32
      %dma_start3A_931 = tpu.memref_slice %arg5[%dma_start3A_923, %dma_start3A_930] : memref<8x80xi32, #tpu.memory_space<vmem>> -> memref<1x80xi32, #tpu.memory_space<vmem>>
      %dma_start3A_932 = tpu.memref_squeeze %dma_start3A_931 : memref<1x80xi32, #tpu.memory_space<vmem>> -> memref<80xi32, #tpu.memory_space<vmem>>
      %dma_start3A_933 = arith.constant 0 : i32
      %dma_start3A_934 = arith.constant 0 : i32
      %dma_start3A_935 = tpu.memref_slice %arg2[%dma_start3A_933, %dma_start3A_934] : memref<10000x128xf32, #tpu.memory_space<hbm>> -> memref<10000x128xf32, #tpu.memory_space<hbm>>
      %dma_start3A_936 = tpu.memref_slice %arg11[%dma_start3A_925] : memref<4x!tpu.dma_semaphore, #tpu.memory_space<semaphore_mem>> -> memref<1x!tpu.dma_semaphore, #tpu.memory_space<semaphore_mem>>
      %dma_start3A_937 = tpu.memref_squeeze %dma_start3A_936 : memref<1x!tpu.dma_semaphore, #tpu.memory_space<semaphore_mem>> -> memref<!tpu.dma_semaphore, #tpu.memory_space<semaphore_mem>>
      tpu.enqueue_indirect_dma source(%dma_start3A_935 : memref<10000x128xf32, #tpu.memory_space<hbm>>) target(%dma_start3A_929 : memref<80x128xf32, #tpu.memory_space<vmem>>) offsets(%dma_start3A_932 : memref<80xi32, #tpu.memory_space<vmem>>) semaphore(%dma_start3A_937 : memref<!tpu.dma_semaphore, #tpu.memory_space<semaphore_mem>>)
      %add3A_938 = arith.constant 4 : i32
      %add3A_939 = arith.addi %add3A_849, %add3A_938 : i32
      %lt3A_940 = arith.constant 125 : i32
      %lt3A_941 = arith.cmpi slt, %add3A_939, %lt3A_940 : i32
      %convert_element_type3A_942 = arith.extui %lt3A_941 : i1 to i32
      %cond3A_943 = arith.constant 0 : i32
      %cond3A_944 = arith.cmpi ne, %convert_element_type3A_942, %cond3A_943 : i32
      scf.if %cond3A_944 {
        %add3A_1430 = arith.constant 4 : i32
        %add3A_1431 = arith.addi %add3A_849, %add3A_1430 : i32
        %mul3A_1432 = arith.constant 80 : i32
        %mul3A_1433 = arith.muli %add3A_1431, %mul3A_1432 : i32
        %add3A_1434 = arith.addi %mul3A_2, %mul3A_1433 : i32
        %dma_start3A_1435 = arith.constant 0 : i32
        %dma_start3A_1436 = arith.constant 0 : i32
        %dma_start3A_1437 = arith.constant 0 : i32
        %dma_start3A_1438 = tpu.memref_slice %arg5[%dma_start3A_1435, %dma_start3A_1437] : memref<8x80xi32, #tpu.memory_space<vmem>> -> memref<1x80xi32, #tpu.memory_space<vmem>>
        %dma_start3A_1439 = tpu.memref_squeeze %dma_start3A_1438 : memref<1x80xi32, #tpu.memory_space<vmem>> -> memref<80xi32, #tpu.memory_space<vmem>>
        %dma_start3A_1440 = tpu.memref_slice %arg3[%add3A_1434] : memref<640000xi32, #tpu.memory_space<hbm>> -> memref<80xi32, #tpu.memory_space<hbm>>
        %dma_start3A_1441 = tpu.memref_slice %arg10[%dma_start3A_1436] : memref<8x!tpu.dma_semaphore, #tpu.memory_space<semaphore_mem>> -> memref<1x!tpu.dma_semaphore, #tpu.memory_space<semaphore_mem>>
        %dma_start3A_1442 = tpu.memref_squeeze %dma_start3A_1441 : memref<1x!tpu.dma_semaphore, #tpu.memory_space<semaphore_mem>> -> memref<!tpu.dma_semaphore, #tpu.memory_space<semaphore_mem>>
        %dma_start3A_1443 = arith.constant 0 : i32
        %dma_start3A_1444 = tpu.memref_slice %arg5[%dma_start3A_1435, %dma_start3A_1443] : memref<8x80xi32, #tpu.memory_space<vmem>> -> memref<1x80xi32, #tpu.memory_space<vmem>>
        %dma_start3A_1445 = tpu.memref_squeeze %dma_start3A_1444 : memref<1x80xi32, #tpu.memory_space<vmem>> -> memref<80xi32, #tpu.memory_space<vmem>>
        %dma_start3A_1446 = tpu.memref_slice %arg3[%add3A_1434] : memref<640000xi32, #tpu.memory_space<hbm>> -> memref<80xi32, #tpu.memory_space<hbm>>
        tpu.enqueue_dma source(%dma_start3A_1446 : memref<80xi32, #tpu.memory_space<hbm>>) target(%dma_start3A_1445 : memref<80xi32, #tpu.memory_space<vmem>>) target_semaphore(%dma_start3A_1442 : memref<!tpu.dma_semaphore, #tpu.memory_space<semaphore_mem>>)
        %add3A_1447 = arith.constant 320000 : i32
        %add3A_1448 = arith.addi %add3A_1447, %add3A_1434 : i32
        %dma_start3A_1449 = arith.constant 0 : i32
        %dma_start3A_1450 = arith.constant 0 : i32
        %dma_start3A_1451 = arith.constant 0 : i32
        %dma_start3A_1452 = tpu.memref_slice %arg6[%dma_start3A_1449, %dma_start3A_1451] : memref<8x80xi32, #tpu.memory_space<vmem>> -> memref<1x80xi32, #tpu.memory_space<vmem>>
        %dma_start3A_1453 = tpu.memref_squeeze %dma_start3A_1452 : memref<1x80xi32, #tpu.memory_space<vmem>> -> memref<80xi32, #tpu.memory_space<vmem>>
        %dma_start3A_1454 = tpu.memref_slice %arg3[%add3A_1448] : memref<640000xi32, #tpu.memory_space<hbm>> -> memref<80xi32, #tpu.memory_space<hbm>>
        %dma_start3A_1455 = tpu.memref_slice %arg10[%dma_start3A_1450] : memref<8x!tpu.dma_semaphore, #tpu.memory_space<semaphore_mem>> -> memref<1x!tpu.dma_semaphore, #tpu.memory_space<semaphore_mem>>
        %dma_start3A_1456 = tpu.memref_squeeze %dma_start3A_1455 : memref<1x!tpu.dma_semaphore, #tpu.memory_space<semaphore_mem>> -> memref<!tpu.dma_semaphore, #tpu.memory_space<semaphore_mem>>
        %dma_start3A_1457 = arith.constant 0 : i32
        %dma_start3A_1458 = tpu.memref_slice %arg6[%dma_start3A_1449, %dma_start3A_1457] : memref<8x80xi32, #tpu.memory_space<vmem>> -> memref<1x80xi32, #tpu.memory_space<vmem>>
        %dma_start3A_1459 = tpu.memref_squeeze %dma_start3A_1458 : memref<1x80xi32, #tpu.memory_space<vmem>> -> memref<80xi32, #tpu.memory_space<vmem>>
        %dma_start3A_1460 = tpu.memref_slice %arg3[%add3A_1448] : memref<640000xi32, #tpu.memory_space<hbm>> -> memref<80xi32, #tpu.memory_space<hbm>>
        tpu.enqueue_dma source(%dma_start3A_1460 : memref<80xi32, #tpu.memory_space<hbm>>) target(%dma_start3A_1459 : memref<80xi32, #tpu.memory_space<vmem>>) target_semaphore(%dma_start3A_1456 : memref<!tpu.dma_semaphore, #tpu.memory_space<semaphore_mem>>)
      } else {
      }
      %add3A_945 = arith.constant 3 : i32
      %add3A_946 = arith.addi %add3A_654, %add3A_945 : i32
      %dma_wait3A_947 = arith.constant 5 : i32
      %dma_wait3A_948 = arith.constant 1 : i32
      %dma_wait3A_949 = arith.constant 1 : i32
      %dma_wait3A_950 = arith.constant 0 : i32
      %dma_wait3A_951 = arith.constant 0 : i32
      %dma_wait3A_952 = tpu.memref_slice %arg7[%dma_wait3A_948, %dma_wait3A_950, %dma_wait3A_951] : memref<4x80x128xf32, #tpu.memory_space<vmem>> -> memref<1x80x128xf32, #tpu.memory_space<vmem>>
      %dma_wait3A_953 = tpu.memref_squeeze %dma_wait3A_952 : memref<1x80x128xf32, #tpu.memory_space<vmem>> -> memref<80x128xf32, #tpu.memory_space<vmem>>
      %dma_wait3A_954 = arith.constant 0 : i32
      %dma_wait3A_955 = tpu.memref_slice %arg5[%dma_wait3A_947, %dma_wait3A_954] : memref<8x80xi32, #tpu.memory_space<vmem>> -> memref<1x80xi32, #tpu.memory_space<vmem>>
      %dma_wait3A_956 = tpu.memref_squeeze %dma_wait3A_955 : memref<1x80xi32, #tpu.memory_space<vmem>> -> memref<80xi32, #tpu.memory_space<vmem>>
      %dma_wait3A_957 = arith.constant 0 : i32
      %dma_wait3A_958 = arith.constant 0 : i32
      %dma_wait3A_959 = tpu.memref_slice %arg2[%dma_wait3A_957, %dma_wait3A_958] : memref<10000x128xf32, #tpu.memory_space<hbm>> -> memref<10000x128xf32, #tpu.memory_space<hbm>>
      %dma_wait3A_960 = tpu.memref_slice %arg11[%dma_wait3A_949] : memref<4x!tpu.dma_semaphore, #tpu.memory_space<semaphore_mem>> -> memref<1x!tpu.dma_semaphore, #tpu.memory_space<semaphore_mem>>
      %dma_wait3A_961 = tpu.memref_squeeze %dma_wait3A_960 : memref<1x!tpu.dma_semaphore, #tpu.memory_space<semaphore_mem>> -> memref<!tpu.dma_semaphore, #tpu.memory_space<semaphore_mem>>
      tpu.wait_indirect_dma semaphore(%dma_wait3A_961 : memref<!tpu.dma_semaphore, #tpu.memory_space<semaphore_mem>>) src(%dma_wait3A_959 : memref<10000x128xf32, #tpu.memory_space<hbm>>) dst(%dma_wait3A_953 : memref<80x128xf32, #tpu.memory_space<vmem>>)
      %dma_start3A_962 = arith.constant 1 : i32
      %dma_start3A_963 = arith.constant 5 : i32
      %dma_start3A_964 = arith.constant 1 : i32
      %dma_start3A_965 = arith.constant 0 : i32
      %dma_start3A_966 = arith.constant 0 : i32
      %dma_start3A_967 = tpu.memref_slice %arg7[%dma_start3A_962, %dma_start3A_965, %dma_start3A_966] : memref<4x80x128xf32, #tpu.memory_space<vmem>> -> memref<1x80x128xf32, #tpu.memory_space<vmem>>
      %dma_start3A_968 = tpu.memref_squeeze %dma_start3A_967 : memref<1x80x128xf32, #tpu.memory_space<vmem>> -> memref<80x128xf32, #tpu.memory_space<vmem>>
      %dma_start3A_969 = arith.constant 0 : i32
      %dma_start3A_970 = tpu.memref_slice %arg6[%dma_start3A_963, %dma_start3A_969] : memref<8x80xi32, #tpu.memory_space<vmem>> -> memref<1x80xi32, #tpu.memory_space<vmem>>
      %dma_start3A_971 = tpu.memref_squeeze %dma_start3A_970 : memref<1x80xi32, #tpu.memory_space<vmem>> -> memref<80xi32, #tpu.memory_space<vmem>>
      %dma_start3A_972 = arith.constant 0 : i32
      %dma_start3A_973 = arith.constant 0 : i32
      %dma_start3A_974 = tpu.memref_slice %arg9[%dma_start3A_972, %dma_start3A_973] : memref<10000x128xf32, #tpu.memory_space<vmem_shared>> -> memref<10000x128xf32, #tpu.memory_space<vmem_shared>>
      %dma_start3A_975 = tpu.memref_slice %arg12[%dma_start3A_964] : memref<4x!tpu.dma_semaphore, #tpu.memory_space<semaphore_mem>> -> memref<1x!tpu.dma_semaphore, #tpu.memory_space<semaphore_mem>>
      %dma_start3A_976 = tpu.memref_squeeze %dma_start3A_975 : memref<1x!tpu.dma_semaphore, #tpu.memory_space<semaphore_mem>> -> memref<!tpu.dma_semaphore, #tpu.memory_space<semaphore_mem>>
      tpu.enqueue_indirect_dma source(%dma_start3A_968 : memref<80x128xf32, #tpu.memory_space<vmem>>) target(%dma_start3A_974 : memref<10000x128xf32, #tpu.memory_space<vmem_shared>>) offsets(%dma_start3A_971 : memref<80xi32, #tpu.memory_space<vmem>>) semaphore(%dma_start3A_976 : memref<!tpu.dma_semaphore, #tpu.memory_space<semaphore_mem>>) {add = true}
      %dma_wait3A_977 = arith.constant 3 : i32
      %dma_wait3A_978 = arith.constant 3 : i32
      %dma_wait3A_979 = arith.constant 3 : i32
      %dma_wait3A_980 = arith.constant 0 : i32
      %dma_wait3A_981 = arith.constant 0 : i32
      %dma_wait3A_982 = tpu.memref_slice %arg7[%dma_wait3A_977, %dma_wait3A_980, %dma_wait3A_981] : memref<4x80x128xf32, #tpu.memory_space<vmem>> -> memref<1x80x128xf32, #tpu.memory_space<vmem>>
      %dma_wait3A_983 = tpu.memref_squeeze %dma_wait3A_982 : memref<1x80x128xf32, #tpu.memory_space<vmem>> -> memref<80x128xf32, #tpu.memory_space<vmem>>
      %dma_wait3A_984 = arith.constant 0 : i32
      %dma_wait3A_985 = tpu.memref_slice %arg6[%dma_wait3A_978, %dma_wait3A_984] : memref<8x80xi32, #tpu.memory_space<vmem>> -> memref<1x80xi32, #tpu.memory_space<vmem>>
      %dma_wait3A_986 = tpu.memref_squeeze %dma_wait3A_985 : memref<1x80xi32, #tpu.memory_space<vmem>> -> memref<80xi32, #tpu.memory_space<vmem>>
      %dma_wait3A_987 = arith.constant 0 : i32
      %dma_wait3A_988 = arith.constant 0 : i32
      %dma_wait3A_989 = tpu.memref_slice %arg9[%dma_wait3A_987, %dma_wait3A_988] : memref<10000x128xf32, #tpu.memory_space<vmem_shared>> -> memref<10000x128xf32, #tpu.memory_space<vmem_shared>>
      %dma_wait3A_990 = tpu.memref_slice %arg12[%dma_wait3A_979] : memref<4x!tpu.dma_semaphore, #tpu.memory_space<semaphore_mem>> -> memref<1x!tpu.dma_semaphore, #tpu.memory_space<semaphore_mem>>
      %dma_wait3A_991 = tpu.memref_squeeze %dma_wait3A_990 : memref<1x!tpu.dma_semaphore, #tpu.memory_space<semaphore_mem>> -> memref<!tpu.dma_semaphore, #tpu.memory_space<semaphore_mem>>
      tpu.wait_indirect_dma semaphore(%dma_wait3A_991 : memref<!tpu.dma_semaphore, #tpu.memory_space<semaphore_mem>>) src(%dma_wait3A_983 : memref<80x128xf32, #tpu.memory_space<vmem>>) dst(%dma_wait3A_989 : memref<10000x128xf32, #tpu.memory_space<vmem_shared>>)
      %dma_wait3A_992 = arith.constant 7 : i32
      %dma_wait3A_993 = arith.constant 7 : i32
      %dma_wait3A_994 = arith.constant 0 : i32
      %dma_wait3A_995 = tpu.memref_slice %arg5[%dma_wait3A_992, %dma_wait3A_994] : memref<8x80xi32, #tpu.memory_space<vmem>> -> memref<1x80xi32, #tpu.memory_space<vmem>>
      %dma_wait3A_996 = tpu.memref_squeeze %dma_wait3A_995 : memref<1x80xi32, #tpu.memory_space<vmem>> -> memref<80xi32, #tpu.memory_space<vmem>>
      %dma_wait3A_997 = arith.constant 0 : i32
      %dma_wait3A_998 = tpu.memref_slice %arg3[%dma_wait3A_997] : memref<640000xi32, #tpu.memory_space<hbm>> -> memref<80xi32, #tpu.memory_space<hbm>>
      %dma_wait3A_999 = tpu.memref_slice %arg10[%dma_wait3A_993] : memref<8x!tpu.dma_semaphore, #tpu.memory_space<semaphore_mem>> -> memref<1x!tpu.dma_semaphore, #tpu.memory_space<semaphore_mem>>
      %dma_wait3A_1000 = tpu.memref_squeeze %dma_wait3A_999 : memref<1x!tpu.dma_semaphore, #tpu.memory_space<semaphore_mem>> -> memref<!tpu.dma_semaphore, #tpu.memory_space<semaphore_mem>>
      %dma_wait3A_1001 = arith.constant 0 : i32
      %dma_wait3A_1002 = tpu.memref_slice %arg5[%dma_wait3A_992, %dma_wait3A_1001] : memref<8x80xi32, #tpu.memory_space<vmem>> -> memref<1x80xi32, #tpu.memory_space<vmem>>
      %dma_wait3A_1003 = tpu.memref_squeeze %dma_wait3A_1002 : memref<1x80xi32, #tpu.memory_space<vmem>> -> memref<80xi32, #tpu.memory_space<vmem>>
      %dma_wait3A_1004 = arith.constant 0 : i32
      %dma_wait3A_1005 = tpu.memref_slice %arg3[%dma_wait3A_1004] : memref<640000xi32, #tpu.memory_space<hbm>> -> memref<80xi32, #tpu.memory_space<hbm>>
      tpu.wait_dma2 semaphore(%dma_wait3A_1000 : memref<!tpu.dma_semaphore, #tpu.memory_space<semaphore_mem>>) src(%dma_wait3A_1005 : memref<80xi32, #tpu.memory_space<hbm>>) dst(%dma_wait3A_1003 : memref<80xi32, #tpu.memory_space<vmem>>)
      %dma_wait3A_1006 = arith.constant 7 : i32
      %dma_wait3A_1007 = arith.constant 7 : i32
      %dma_wait3A_1008 = arith.constant 0 : i32
      %dma_wait3A_1009 = tpu.memref_slice %arg6[%dma_wait3A_1006, %dma_wait3A_1008] : memref<8x80xi32, #tpu.memory_space<vmem>> -> memref<1x80xi32, #tpu.memory_space<vmem>>
      %dma_wait3A_1010 = tpu.memref_squeeze %dma_wait3A_1009 : memref<1x80xi32, #tpu.memory_space<vmem>> -> memref<80xi32, #tpu.memory_space<vmem>>
      %dma_wait3A_1011 = arith.constant 0 : i32
      %dma_wait3A_1012 = tpu.memref_slice %arg3[%dma_wait3A_1011] : memref<640000xi32, #tpu.memory_space<hbm>> -> memref<80xi32, #tpu.memory_space<hbm>>
      %dma_wait3A_1013 = tpu.memref_slice %arg10[%dma_wait3A_1007] : memref<8x!tpu.dma_semaphore, #tpu.memory_space<semaphore_mem>> -> memref<1x!tpu.dma_semaphore, #tpu.memory_space<semaphore_mem>>
      %dma_wait3A_1014 = tpu.memref_squeeze %dma_wait3A_1013 : memref<1x!tpu.dma_semaphore, #tpu.memory_space<semaphore_mem>> -> memref<!tpu.dma_semaphore, #tpu.memory_space<semaphore_mem>>
      %dma_wait3A_1015 = arith.constant 0 : i32
      %dma_wait3A_1016 = tpu.memref_slice %arg6[%dma_wait3A_1006, %dma_wait3A_1015] : memref<8x80xi32, #tpu.memory_space<vmem>> -> memref<1x80xi32, #tpu.memory_space<vmem>>
      %dma_wait3A_1017 = tpu.memref_squeeze %dma_wait3A_1016 : memref<1x80xi32, #tpu.memory_space<vmem>> -> memref<80xi32, #tpu.memory_space<vmem>>
      %dma_wait3A_1018 = arith.constant 0 : i32
      %dma_wait3A_1019 = tpu.memref_slice %arg3[%dma_wait3A_1018] : memref<640000xi32, #tpu.memory_space<hbm>> -> memref<80xi32, #tpu.memory_space<hbm>>
      tpu.wait_dma2 semaphore(%dma_wait3A_1014 : memref<!tpu.dma_semaphore, #tpu.memory_space<semaphore_mem>>) src(%dma_wait3A_1019 : memref<80xi32, #tpu.memory_space<hbm>>) dst(%dma_wait3A_1017 : memref<80xi32, #tpu.memory_space<vmem>>)
      %dma_start3A_1020 = arith.constant 7 : i32
      %dma_start3A_1021 = arith.constant 3 : i32
      %dma_start3A_1022 = arith.constant 3 : i32
      %dma_start3A_1023 = arith.constant 0 : i32
      %dma_start3A_1024 = arith.constant 0 : i32
      %dma_start3A_1025 = tpu.memref_slice %arg7[%dma_start3A_1021, %dma_start3A_1023, %dma_start3A_1024] : memref<4x80x128xf32, #tpu.memory_space<vmem>> -> memref<1x80x128xf32, #tpu.memory_space<vmem>>
      %dma_start3A_1026 = tpu.memref_squeeze %dma_start3A_1025 : memref<1x80x128xf32, #tpu.memory_space<vmem>> -> memref<80x128xf32, #tpu.memory_space<vmem>>
      %dma_start3A_1027 = arith.constant 0 : i32
      %dma_start3A_1028 = tpu.memref_slice %arg5[%dma_start3A_1020, %dma_start3A_1027] : memref<8x80xi32, #tpu.memory_space<vmem>> -> memref<1x80xi32, #tpu.memory_space<vmem>>
      %dma_start3A_1029 = tpu.memref_squeeze %dma_start3A_1028 : memref<1x80xi32, #tpu.memory_space<vmem>> -> memref<80xi32, #tpu.memory_space<vmem>>
      %dma_start3A_1030 = arith.constant 0 : i32
      %dma_start3A_1031 = arith.constant 0 : i32
      %dma_start3A_1032 = tpu.memref_slice %arg2[%dma_start3A_1030, %dma_start3A_1031] : memref<10000x128xf32, #tpu.memory_space<hbm>> -> memref<10000x128xf32, #tpu.memory_space<hbm>>
      %dma_start3A_1033 = tpu.memref_slice %arg11[%dma_start3A_1022] : memref<4x!tpu.dma_semaphore, #tpu.memory_space<semaphore_mem>> -> memref<1x!tpu.dma_semaphore, #tpu.memory_space<semaphore_mem>>
      %dma_start3A_1034 = tpu.memref_squeeze %dma_start3A_1033 : memref<1x!tpu.dma_semaphore, #tpu.memory_space<semaphore_mem>> -> memref<!tpu.dma_semaphore, #tpu.memory_space<semaphore_mem>>
      tpu.enqueue_indirect_dma source(%dma_start3A_1032 : memref<10000x128xf32, #tpu.memory_space<hbm>>) target(%dma_start3A_1026 : memref<80x128xf32, #tpu.memory_space<vmem>>) offsets(%dma_start3A_1029 : memref<80xi32, #tpu.memory_space<vmem>>) semaphore(%dma_start3A_1034 : memref<!tpu.dma_semaphore, #tpu.memory_space<semaphore_mem>>)
      %add3A_1035 = arith.constant 4 : i32
      %add3A_1036 = arith.addi %add3A_946, %add3A_1035 : i32
      %lt3A_1037 = arith.constant 125 : i32
      %lt3A_1038 = arith.cmpi slt, %add3A_1036, %lt3A_1037 : i32
      %convert_element_type3A_1039 = arith.extui %lt3A_1038 : i1 to i32
      %cond3A_1040 = arith.constant 0 : i32
      %cond3A_1041 = arith.cmpi ne, %convert_element_type3A_1039, %cond3A_1040 : i32
      scf.if %cond3A_1041 {
        %add3A_1430 = arith.constant 4 : i32
        %add3A_1431 = arith.addi %add3A_946, %add3A_1430 : i32
        %mul3A_1432 = arith.constant 80 : i32
        %mul3A_1433 = arith.muli %add3A_1431, %mul3A_1432 : i32
        %add3A_1434 = arith.addi %mul3A_2, %mul3A_1433 : i32
        %dma_start3A_1435 = arith.constant 1 : i32
        %dma_start3A_1436 = arith.constant 1 : i32
        %dma_start3A_1437 = arith.constant 0 : i32
        %dma_start3A_1438 = tpu.memref_slice %arg5[%dma_start3A_1435, %dma_start3A_1437] : memref<8x80xi32, #tpu.memory_space<vmem>> -> memref<1x80xi32, #tpu.memory_space<vmem>>
        %dma_start3A_1439 = tpu.memref_squeeze %dma_start3A_1438 : memref<1x80xi32, #tpu.memory_space<vmem>> -> memref<80xi32, #tpu.memory_space<vmem>>
        %dma_start3A_1440 = tpu.memref_slice %arg3[%add3A_1434] : memref<640000xi32, #tpu.memory_space<hbm>> -> memref<80xi32, #tpu.memory_space<hbm>>
        %dma_start3A_1441 = tpu.memref_slice %arg10[%dma_start3A_1436] : memref<8x!tpu.dma_semaphore, #tpu.memory_space<semaphore_mem>> -> memref<1x!tpu.dma_semaphore, #tpu.memory_space<semaphore_mem>>
        %dma_start3A_1442 = tpu.memref_squeeze %dma_start3A_1441 : memref<1x!tpu.dma_semaphore, #tpu.memory_space<semaphore_mem>> -> memref<!tpu.dma_semaphore, #tpu.memory_space<semaphore_mem>>
        %dma_start3A_1443 = arith.constant 0 : i32
        %dma_start3A_1444 = tpu.memref_slice %arg5[%dma_start3A_1435, %dma_start3A_1443] : memref<8x80xi32, #tpu.memory_space<vmem>> -> memref<1x80xi32, #tpu.memory_space<vmem>>
        %dma_start3A_1445 = tpu.memref_squeeze %dma_start3A_1444 : memref<1x80xi32, #tpu.memory_space<vmem>> -> memref<80xi32, #tpu.memory_space<vmem>>
        %dma_start3A_1446 = tpu.memref_slice %arg3[%add3A_1434] : memref<640000xi32, #tpu.memory_space<hbm>> -> memref<80xi32, #tpu.memory_space<hbm>>
        tpu.enqueue_dma source(%dma_start3A_1446 : memref<80xi32, #tpu.memory_space<hbm>>) target(%dma_start3A_1445 : memref<80xi32, #tpu.memory_space<vmem>>) target_semaphore(%dma_start3A_1442 : memref<!tpu.dma_semaphore, #tpu.memory_space<semaphore_mem>>)
        %add3A_1447 = arith.constant 320000 : i32
        %add3A_1448 = arith.addi %add3A_1447, %add3A_1434 : i32
        %dma_start3A_1449 = arith.constant 1 : i32
        %dma_start3A_1450 = arith.constant 1 : i32
        %dma_start3A_1451 = arith.constant 0 : i32
        %dma_start3A_1452 = tpu.memref_slice %arg6[%dma_start3A_1449, %dma_start3A_1451] : memref<8x80xi32, #tpu.memory_space<vmem>> -> memref<1x80xi32, #tpu.memory_space<vmem>>
        %dma_start3A_1453 = tpu.memref_squeeze %dma_start3A_1452 : memref<1x80xi32, #tpu.memory_space<vmem>> -> memref<80xi32, #tpu.memory_space<vmem>>
        %dma_start3A_1454 = tpu.memref_slice %arg3[%add3A_1448] : memref<640000xi32, #tpu.memory_space<hbm>> -> memref<80xi32, #tpu.memory_space<hbm>>
        %dma_start3A_1455 = tpu.memref_slice %arg10[%dma_start3A_1450] : memref<8x!tpu.dma_semaphore, #tpu.memory_space<semaphore_mem>> -> memref<1x!tpu.dma_semaphore, #tpu.memory_space<semaphore_mem>>
        %dma_start3A_1456 = tpu.memref_squeeze %dma_start3A_1455 : memref<1x!tpu.dma_semaphore, #tpu.memory_space<semaphore_mem>> -> memref<!tpu.dma_semaphore, #tpu.memory_space<semaphore_mem>>
        %dma_start3A_1457 = arith.constant 0 : i32
        %dma_start3A_1458 = tpu.memref_slice %arg6[%dma_start3A_1449, %dma_start3A_1457] : memref<8x80xi32, #tpu.memory_space<vmem>> -> memref<1x80xi32, #tpu.memory_space<vmem>>
        %dma_start3A_1459 = tpu.memref_squeeze %dma_start3A_1458 : memref<1x80xi32, #tpu.memory_space<vmem>> -> memref<80xi32, #tpu.memory_space<vmem>>
        %dma_start3A_1460 = tpu.memref_slice %arg3[%add3A_1448] : memref<640000xi32, #tpu.memory_space<hbm>> -> memref<80xi32, #tpu.memory_space<hbm>>
        tpu.enqueue_dma source(%dma_start3A_1460 : memref<80xi32, #tpu.memory_space<hbm>>) target(%dma_start3A_1459 : memref<80xi32, #tpu.memory_space<vmem>>) target_semaphore(%dma_start3A_1456 : memref<!tpu.dma_semaphore, #tpu.memory_space<semaphore_mem>>)
      } else {
      }
      %add3A_1042 = arith.constant 4 : i32
      %add3A_1043 = arith.addi %add3A_654, %add3A_1042 : i32
      %dma_wait3A_1044 = arith.constant 6 : i32
      %dma_wait3A_1045 = arith.constant 2 : i32
      %dma_wait3A_1046 = arith.constant 2 : i32
      %dma_wait3A_1047 = arith.constant 0 : i32
      %dma_wait3A_1048 = arith.constant 0 : i32
      %dma_wait3A_1049 = tpu.memref_slice %arg7[%dma_wait3A_1045, %dma_wait3A_1047, %dma_wait3A_1048] : memref<4x80x128xf32, #tpu.memory_space<vmem>> -> memref<1x80x128xf32, #tpu.memory_space<vmem>>
      %dma_wait3A_1050 = tpu.memref_squeeze %dma_wait3A_1049 : memref<1x80x128xf32, #tpu.memory_space<vmem>> -> memref<80x128xf32, #tpu.memory_space<vmem>>
      %dma_wait3A_1051 = arith.constant 0 : i32
      %dma_wait3A_1052 = tpu.memref_slice %arg5[%dma_wait3A_1044, %dma_wait3A_1051] : memref<8x80xi32, #tpu.memory_space<vmem>> -> memref<1x80xi32, #tpu.memory_space<vmem>>
      %dma_wait3A_1053 = tpu.memref_squeeze %dma_wait3A_1052 : memref<1x80xi32, #tpu.memory_space<vmem>> -> memref<80xi32, #tpu.memory_space<vmem>>
      %dma_wait3A_1054 = arith.constant 0 : i32
      %dma_wait3A_1055 = arith.constant 0 : i32
      %dma_wait3A_1056 = tpu.memref_slice %arg2[%dma_wait3A_1054, %dma_wait3A_1055] : memref<10000x128xf32, #tpu.memory_space<hbm>> -> memref<10000x128xf32, #tpu.memory_space<hbm>>
      %dma_wait3A_1057 = tpu.memref_slice %arg11[%dma_wait3A_1046] : memref<4x!tpu.dma_semaphore, #tpu.memory_space<semaphore_mem>> -> memref<1x!tpu.dma_semaphore, #tpu.memory_space<semaphore_mem>>
      %dma_wait3A_1058 = tpu.memref_squeeze %dma_wait3A_1057 : memref<1x!tpu.dma_semaphore, #tpu.memory_space<semaphore_mem>> -> memref<!tpu.dma_semaphore, #tpu.memory_space<semaphore_mem>>
      tpu.wait_indirect_dma semaphore(%dma_wait3A_1058 : memref<!tpu.dma_semaphore, #tpu.memory_space<semaphore_mem>>) src(%dma_wait3A_1056 : memref<10000x128xf32, #tpu.memory_space<hbm>>) dst(%dma_wait3A_1050 : memref<80x128xf32, #tpu.memory_space<vmem>>)
      %dma_start3A_1059 = arith.constant 2 : i32
      %dma_start3A_1060 = arith.constant 6 : i32
      %dma_start3A_1061 = arith.constant 2 : i32
      %dma_start3A_1062 = arith.constant 0 : i32
      %dma_start3A_1063 = arith.constant 0 : i32
      %dma_start3A_1064 = tpu.memref_slice %arg7[%dma_start3A_1059, %dma_start3A_1062, %dma_start3A_1063] : memref<4x80x128xf32, #tpu.memory_space<vmem>> -> memref<1x80x128xf32, #tpu.memory_space<vmem>>
      %dma_start3A_1065 = tpu.memref_squeeze %dma_start3A_1064 : memref<1x80x128xf32, #tpu.memory_space<vmem>> -> memref<80x128xf32, #tpu.memory_space<vmem>>
      %dma_start3A_1066 = arith.constant 0 : i32
      %dma_start3A_1067 = tpu.memref_slice %arg6[%dma_start3A_1060, %dma_start3A_1066] : memref<8x80xi32, #tpu.memory_space<vmem>> -> memref<1x80xi32, #tpu.memory_space<vmem>>
      %dma_start3A_1068 = tpu.memref_squeeze %dma_start3A_1067 : memref<1x80xi32, #tpu.memory_space<vmem>> -> memref<80xi32, #tpu.memory_space<vmem>>
      %dma_start3A_1069 = arith.constant 0 : i32
      %dma_start3A_1070 = arith.constant 0 : i32
      %dma_start3A_1071 = tpu.memref_slice %arg9[%dma_start3A_1069, %dma_start3A_1070] : memref<10000x128xf32, #tpu.memory_space<vmem_shared>> -> memref<10000x128xf32, #tpu.memory_space<vmem_shared>>
      %dma_start3A_1072 = tpu.memref_slice %arg12[%dma_start3A_1061] : memref<4x!tpu.dma_semaphore, #tpu.memory_space<semaphore_mem>> -> memref<1x!tpu.dma_semaphore, #tpu.memory_space<semaphore_mem>>
      %dma_start3A_1073 = tpu.memref_squeeze %dma_start3A_1072 : memref<1x!tpu.dma_semaphore, #tpu.memory_space<semaphore_mem>> -> memref<!tpu.dma_semaphore, #tpu.memory_space<semaphore_mem>>
      tpu.enqueue_indirect_dma source(%dma_start3A_1065 : memref<80x128xf32, #tpu.memory_space<vmem>>) target(%dma_start3A_1071 : memref<10000x128xf32, #tpu.memory_space<vmem_shared>>) offsets(%dma_start3A_1068 : memref<80xi32, #tpu.memory_space<vmem>>) semaphore(%dma_start3A_1073 : memref<!tpu.dma_semaphore, #tpu.memory_space<semaphore_mem>>) {add = true}
      %dma_wait3A_1074 = arith.constant 0 : i32
      %dma_wait3A_1075 = arith.constant 4 : i32
      %dma_wait3A_1076 = arith.constant 0 : i32
      %dma_wait3A_1077 = arith.constant 0 : i32
      %dma_wait3A_1078 = arith.constant 0 : i32
      %dma_wait3A_1079 = tpu.memref_slice %arg7[%dma_wait3A_1074, %dma_wait3A_1077, %dma_wait3A_1078] : memref<4x80x128xf32, #tpu.memory_space<vmem>> -> memref<1x80x128xf32, #tpu.memory_space<vmem>>
      %dma_wait3A_1080 = tpu.memref_squeeze %dma_wait3A_1079 : memref<1x80x128xf32, #tpu.memory_space<vmem>> -> memref<80x128xf32, #tpu.memory_space<vmem>>
      %dma_wait3A_1081 = arith.constant 0 : i32
      %dma_wait3A_1082 = tpu.memref_slice %arg6[%dma_wait3A_1075, %dma_wait3A_1081] : memref<8x80xi32, #tpu.memory_space<vmem>> -> memref<1x80xi32, #tpu.memory_space<vmem>>
      %dma_wait3A_1083 = tpu.memref_squeeze %dma_wait3A_1082 : memref<1x80xi32, #tpu.memory_space<vmem>> -> memref<80xi32, #tpu.memory_space<vmem>>
      %dma_wait3A_1084 = arith.constant 0 : i32
      %dma_wait3A_1085 = arith.constant 0 : i32
      %dma_wait3A_1086 = tpu.memref_slice %arg9[%dma_wait3A_1084, %dma_wait3A_1085] : memref<10000x128xf32, #tpu.memory_space<vmem_shared>> -> memref<10000x128xf32, #tpu.memory_space<vmem_shared>>
      %dma_wait3A_1087 = tpu.memref_slice %arg12[%dma_wait3A_1076] : memref<4x!tpu.dma_semaphore, #tpu.memory_space<semaphore_mem>> -> memref<1x!tpu.dma_semaphore, #tpu.memory_space<semaphore_mem>>
      %dma_wait3A_1088 = tpu.memref_squeeze %dma_wait3A_1087 : memref<1x!tpu.dma_semaphore, #tpu.memory_space<semaphore_mem>> -> memref<!tpu.dma_semaphore, #tpu.memory_space<semaphore_mem>>
      tpu.wait_indirect_dma semaphore(%dma_wait3A_1088 : memref<!tpu.dma_semaphore, #tpu.memory_space<semaphore_mem>>) src(%dma_wait3A_1080 : memref<80x128xf32, #tpu.memory_space<vmem>>) dst(%dma_wait3A_1086 : memref<10000x128xf32, #tpu.memory_space<vmem_shared>>)
      %dma_wait3A_1089 = arith.constant 0 : i32
      %dma_wait3A_1090 = arith.constant 0 : i32
      %dma_wait3A_1091 = arith.constant 0 : i32
      %dma_wait3A_1092 = tpu.memref_slice %arg5[%dma_wait3A_1089, %dma_wait3A_1091] : memref<8x80xi32, #tpu.memory_space<vmem>> -> memref<1x80xi32, #tpu.memory_space<vmem>>
      %dma_wait3A_1093 = tpu.memref_squeeze %dma_wait3A_1092 : memref<1x80xi32, #tpu.memory_space<vmem>> -> memref<80xi32, #tpu.memory_space<vmem>>
      %dma_wait3A_1094 = arith.constant 0 : i32
      %dma_wait3A_1095 = tpu.memref_slice %arg3[%dma_wait3A_1094] : memref<640000xi32, #tpu.memory_space<hbm>> -> memref<80xi32, #tpu.memory_space<hbm>>
      %dma_wait3A_1096 = tpu.memref_slice %arg10[%dma_wait3A_1090] : memref<8x!tpu.dma_semaphore, #tpu.memory_space<semaphore_mem>> -> memref<1x!tpu.dma_semaphore, #tpu.memory_space<semaphore_mem>>
      %dma_wait3A_1097 = tpu.memref_squeeze %dma_wait3A_1096 : memref<1x!tpu.dma_semaphore, #tpu.memory_space<semaphore_mem>> -> memref<!tpu.dma_semaphore, #tpu.memory_space<semaphore_mem>>
      %dma_wait3A_1098 = arith.constant 0 : i32
      %dma_wait3A_1099 = tpu.memref_slice %arg5[%dma_wait3A_1089, %dma_wait3A_1098] : memref<8x80xi32, #tpu.memory_space<vmem>> -> memref<1x80xi32, #tpu.memory_space<vmem>>
      %dma_wait3A_1100 = tpu.memref_squeeze %dma_wait3A_1099 : memref<1x80xi32, #tpu.memory_space<vmem>> -> memref<80xi32, #tpu.memory_space<vmem>>
      %dma_wait3A_1101 = arith.constant 0 : i32
      %dma_wait3A_1102 = tpu.memref_slice %arg3[%dma_wait3A_1101] : memref<640000xi32, #tpu.memory_space<hbm>> -> memref<80xi32, #tpu.memory_space<hbm>>
      tpu.wait_dma2 semaphore(%dma_wait3A_1097 : memref<!tpu.dma_semaphore, #tpu.memory_space<semaphore_mem>>) src(%dma_wait3A_1102 : memref<80xi32, #tpu.memory_space<hbm>>) dst(%dma_wait3A_1100 : memref<80xi32, #tpu.memory_space<vmem>>)
      %dma_wait3A_1103 = arith.constant 0 : i32
      %dma_wait3A_1104 = arith.constant 0 : i32
      %dma_wait3A_1105 = arith.constant 0 : i32
      %dma_wait3A_1106 = tpu.memref_slice %arg6[%dma_wait3A_1103, %dma_wait3A_1105] : memref<8x80xi32, #tpu.memory_space<vmem>> -> memref<1x80xi32, #tpu.memory_space<vmem>>
      %dma_wait3A_1107 = tpu.memref_squeeze %dma_wait3A_1106 : memref<1x80xi32, #tpu.memory_space<vmem>> -> memref<80xi32, #tpu.memory_space<vmem>>
      %dma_wait3A_1108 = arith.constant 0 : i32
      %dma_wait3A_1109 = tpu.memref_slice %arg3[%dma_wait3A_1108] : memref<640000xi32, #tpu.memory_space<hbm>> -> memref<80xi32, #tpu.memory_space<hbm>>
      %dma_wait3A_1110 = tpu.memref_slice %arg10[%dma_wait3A_1104] : memref<8x!tpu.dma_semaphore, #tpu.memory_space<semaphore_mem>> -> memref<1x!tpu.dma_semaphore, #tpu.memory_space<semaphore_mem>>
      %dma_wait3A_1111 = tpu.memref_squeeze %dma_wait3A_1110 : memref<1x!tpu.dma_semaphore, #tpu.memory_space<semaphore_mem>> -> memref<!tpu.dma_semaphore, #tpu.memory_space<semaphore_mem>>
      %dma_wait3A_1112 = arith.constant 0 : i32
      %dma_wait3A_1113 = tpu.memref_slice %arg6[%dma_wait3A_1103, %dma_wait3A_1112] : memref<8x80xi32, #tpu.memory_space<vmem>> -> memref<1x80xi32, #tpu.memory_space<vmem>>
      %dma_wait3A_1114 = tpu.memref_squeeze %dma_wait3A_1113 : memref<1x80xi32, #tpu.memory_space<vmem>> -> memref<80xi32, #tpu.memory_space<vmem>>
      %dma_wait3A_1115 = arith.constant 0 : i32
      %dma_wait3A_1116 = tpu.memref_slice %arg3[%dma_wait3A_1115] : memref<640000xi32, #tpu.memory_space<hbm>> -> memref<80xi32, #tpu.memory_space<hbm>>
      tpu.wait_dma2 semaphore(%dma_wait3A_1111 : memref<!tpu.dma_semaphore, #tpu.memory_space<semaphore_mem>>) src(%dma_wait3A_1116 : memref<80xi32, #tpu.memory_space<hbm>>) dst(%dma_wait3A_1114 : memref<80xi32, #tpu.memory_space<vmem>>)
      %dma_start3A_1117 = arith.constant 0 : i32
      %dma_start3A_1118 = arith.constant 0 : i32
      %dma_start3A_1119 = arith.constant 0 : i32
      %dma_start3A_1120 = arith.constant 0 : i32
      %dma_start3A_1121 = arith.constant 0 : i32
      %dma_start3A_1122 = tpu.memref_slice %arg7[%dma_start3A_1118, %dma_start3A_1120, %dma_start3A_1121] : memref<4x80x128xf32, #tpu.memory_space<vmem>> -> memref<1x80x128xf32, #tpu.memory_space<vmem>>
      %dma_start3A_1123 = tpu.memref_squeeze %dma_start3A_1122 : memref<1x80x128xf32, #tpu.memory_space<vmem>> -> memref<80x128xf32, #tpu.memory_space<vmem>>
      %dma_start3A_1124 = arith.constant 0 : i32
      %dma_start3A_1125 = tpu.memref_slice %arg5[%dma_start3A_1117, %dma_start3A_1124] : memref<8x80xi32, #tpu.memory_space<vmem>> -> memref<1x80xi32, #tpu.memory_space<vmem>>
      %dma_start3A_1126 = tpu.memref_squeeze %dma_start3A_1125 : memref<1x80xi32, #tpu.memory_space<vmem>> -> memref<80xi32, #tpu.memory_space<vmem>>
      %dma_start3A_1127 = arith.constant 0 : i32
      %dma_start3A_1128 = arith.constant 0 : i32
      %dma_start3A_1129 = tpu.memref_slice %arg2[%dma_start3A_1127, %dma_start3A_1128] : memref<10000x128xf32, #tpu.memory_space<hbm>> -> memref<10000x128xf32, #tpu.memory_space<hbm>>
      %dma_start3A_1130 = tpu.memref_slice %arg11[%dma_start3A_1119] : memref<4x!tpu.dma_semaphore, #tpu.memory_space<semaphore_mem>> -> memref<1x!tpu.dma_semaphore, #tpu.memory_space<semaphore_mem>>
      %dma_start3A_1131 = tpu.memref_squeeze %dma_start3A_1130 : memref<1x!tpu.dma_semaphore, #tpu.memory_space<semaphore_mem>> -> memref<!tpu.dma_semaphore, #tpu.memory_space<semaphore_mem>>
      tpu.enqueue_indirect_dma source(%dma_start3A_1129 : memref<10000x128xf32, #tpu.memory_space<hbm>>) target(%dma_start3A_1123 : memref<80x128xf32, #tpu.memory_space<vmem>>) offsets(%dma_start3A_1126 : memref<80xi32, #tpu.memory_space<vmem>>) semaphore(%dma_start3A_1131 : memref<!tpu.dma_semaphore, #tpu.memory_space<semaphore_mem>>)
      %add3A_1132 = arith.constant 4 : i32
      %add3A_1133 = arith.addi %add3A_1043, %add3A_1132 : i32
      %lt3A_1134 = arith.constant 125 : i32
      %lt3A_1135 = arith.cmpi slt, %add3A_1133, %lt3A_1134 : i32
      %convert_element_type3A_1136 = arith.extui %lt3A_1135 : i1 to i32
      %cond3A_1137 = arith.constant 0 : i32
      %cond3A_1138 = arith.cmpi ne, %convert_element_type3A_1136, %cond3A_1137 : i32
      scf.if %cond3A_1138 {
        %add3A_1430 = arith.constant 4 : i32
        %add3A_1431 = arith.addi %add3A_1043, %add3A_1430 : i32
        %mul3A_1432 = arith.constant 80 : i32
        %mul3A_1433 = arith.muli %add3A_1431, %mul3A_1432 : i32
        %add3A_1434 = arith.addi %mul3A_2, %mul3A_1433 : i32
        %dma_start3A_1435 = arith.constant 2 : i32
        %dma_start3A_1436 = arith.constant 2 : i32
        %dma_start3A_1437 = arith.constant 0 : i32
        %dma_start3A_1438 = tpu.memref_slice %arg5[%dma_start3A_1435, %dma_start3A_1437] : memref<8x80xi32, #tpu.memory_space<vmem>> -> memref<1x80xi32, #tpu.memory_space<vmem>>
        %dma_start3A_1439 = tpu.memref_squeeze %dma_start3A_1438 : memref<1x80xi32, #tpu.memory_space<vmem>> -> memref<80xi32, #tpu.memory_space<vmem>>
        %dma_start3A_1440 = tpu.memref_slice %arg3[%add3A_1434] : memref<640000xi32, #tpu.memory_space<hbm>> -> memref<80xi32, #tpu.memory_space<hbm>>
        %dma_start3A_1441 = tpu.memref_slice %arg10[%dma_start3A_1436] : memref<8x!tpu.dma_semaphore, #tpu.memory_space<semaphore_mem>> -> memref<1x!tpu.dma_semaphore, #tpu.memory_space<semaphore_mem>>
        %dma_start3A_1442 = tpu.memref_squeeze %dma_start3A_1441 : memref<1x!tpu.dma_semaphore, #tpu.memory_space<semaphore_mem>> -> memref<!tpu.dma_semaphore, #tpu.memory_space<semaphore_mem>>
        %dma_start3A_1443 = arith.constant 0 : i32
        %dma_start3A_1444 = tpu.memref_slice %arg5[%dma_start3A_1435, %dma_start3A_1443] : memref<8x80xi32, #tpu.memory_space<vmem>> -> memref<1x80xi32, #tpu.memory_space<vmem>>
        %dma_start3A_1445 = tpu.memref_squeeze %dma_start3A_1444 : memref<1x80xi32, #tpu.memory_space<vmem>> -> memref<80xi32, #tpu.memory_space<vmem>>
        %dma_start3A_1446 = tpu.memref_slice %arg3[%add3A_1434] : memref<640000xi32, #tpu.memory_space<hbm>> -> memref<80xi32, #tpu.memory_space<hbm>>
        tpu.enqueue_dma source(%dma_start3A_1446 : memref<80xi32, #tpu.memory_space<hbm>>) target(%dma_start3A_1445 : memref<80xi32, #tpu.memory_space<vmem>>) target_semaphore(%dma_start3A_1442 : memref<!tpu.dma_semaphore, #tpu.memory_space<semaphore_mem>>)
        %add3A_1447 = arith.constant 320000 : i32
        %add3A_1448 = arith.addi %add3A_1447, %add3A_1434 : i32
        %dma_start3A_1449 = arith.constant 2 : i32
        %dma_start3A_1450 = arith.constant 2 : i32
        %dma_start3A_1451 = arith.constant 0 : i32
        %dma_start3A_1452 = tpu.memref_slice %arg6[%dma_start3A_1449, %dma_start3A_1451] : memref<8x80xi32, #tpu.memory_space<vmem>> -> memref<1x80xi32, #tpu.memory_space<vmem>>
        %dma_start3A_1453 = tpu.memref_squeeze %dma_start3A_1452 : memref<1x80xi32, #tpu.memory_space<vmem>> -> memref<80xi32, #tpu.memory_space<vmem>>
        %dma_start3A_1454 = tpu.memref_slice %arg3[%add3A_1448] : memref<640000xi32, #tpu.memory_space<hbm>> -> memref<80xi32, #tpu.memory_space<hbm>>
        %dma_start3A_1455 = tpu.memref_slice %arg10[%dma_start3A_1450] : memref<8x!tpu.dma_semaphore, #tpu.memory_space<semaphore_mem>> -> memref<1x!tpu.dma_semaphore, #tpu.memory_space<semaphore_mem>>
        %dma_start3A_1456 = tpu.memref_squeeze %dma_start3A_1455 : memref<1x!tpu.dma_semaphore, #tpu.memory_space<semaphore_mem>> -> memref<!tpu.dma_semaphore, #tpu.memory_space<semaphore_mem>>
        %dma_start3A_1457 = arith.constant 0 : i32
        %dma_start3A_1458 = tpu.memref_slice %arg6[%dma_start3A_1449, %dma_start3A_1457] : memref<8x80xi32, #tpu.memory_space<vmem>> -> memref<1x80xi32, #tpu.memory_space<vmem>>
        %dma_start3A_1459 = tpu.memref_squeeze %dma_start3A_1458 : memref<1x80xi32, #tpu.memory_space<vmem>> -> memref<80xi32, #tpu.memory_space<vmem>>
        %dma_start3A_1460 = tpu.memref_slice %arg3[%add3A_1448] : memref<640000xi32, #tpu.memory_space<hbm>> -> memref<80xi32, #tpu.memory_space<hbm>>
        tpu.enqueue_dma source(%dma_start3A_1460 : memref<80xi32, #tpu.memory_space<hbm>>) target(%dma_start3A_1459 : memref<80xi32, #tpu.memory_space<vmem>>) target_semaphore(%dma_start3A_1456 : memref<!tpu.dma_semaphore, #tpu.memory_space<semaphore_mem>>)
      } else {
      }
      %add3A_1139 = arith.constant 5 : i32
      %add3A_1140 = arith.addi %add3A_654, %add3A_1139 : i32
      %dma_wait3A_1141 = arith.constant 7 : i32
      %dma_wait3A_1142 = arith.constant 3 : i32
      %dma_wait3A_1143 = arith.constant 3 : i32
      %dma_wait3A_1144 = arith.constant 0 : i32
      %dma_wait3A_1145 = arith.constant 0 : i32
      %dma_wait3A_1146 = tpu.memref_slice %arg7[%dma_wait3A_1142, %dma_wait3A_1144, %dma_wait3A_1145] : memref<4x80x128xf32, #tpu.memory_space<vmem>> -> memref<1x80x128xf32, #tpu.memory_space<vmem>>
      %dma_wait3A_1147 = tpu.memref_squeeze %dma_wait3A_1146 : memref<1x80x128xf32, #tpu.memory_space<vmem>> -> memref<80x128xf32, #tpu.memory_space<vmem>>
      %dma_wait3A_1148 = arith.constant 0 : i32
      %dma_wait3A_1149 = tpu.memref_slice %arg5[%dma_wait3A_1141, %dma_wait3A_1148] : memref<8x80xi32, #tpu.memory_space<vmem>> -> memref<1x80xi32, #tpu.memory_space<vmem>>
      %dma_wait3A_1150 = tpu.memref_squeeze %dma_wait3A_1149 : memref<1x80xi32, #tpu.memory_space<vmem>> -> memref<80xi32, #tpu.memory_space<vmem>>
      %dma_wait3A_1151 = arith.constant 0 : i32
      %dma_wait3A_1152 = arith.constant 0 : i32
      %dma_wait3A_1153 = tpu.memref_slice %arg2[%dma_wait3A_1151, %dma_wait3A_1152] : memref<10000x128xf32, #tpu.memory_space<hbm>> -> memref<10000x128xf32, #tpu.memory_space<hbm>>
      %dma_wait3A_1154 = tpu.memref_slice %arg11[%dma_wait3A_1143] : memref<4x!tpu.dma_semaphore, #tpu.memory_space<semaphore_mem>> -> memref<1x!tpu.dma_semaphore, #tpu.memory_space<semaphore_mem>>
      %dma_wait3A_1155 = tpu.memref_squeeze %dma_wait3A_1154 : memref<1x!tpu.dma_semaphore, #tpu.memory_space<semaphore_mem>> -> memref<!tpu.dma_semaphore, #tpu.memory_space<semaphore_mem>>
      tpu.wait_indirect_dma semaphore(%dma_wait3A_1155 : memref<!tpu.dma_semaphore, #tpu.memory_space<semaphore_mem>>) src(%dma_wait3A_1153 : memref<10000x128xf32, #tpu.memory_space<hbm>>) dst(%dma_wait3A_1147 : memref<80x128xf32, #tpu.memory_space<vmem>>)
      %dma_start3A_1156 = arith.constant 3 : i32
      %dma_start3A_1157 = arith.constant 7 : i32
      %dma_start3A_1158 = arith.constant 3 : i32
      %dma_start3A_1159 = arith.constant 0 : i32
      %dma_start3A_1160 = arith.constant 0 : i32
      %dma_start3A_1161 = tpu.memref_slice %arg7[%dma_start3A_1156, %dma_start3A_1159, %dma_start3A_1160] : memref<4x80x128xf32, #tpu.memory_space<vmem>> -> memref<1x80x128xf32, #tpu.memory_space<vmem>>
      %dma_start3A_1162 = tpu.memref_squeeze %dma_start3A_1161 : memref<1x80x128xf32, #tpu.memory_space<vmem>> -> memref<80x128xf32, #tpu.memory_space<vmem>>
      %dma_start3A_1163 = arith.constant 0 : i32
      %dma_start3A_1164 = tpu.memref_slice %arg6[%dma_start3A_1157, %dma_start3A_1163] : memref<8x80xi32, #tpu.memory_space<vmem>> -> memref<1x80xi32, #tpu.memory_space<vmem>>
      %dma_start3A_1165 = tpu.memref_squeeze %dma_start3A_1164 : memref<1x80xi32, #tpu.memory_space<vmem>> -> memref<80xi32, #tpu.memory_space<vmem>>
      %dma_start3A_1166 = arith.constant 0 : i32
      %dma_start3A_1167 = arith.constant 0 : i32
      %dma_start3A_1168 = tpu.memref_slice %arg9[%dma_start3A_1166, %dma_start3A_1167] : memref<10000x128xf32, #tpu.memory_space<vmem_shared>> -> memref<10000x128xf32, #tpu.memory_space<vmem_shared>>
      %dma_start3A_1169 = tpu.memref_slice %arg12[%dma_start3A_1158] : memref<4x!tpu.dma_semaphore, #tpu.memory_space<semaphore_mem>> -> memref<1x!tpu.dma_semaphore, #tpu.memory_space<semaphore_mem>>
      %dma_start3A_1170 = tpu.memref_squeeze %dma_start3A_1169 : memref<1x!tpu.dma_semaphore, #tpu.memory_space<semaphore_mem>> -> memref<!tpu.dma_semaphore, #tpu.memory_space<semaphore_mem>>
      tpu.enqueue_indirect_dma source(%dma_start3A_1162 : memref<80x128xf32, #tpu.memory_space<vmem>>) target(%dma_start3A_1168 : memref<10000x128xf32, #tpu.memory_space<vmem_shared>>) offsets(%dma_start3A_1165 : memref<80xi32, #tpu.memory_space<vmem>>) semaphore(%dma_start3A_1170 : memref<!tpu.dma_semaphore, #tpu.memory_space<semaphore_mem>>) {add = true}
      %dma_wait3A_1171 = arith.constant 1 : i32
      %dma_wait3A_1172 = arith.constant 5 : i32
      %dma_wait3A_1173 = arith.constant 1 : i32
      %dma_wait3A_1174 = arith.constant 0 : i32
      %dma_wait3A_1175 = arith.constant 0 : i32
      %dma_wait3A_1176 = tpu.memref_slice %arg7[%dma_wait3A_1171, %dma_wait3A_1174, %dma_wait3A_1175] : memref<4x80x128xf32, #tpu.memory_space<vmem>> -> memref<1x80x128xf32, #tpu.memory_space<vmem>>
      %dma_wait3A_1177 = tpu.memref_squeeze %dma_wait3A_1176 : memref<1x80x128xf32, #tpu.memory_space<vmem>> -> memref<80x128xf32, #tpu.memory_space<vmem>>
      %dma_wait3A_1178 = arith.constant 0 : i32
      %dma_wait3A_1179 = tpu.memref_slice %arg6[%dma_wait3A_1172, %dma_wait3A_1178] : memref<8x80xi32, #tpu.memory_space<vmem>> -> memref<1x80xi32, #tpu.memory_space<vmem>>
      %dma_wait3A_1180 = tpu.memref_squeeze %dma_wait3A_1179 : memref<1x80xi32, #tpu.memory_space<vmem>> -> memref<80xi32, #tpu.memory_space<vmem>>
      %dma_wait3A_1181 = arith.constant 0 : i32
      %dma_wait3A_1182 = arith.constant 0 : i32
      %dma_wait3A_1183 = tpu.memref_slice %arg9[%dma_wait3A_1181, %dma_wait3A_1182] : memref<10000x128xf32, #tpu.memory_space<vmem_shared>> -> memref<10000x128xf32, #tpu.memory_space<vmem_shared>>
      %dma_wait3A_1184 = tpu.memref_slice %arg12[%dma_wait3A_1173] : memref<4x!tpu.dma_semaphore, #tpu.memory_space<semaphore_mem>> -> memref<1x!tpu.dma_semaphore, #tpu.memory_space<semaphore_mem>>
      %dma_wait3A_1185 = tpu.memref_squeeze %dma_wait3A_1184 : memref<1x!tpu.dma_semaphore, #tpu.memory_space<semaphore_mem>> -> memref<!tpu.dma_semaphore, #tpu.memory_space<semaphore_mem>>
      tpu.wait_indirect_dma semaphore(%dma_wait3A_1185 : memref<!tpu.dma_semaphore, #tpu.memory_space<semaphore_mem>>) src(%dma_wait3A_1177 : memref<80x128xf32, #tpu.memory_space<vmem>>) dst(%dma_wait3A_1183 : memref<10000x128xf32, #tpu.memory_space<vmem_shared>>)
      %dma_wait3A_1186 = arith.constant 1 : i32
      %dma_wait3A_1187 = arith.constant 1 : i32
      %dma_wait3A_1188 = arith.constant 0 : i32
      %dma_wait3A_1189 = tpu.memref_slice %arg5[%dma_wait3A_1186, %dma_wait3A_1188] : memref<8x80xi32, #tpu.memory_space<vmem>> -> memref<1x80xi32, #tpu.memory_space<vmem>>
      %dma_wait3A_1190 = tpu.memref_squeeze %dma_wait3A_1189 : memref<1x80xi32, #tpu.memory_space<vmem>> -> memref<80xi32, #tpu.memory_space<vmem>>
      %dma_wait3A_1191 = arith.constant 0 : i32
      %dma_wait3A_1192 = tpu.memref_slice %arg3[%dma_wait3A_1191] : memref<640000xi32, #tpu.memory_space<hbm>> -> memref<80xi32, #tpu.memory_space<hbm>>
      %dma_wait3A_1193 = tpu.memref_slice %arg10[%dma_wait3A_1187] : memref<8x!tpu.dma_semaphore, #tpu.memory_space<semaphore_mem>> -> memref<1x!tpu.dma_semaphore, #tpu.memory_space<semaphore_mem>>
      %dma_wait3A_1194 = tpu.memref_squeeze %dma_wait3A_1193 : memref<1x!tpu.dma_semaphore, #tpu.memory_space<semaphore_mem>> -> memref<!tpu.dma_semaphore, #tpu.memory_space<semaphore_mem>>
      %dma_wait3A_1195 = arith.constant 0 : i32
      %dma_wait3A_1196 = tpu.memref_slice %arg5[%dma_wait3A_1186, %dma_wait3A_1195] : memref<8x80xi32, #tpu.memory_space<vmem>> -> memref<1x80xi32, #tpu.memory_space<vmem>>
      %dma_wait3A_1197 = tpu.memref_squeeze %dma_wait3A_1196 : memref<1x80xi32, #tpu.memory_space<vmem>> -> memref<80xi32, #tpu.memory_space<vmem>>
      %dma_wait3A_1198 = arith.constant 0 : i32
      %dma_wait3A_1199 = tpu.memref_slice %arg3[%dma_wait3A_1198] : memref<640000xi32, #tpu.memory_space<hbm>> -> memref<80xi32, #tpu.memory_space<hbm>>
      tpu.wait_dma2 semaphore(%dma_wait3A_1194 : memref<!tpu.dma_semaphore, #tpu.memory_space<semaphore_mem>>) src(%dma_wait3A_1199 : memref<80xi32, #tpu.memory_space<hbm>>) dst(%dma_wait3A_1197 : memref<80xi32, #tpu.memory_space<vmem>>)
      %dma_wait3A_1200 = arith.constant 1 : i32
      %dma_wait3A_1201 = arith.constant 1 : i32
      %dma_wait3A_1202 = arith.constant 0 : i32
      %dma_wait3A_1203 = tpu.memref_slice %arg6[%dma_wait3A_1200, %dma_wait3A_1202] : memref<8x80xi32, #tpu.memory_space<vmem>> -> memref<1x80xi32, #tpu.memory_space<vmem>>
      %dma_wait3A_1204 = tpu.memref_squeeze %dma_wait3A_1203 : memref<1x80xi32, #tpu.memory_space<vmem>> -> memref<80xi32, #tpu.memory_space<vmem>>
      %dma_wait3A_1205 = arith.constant 0 : i32
      %dma_wait3A_1206 = tpu.memref_slice %arg3[%dma_wait3A_1205] : memref<640000xi32, #tpu.memory_space<hbm>> -> memref<80xi32, #tpu.memory_space<hbm>>
      %dma_wait3A_1207 = tpu.memref_slice %arg10[%dma_wait3A_1201] : memref<8x!tpu.dma_semaphore, #tpu.memory_space<semaphore_mem>> -> memref<1x!tpu.dma_semaphore, #tpu.memory_space<semaphore_mem>>
      %dma_wait3A_1208 = tpu.memref_squeeze %dma_wait3A_1207 : memref<1x!tpu.dma_semaphore, #tpu.memory_space<semaphore_mem>> -> memref<!tpu.dma_semaphore, #tpu.memory_space<semaphore_mem>>
      %dma_wait3A_1209 = arith.constant 0 : i32
      %dma_wait3A_1210 = tpu.memref_slice %arg6[%dma_wait3A_1200, %dma_wait3A_1209] : memref<8x80xi32, #tpu.memory_space<vmem>> -> memref<1x80xi32, #tpu.memory_space<vmem>>
      %dma_wait3A_1211 = tpu.memref_squeeze %dma_wait3A_1210 : memref<1x80xi32, #tpu.memory_space<vmem>> -> memref<80xi32, #tpu.memory_space<vmem>>
      %dma_wait3A_1212 = arith.constant 0 : i32
      %dma_wait3A_1213 = tpu.memref_slice %arg3[%dma_wait3A_1212] : memref<640000xi32, #tpu.memory_space<hbm>> -> memref<80xi32, #tpu.memory_space<hbm>>
      tpu.wait_dma2 semaphore(%dma_wait3A_1208 : memref<!tpu.dma_semaphore, #tpu.memory_space<semaphore_mem>>) src(%dma_wait3A_1213 : memref<80xi32, #tpu.memory_space<hbm>>) dst(%dma_wait3A_1211 : memref<80xi32, #tpu.memory_space<vmem>>)
      %dma_start3A_1214 = arith.constant 1 : i32
      %dma_start3A_1215 = arith.constant 1 : i32
      %dma_start3A_1216 = arith.constant 1 : i32
      %dma_start3A_1217 = arith.constant 0 : i32
      %dma_start3A_1218 = arith.constant 0 : i32
      %dma_start3A_1219 = tpu.memref_slice %arg7[%dma_start3A_1215, %dma_start3A_1217, %dma_start3A_1218] : memref<4x80x128xf32, #tpu.memory_space<vmem>> -> memref<1x80x128xf32, #tpu.memory_space<vmem>>
      %dma_start3A_1220 = tpu.memref_squeeze %dma_start3A_1219 : memref<1x80x128xf32, #tpu.memory_space<vmem>> -> memref<80x128xf32, #tpu.memory_space<vmem>>
      %dma_start3A_1221 = arith.constant 0 : i32
      %dma_start3A_1222 = tpu.memref_slice %arg5[%dma_start3A_1214, %dma_start3A_1221] : memref<8x80xi32, #tpu.memory_space<vmem>> -> memref<1x80xi32, #tpu.memory_space<vmem>>
      %dma_start3A_1223 = tpu.memref_squeeze %dma_start3A_1222 : memref<1x80xi32, #tpu.memory_space<vmem>> -> memref<80xi32, #tpu.memory_space<vmem>>
      %dma_start3A_1224 = arith.constant 0 : i32
      %dma_start3A_1225 = arith.constant 0 : i32
      %dma_start3A_1226 = tpu.memref_slice %arg2[%dma_start3A_1224, %dma_start3A_1225] : memref<10000x128xf32, #tpu.memory_space<hbm>> -> memref<10000x128xf32, #tpu.memory_space<hbm>>
      %dma_start3A_1227 = tpu.memref_slice %arg11[%dma_start3A_1216] : memref<4x!tpu.dma_semaphore, #tpu.memory_space<semaphore_mem>> -> memref<1x!tpu.dma_semaphore, #tpu.memory_space<semaphore_mem>>
      %dma_start3A_1228 = tpu.memref_squeeze %dma_start3A_1227 : memref<1x!tpu.dma_semaphore, #tpu.memory_space<semaphore_mem>> -> memref<!tpu.dma_semaphore, #tpu.memory_space<semaphore_mem>>
      tpu.enqueue_indirect_dma source(%dma_start3A_1226 : memref<10000x128xf32, #tpu.memory_space<hbm>>) target(%dma_start3A_1220 : memref<80x128xf32, #tpu.memory_space<vmem>>) offsets(%dma_start3A_1223 : memref<80xi32, #tpu.memory_space<vmem>>) semaphore(%dma_start3A_1228 : memref<!tpu.dma_semaphore, #tpu.memory_space<semaphore_mem>>)
      %add3A_1229 = arith.constant 4 : i32
      %add3A_1230 = arith.addi %add3A_1140, %add3A_1229 : i32
      %lt3A_1231 = arith.constant 125 : i32
      %lt3A_1232 = arith.cmpi slt, %add3A_1230, %lt3A_1231 : i32
      %convert_element_type3A_1233 = arith.extui %lt3A_1232 : i1 to i32
      %cond3A_1234 = arith.constant 0 : i32
      %cond3A_1235 = arith.cmpi ne, %convert_element_type3A_1233, %cond3A_1234 : i32
      scf.if %cond3A_1235 {
        %add3A_1430 = arith.constant 4 : i32
        %add3A_1431 = arith.addi %add3A_1140, %add3A_1430 : i32
        %mul3A_1432 = arith.constant 80 : i32
        %mul3A_1433 = arith.muli %add3A_1431, %mul3A_1432 : i32
        %add3A_1434 = arith.addi %mul3A_2, %mul3A_1433 : i32
        %dma_start3A_1435 = arith.constant 3 : i32
        %dma_start3A_1436 = arith.constant 3 : i32
        %dma_start3A_1437 = arith.constant 0 : i32
        %dma_start3A_1438 = tpu.memref_slice %arg5[%dma_start3A_1435, %dma_start3A_1437] : memref<8x80xi32, #tpu.memory_space<vmem>> -> memref<1x80xi32, #tpu.memory_space<vmem>>
        %dma_start3A_1439 = tpu.memref_squeeze %dma_start3A_1438 : memref<1x80xi32, #tpu.memory_space<vmem>> -> memref<80xi32, #tpu.memory_space<vmem>>
        %dma_start3A_1440 = tpu.memref_slice %arg3[%add3A_1434] : memref<640000xi32, #tpu.memory_space<hbm>> -> memref<80xi32, #tpu.memory_space<hbm>>
        %dma_start3A_1441 = tpu.memref_slice %arg10[%dma_start3A_1436] : memref<8x!tpu.dma_semaphore, #tpu.memory_space<semaphore_mem>> -> memref<1x!tpu.dma_semaphore, #tpu.memory_space<semaphore_mem>>
        %dma_start3A_1442 = tpu.memref_squeeze %dma_start3A_1441 : memref<1x!tpu.dma_semaphore, #tpu.memory_space<semaphore_mem>> -> memref<!tpu.dma_semaphore, #tpu.memory_space<semaphore_mem>>
        %dma_start3A_1443 = arith.constant 0 : i32
        %dma_start3A_1444 = tpu.memref_slice %arg5[%dma_start3A_1435, %dma_start3A_1443] : memref<8x80xi32, #tpu.memory_space<vmem>> -> memref<1x80xi32, #tpu.memory_space<vmem>>
        %dma_start3A_1445 = tpu.memref_squeeze %dma_start3A_1444 : memref<1x80xi32, #tpu.memory_space<vmem>> -> memref<80xi32, #tpu.memory_space<vmem>>
        %dma_start3A_1446 = tpu.memref_slice %arg3[%add3A_1434] : memref<640000xi32, #tpu.memory_space<hbm>> -> memref<80xi32, #tpu.memory_space<hbm>>
        tpu.enqueue_dma source(%dma_start3A_1446 : memref<80xi32, #tpu.memory_space<hbm>>) target(%dma_start3A_1445 : memref<80xi32, #tpu.memory_space<vmem>>) target_semaphore(%dma_start3A_1442 : memref<!tpu.dma_semaphore, #tpu.memory_space<semaphore_mem>>)
        %add3A_1447 = arith.constant 320000 : i32
        %add3A_1448 = arith.addi %add3A_1447, %add3A_1434 : i32
        %dma_start3A_1449 = arith.constant 3 : i32
        %dma_start3A_1450 = arith.constant 3 : i32
        %dma_start3A_1451 = arith.constant 0 : i32
        %dma_start3A_1452 = tpu.memref_slice %arg6[%dma_start3A_1449, %dma_start3A_1451] : memref<8x80xi32, #tpu.memory_space<vmem>> -> memref<1x80xi32, #tpu.memory_space<vmem>>
        %dma_start3A_1453 = tpu.memref_squeeze %dma_start3A_1452 : memref<1x80xi32, #tpu.memory_space<vmem>> -> memref<80xi32, #tpu.memory_space<vmem>>
        %dma_start3A_1454 = tpu.memref_slice %arg3[%add3A_1448] : memref<640000xi32, #tpu.memory_space<hbm>> -> memref<80xi32, #tpu.memory_space<hbm>>
        %dma_start3A_1455 = tpu.memref_slice %arg10[%dma_start3A_1450] : memref<8x!tpu.dma_semaphore, #tpu.memory_space<semaphore_mem>> -> memref<1x!tpu.dma_semaphore, #tpu.memory_space<semaphore_mem>>
        %dma_start3A_1456 = tpu.memref_squeeze %dma_start3A_1455 : memref<1x!tpu.dma_semaphore, #tpu.memory_space<semaphore_mem>> -> memref<!tpu.dma_semaphore, #tpu.memory_space<semaphore_mem>>
        %dma_start3A_1457 = arith.constant 0 : i32
        %dma_start3A_1458 = tpu.memref_slice %arg6[%dma_start3A_1449, %dma_start3A_1457] : memref<8x80xi32, #tpu.memory_space<vmem>> -> memref<1x80xi32, #tpu.memory_space<vmem>>
        %dma_start3A_1459 = tpu.memref_squeeze %dma_start3A_1458 : memref<1x80xi32, #tpu.memory_space<vmem>> -> memref<80xi32, #tpu.memory_space<vmem>>
        %dma_start3A_1460 = tpu.memref_slice %arg3[%add3A_1448] : memref<640000xi32, #tpu.memory_space<hbm>> -> memref<80xi32, #tpu.memory_space<hbm>>
        tpu.enqueue_dma source(%dma_start3A_1460 : memref<80xi32, #tpu.memory_space<hbm>>) target(%dma_start3A_1459 : memref<80xi32, #tpu.memory_space<vmem>>) target_semaphore(%dma_start3A_1456 : memref<!tpu.dma_semaphore, #tpu.memory_space<semaphore_mem>>)
      } else {
      }
      %add3A_1236 = arith.constant 6 : i32
      %add3A_1237 = arith.addi %add3A_654, %add3A_1236 : i32
      %dma_wait3A_1238 = arith.constant 0 : i32
      %dma_wait3A_1239 = arith.constant 0 : i32
      %dma_wait3A_1240 = arith.constant 0 : i32
      %dma_wait3A_1241 = arith.constant 0 : i32
      %dma_wait3A_1242 = arith.constant 0 : i32
      %dma_wait3A_1243 = tpu.memref_slice %arg7[%dma_wait3A_1239, %dma_wait3A_1241, %dma_wait3A_1242] : memref<4x80x128xf32, #tpu.memory_space<vmem>> -> memref<1x80x128xf32, #tpu.memory_space<vmem>>
      %dma_wait3A_1244 = tpu.memref_squeeze %dma_wait3A_1243 : memref<1x80x128xf32, #tpu.memory_space<vmem>> -> memref<80x128xf32, #tpu.memory_space<vmem>>
      %dma_wait3A_1245 = arith.constant 0 : i32
      %dma_wait3A_1246 = tpu.memref_slice %arg5[%dma_wait3A_1238, %dma_wait3A_1245] : memref<8x80xi32, #tpu.memory_space<vmem>> -> memref<1x80xi32, #tpu.memory_space<vmem>>
      %dma_wait3A_1247 = tpu.memref_squeeze %dma_wait3A_1246 : memref<1x80xi32, #tpu.memory_space<vmem>> -> memref<80xi32, #tpu.memory_space<vmem>>
      %dma_wait3A_1248 = arith.constant 0 : i32
      %dma_wait3A_1249 = arith.constant 0 : i32
      %dma_wait3A_1250 = tpu.memref_slice %arg2[%dma_wait3A_1248, %dma_wait3A_1249] : memref<10000x128xf32, #tpu.memory_space<hbm>> -> memref<10000x128xf32, #tpu.memory_space<hbm>>
      %dma_wait3A_1251 = tpu.memref_slice %arg11[%dma_wait3A_1240] : memref<4x!tpu.dma_semaphore, #tpu.memory_space<semaphore_mem>> -> memref<1x!tpu.dma_semaphore, #tpu.memory_space<semaphore_mem>>
      %dma_wait3A_1252 = tpu.memref_squeeze %dma_wait3A_1251 : memref<1x!tpu.dma_semaphore, #tpu.memory_space<semaphore_mem>> -> memref<!tpu.dma_semaphore, #tpu.memory_space<semaphore_mem>>
      tpu.wait_indirect_dma semaphore(%dma_wait3A_1252 : memref<!tpu.dma_semaphore, #tpu.memory_space<semaphore_mem>>) src(%dma_wait3A_1250 : memref<10000x128xf32, #tpu.memory_space<hbm>>) dst(%dma_wait3A_1244 : memref<80x128xf32, #tpu.memory_space<vmem>>)
      %dma_start3A_1253 = arith.constant 0 : i32
      %dma_start3A_1254 = arith.constant 0 : i32
      %dma_start3A_1255 = arith.constant 0 : i32
      %dma_start3A_1256 = arith.constant 0 : i32
      %dma_start3A_1257 = arith.constant 0 : i32
      %dma_start3A_1258 = tpu.memref_slice %arg7[%dma_start3A_1253, %dma_start3A_1256, %dma_start3A_1257] : memref<4x80x128xf32, #tpu.memory_space<vmem>> -> memref<1x80x128xf32, #tpu.memory_space<vmem>>
      %dma_start3A_1259 = tpu.memref_squeeze %dma_start3A_1258 : memref<1x80x128xf32, #tpu.memory_space<vmem>> -> memref<80x128xf32, #tpu.memory_space<vmem>>
      %dma_start3A_1260 = arith.constant 0 : i32
      %dma_start3A_1261 = tpu.memref_slice %arg6[%dma_start3A_1254, %dma_start3A_1260] : memref<8x80xi32, #tpu.memory_space<vmem>> -> memref<1x80xi32, #tpu.memory_space<vmem>>
      %dma_start3A_1262 = tpu.memref_squeeze %dma_start3A_1261 : memref<1x80xi32, #tpu.memory_space<vmem>> -> memref<80xi32, #tpu.memory_space<vmem>>
      %dma_start3A_1263 = arith.constant 0 : i32
      %dma_start3A_1264 = arith.constant 0 : i32
      %dma_start3A_1265 = tpu.memref_slice %arg9[%dma_start3A_1263, %dma_start3A_1264] : memref<10000x128xf32, #tpu.memory_space<vmem_shared>> -> memref<10000x128xf32, #tpu.memory_space<vmem_shared>>
      %dma_start3A_1266 = tpu.memref_slice %arg12[%dma_start3A_1255] : memref<4x!tpu.dma_semaphore, #tpu.memory_space<semaphore_mem>> -> memref<1x!tpu.dma_semaphore, #tpu.memory_space<semaphore_mem>>
      %dma_start3A_1267 = tpu.memref_squeeze %dma_start3A_1266 : memref<1x!tpu.dma_semaphore, #tpu.memory_space<semaphore_mem>> -> memref<!tpu.dma_semaphore, #tpu.memory_space<semaphore_mem>>
      tpu.enqueue_indirect_dma source(%dma_start3A_1259 : memref<80x128xf32, #tpu.memory_space<vmem>>) target(%dma_start3A_1265 : memref<10000x128xf32, #tpu.memory_space<vmem_shared>>) offsets(%dma_start3A_1262 : memref<80xi32, #tpu.memory_space<vmem>>) semaphore(%dma_start3A_1267 : memref<!tpu.dma_semaphore, #tpu.memory_space<semaphore_mem>>) {add = true}
      %dma_wait3A_1268 = arith.constant 2 : i32
      %dma_wait3A_1269 = arith.constant 6 : i32
      %dma_wait3A_1270 = arith.constant 2 : i32
      %dma_wait3A_1271 = arith.constant 0 : i32
      %dma_wait3A_1272 = arith.constant 0 : i32
      %dma_wait3A_1273 = tpu.memref_slice %arg7[%dma_wait3A_1268, %dma_wait3A_1271, %dma_wait3A_1272] : memref<4x80x128xf32, #tpu.memory_space<vmem>> -> memref<1x80x128xf32, #tpu.memory_space<vmem>>
      %dma_wait3A_1274 = tpu.memref_squeeze %dma_wait3A_1273 : memref<1x80x128xf32, #tpu.memory_space<vmem>> -> memref<80x128xf32, #tpu.memory_space<vmem>>
      %dma_wait3A_1275 = arith.constant 0 : i32
      %dma_wait3A_1276 = tpu.memref_slice %arg6[%dma_wait3A_1269, %dma_wait3A_1275] : memref<8x80xi32, #tpu.memory_space<vmem>> -> memref<1x80xi32, #tpu.memory_space<vmem>>
      %dma_wait3A_1277 = tpu.memref_squeeze %dma_wait3A_1276 : memref<1x80xi32, #tpu.memory_space<vmem>> -> memref<80xi32, #tpu.memory_space<vmem>>
      %dma_wait3A_1278 = arith.constant 0 : i32
      %dma_wait3A_1279 = arith.constant 0 : i32
      %dma_wait3A_1280 = tpu.memref_slice %arg9[%dma_wait3A_1278, %dma_wait3A_1279] : memref<10000x128xf32, #tpu.memory_space<vmem_shared>> -> memref<10000x128xf32, #tpu.memory_space<vmem_shared>>
      %dma_wait3A_1281 = tpu.memref_slice %arg12[%dma_wait3A_1270] : memref<4x!tpu.dma_semaphore, #tpu.memory_space<semaphore_mem>> -> memref<1x!tpu.dma_semaphore, #tpu.memory_space<semaphore_mem>>
      %dma_wait3A_1282 = tpu.memref_squeeze %dma_wait3A_1281 : memref<1x!tpu.dma_semaphore, #tpu.memory_space<semaphore_mem>> -> memref<!tpu.dma_semaphore, #tpu.memory_space<semaphore_mem>>
      tpu.wait_indirect_dma semaphore(%dma_wait3A_1282 : memref<!tpu.dma_semaphore, #tpu.memory_space<semaphore_mem>>) src(%dma_wait3A_1274 : memref<80x128xf32, #tpu.memory_space<vmem>>) dst(%dma_wait3A_1280 : memref<10000x128xf32, #tpu.memory_space<vmem_shared>>)
      %dma_wait3A_1283 = arith.constant 2 : i32
      %dma_wait3A_1284 = arith.constant 2 : i32
      %dma_wait3A_1285 = arith.constant 0 : i32
      %dma_wait3A_1286 = tpu.memref_slice %arg5[%dma_wait3A_1283, %dma_wait3A_1285] : memref<8x80xi32, #tpu.memory_space<vmem>> -> memref<1x80xi32, #tpu.memory_space<vmem>>
      %dma_wait3A_1287 = tpu.memref_squeeze %dma_wait3A_1286 : memref<1x80xi32, #tpu.memory_space<vmem>> -> memref<80xi32, #tpu.memory_space<vmem>>
      %dma_wait3A_1288 = arith.constant 0 : i32
      %dma_wait3A_1289 = tpu.memref_slice %arg3[%dma_wait3A_1288] : memref<640000xi32, #tpu.memory_space<hbm>> -> memref<80xi32, #tpu.memory_space<hbm>>
      %dma_wait3A_1290 = tpu.memref_slice %arg10[%dma_wait3A_1284] : memref<8x!tpu.dma_semaphore, #tpu.memory_space<semaphore_mem>> -> memref<1x!tpu.dma_semaphore, #tpu.memory_space<semaphore_mem>>
      %dma_wait3A_1291 = tpu.memref_squeeze %dma_wait3A_1290 : memref<1x!tpu.dma_semaphore, #tpu.memory_space<semaphore_mem>> -> memref<!tpu.dma_semaphore, #tpu.memory_space<semaphore_mem>>
      %dma_wait3A_1292 = arith.constant 0 : i32
      %dma_wait3A_1293 = tpu.memref_slice %arg5[%dma_wait3A_1283, %dma_wait3A_1292] : memref<8x80xi32, #tpu.memory_space<vmem>> -> memref<1x80xi32, #tpu.memory_space<vmem>>
      %dma_wait3A_1294 = tpu.memref_squeeze %dma_wait3A_1293 : memref<1x80xi32, #tpu.memory_space<vmem>> -> memref<80xi32, #tpu.memory_space<vmem>>
      %dma_wait3A_1295 = arith.constant 0 : i32
      %dma_wait3A_1296 = tpu.memref_slice %arg3[%dma_wait3A_1295] : memref<640000xi32, #tpu.memory_space<hbm>> -> memref<80xi32, #tpu.memory_space<hbm>>
      tpu.wait_dma2 semaphore(%dma_wait3A_1291 : memref<!tpu.dma_semaphore, #tpu.memory_space<semaphore_mem>>) src(%dma_wait3A_1296 : memref<80xi32, #tpu.memory_space<hbm>>) dst(%dma_wait3A_1294 : memref<80xi32, #tpu.memory_space<vmem>>)
      %dma_wait3A_1297 = arith.constant 2 : i32
      %dma_wait3A_1298 = arith.constant 2 : i32
      %dma_wait3A_1299 = arith.constant 0 : i32
      %dma_wait3A_1300 = tpu.memref_slice %arg6[%dma_wait3A_1297, %dma_wait3A_1299] : memref<8x80xi32, #tpu.memory_space<vmem>> -> memref<1x80xi32, #tpu.memory_space<vmem>>
      %dma_wait3A_1301 = tpu.memref_squeeze %dma_wait3A_1300 : memref<1x80xi32, #tpu.memory_space<vmem>> -> memref<80xi32, #tpu.memory_space<vmem>>
      %dma_wait3A_1302 = arith.constant 0 : i32
      %dma_wait3A_1303 = tpu.memref_slice %arg3[%dma_wait3A_1302] : memref<640000xi32, #tpu.memory_space<hbm>> -> memref<80xi32, #tpu.memory_space<hbm>>
      %dma_wait3A_1304 = tpu.memref_slice %arg10[%dma_wait3A_1298] : memref<8x!tpu.dma_semaphore, #tpu.memory_space<semaphore_mem>> -> memref<1x!tpu.dma_semaphore, #tpu.memory_space<semaphore_mem>>
      %dma_wait3A_1305 = tpu.memref_squeeze %dma_wait3A_1304 : memref<1x!tpu.dma_semaphore, #tpu.memory_space<semaphore_mem>> -> memref<!tpu.dma_semaphore, #tpu.memory_space<semaphore_mem>>
      %dma_wait3A_1306 = arith.constant 0 : i32
      %dma_wait3A_1307 = tpu.memref_slice %arg6[%dma_wait3A_1297, %dma_wait3A_1306] : memref<8x80xi32, #tpu.memory_space<vmem>> -> memref<1x80xi32, #tpu.memory_space<vmem>>
      %dma_wait3A_1308 = tpu.memref_squeeze %dma_wait3A_1307 : memref<1x80xi32, #tpu.memory_space<vmem>> -> memref<80xi32, #tpu.memory_space<vmem>>
      %dma_wait3A_1309 = arith.constant 0 : i32
      %dma_wait3A_1310 = tpu.memref_slice %arg3[%dma_wait3A_1309] : memref<640000xi32, #tpu.memory_space<hbm>> -> memref<80xi32, #tpu.memory_space<hbm>>
      tpu.wait_dma2 semaphore(%dma_wait3A_1305 : memref<!tpu.dma_semaphore, #tpu.memory_space<semaphore_mem>>) src(%dma_wait3A_1310 : memref<80xi32, #tpu.memory_space<hbm>>) dst(%dma_wait3A_1308 : memref<80xi32, #tpu.memory_space<vmem>>)
      %dma_start3A_1311 = arith.constant 2 : i32
      %dma_start3A_1312 = arith.constant 2 : i32
      %dma_start3A_1313 = arith.constant 2 : i32
      %dma_start3A_1314 = arith.constant 0 : i32
      %dma_start3A_1315 = arith.constant 0 : i32
      %dma_start3A_1316 = tpu.memref_slice %arg7[%dma_start3A_1312, %dma_start3A_1314, %dma_start3A_1315] : memref<4x80x128xf32, #tpu.memory_space<vmem>> -> memref<1x80x128xf32, #tpu.memory_space<vmem>>
      %dma_start3A_1317 = tpu.memref_squeeze %dma_start3A_1316 : memref<1x80x128xf32, #tpu.memory_space<vmem>> -> memref<80x128xf32, #tpu.memory_space<vmem>>
      %dma_start3A_1318 = arith.constant 0 : i32
      %dma_start3A_1319 = tpu.memref_slice %arg5[%dma_start3A_1311, %dma_start3A_1318] : memref<8x80xi32, #tpu.memory_space<vmem>> -> memref<1x80xi32, #tpu.memory_space<vmem>>
      %dma_start3A_1320 = tpu.memref_squeeze %dma_start3A_1319 : memref<1x80xi32, #tpu.memory_space<vmem>> -> memref<80xi32, #tpu.memory_space<vmem>>
      %dma_start3A_1321 = arith.constant 0 : i32
      %dma_start3A_1322 = arith.constant 0 : i32
      %dma_start3A_1323 = tpu.memref_slice %arg2[%dma_start3A_1321, %dma_start3A_1322] : memref<10000x128xf32, #tpu.memory_space<hbm>> -> memref<10000x128xf32, #tpu.memory_space<hbm>>
      %dma_start3A_1324 = tpu.memref_slice %arg11[%dma_start3A_1313] : memref<4x!tpu.dma_semaphore, #tpu.memory_space<semaphore_mem>> -> memref<1x!tpu.dma_semaphore, #tpu.memory_space<semaphore_mem>>
      %dma_start3A_1325 = tpu.memref_squeeze %dma_start3A_1324 : memref<1x!tpu.dma_semaphore, #tpu.memory_space<semaphore_mem>> -> memref<!tpu.dma_semaphore, #tpu.memory_space<semaphore_mem>>
      tpu.enqueue_indirect_dma source(%dma_start3A_1323 : memref<10000x128xf32, #tpu.memory_space<hbm>>) target(%dma_start3A_1317 : memref<80x128xf32, #tpu.memory_space<vmem>>) offsets(%dma_start3A_1320 : memref<80xi32, #tpu.memory_space<vmem>>) semaphore(%dma_start3A_1325 : memref<!tpu.dma_semaphore, #tpu.memory_space<semaphore_mem>>)
      %add3A_1326 = arith.constant 4 : i32
      %add3A_1327 = arith.addi %add3A_1237, %add3A_1326 : i32
      %lt3A_1328 = arith.constant 125 : i32
      %lt3A_1329 = arith.cmpi slt, %add3A_1327, %lt3A_1328 : i32
      %convert_element_type3A_1330 = arith.extui %lt3A_1329 : i1 to i32
      %cond3A_1331 = arith.constant 0 : i32
      %cond3A_1332 = arith.cmpi ne, %convert_element_type3A_1330, %cond3A_1331 : i32
      scf.if %cond3A_1332 {
        %add3A_1430 = arith.constant 4 : i32
        %add3A_1431 = arith.addi %add3A_1237, %add3A_1430 : i32
        %mul3A_1432 = arith.constant 80 : i32
        %mul3A_1433 = arith.muli %add3A_1431, %mul3A_1432 : i32
        %add3A_1434 = arith.addi %mul3A_2, %mul3A_1433 : i32
        %dma_start3A_1435 = arith.constant 4 : i32
        %dma_start3A_1436 = arith.constant 4 : i32
        %dma_start3A_1437 = arith.constant 0 : i32
        %dma_start3A_1438 = tpu.memref_slice %arg5[%dma_start3A_1435, %dma_start3A_1437] : memref<8x80xi32, #tpu.memory_space<vmem>> -> memref<1x80xi32, #tpu.memory_space<vmem>>
        %dma_start3A_1439 = tpu.memref_squeeze %dma_start3A_1438 : memref<1x80xi32, #tpu.memory_space<vmem>> -> memref<80xi32, #tpu.memory_space<vmem>>
        %dma_start3A_1440 = tpu.memref_slice %arg3[%add3A_1434] : memref<640000xi32, #tpu.memory_space<hbm>> -> memref<80xi32, #tpu.memory_space<hbm>>
        %dma_start3A_1441 = tpu.memref_slice %arg10[%dma_start3A_1436] : memref<8x!tpu.dma_semaphore, #tpu.memory_space<semaphore_mem>> -> memref<1x!tpu.dma_semaphore, #tpu.memory_space<semaphore_mem>>
        %dma_start3A_1442 = tpu.memref_squeeze %dma_start3A_1441 : memref<1x!tpu.dma_semaphore, #tpu.memory_space<semaphore_mem>> -> memref<!tpu.dma_semaphore, #tpu.memory_space<semaphore_mem>>
        %dma_start3A_1443 = arith.constant 0 : i32
        %dma_start3A_1444 = tpu.memref_slice %arg5[%dma_start3A_1435, %dma_start3A_1443] : memref<8x80xi32, #tpu.memory_space<vmem>> -> memref<1x80xi32, #tpu.memory_space<vmem>>
        %dma_start3A_1445 = tpu.memref_squeeze %dma_start3A_1444 : memref<1x80xi32, #tpu.memory_space<vmem>> -> memref<80xi32, #tpu.memory_space<vmem>>
        %dma_start3A_1446 = tpu.memref_slice %arg3[%add3A_1434] : memref<640000xi32, #tpu.memory_space<hbm>> -> memref<80xi32, #tpu.memory_space<hbm>>
        tpu.enqueue_dma source(%dma_start3A_1446 : memref<80xi32, #tpu.memory_space<hbm>>) target(%dma_start3A_1445 : memref<80xi32, #tpu.memory_space<vmem>>) target_semaphore(%dma_start3A_1442 : memref<!tpu.dma_semaphore, #tpu.memory_space<semaphore_mem>>)
        %add3A_1447 = arith.constant 320000 : i32
        %add3A_1448 = arith.addi %add3A_1447, %add3A_1434 : i32
        %dma_start3A_1449 = arith.constant 4 : i32
        %dma_start3A_1450 = arith.constant 4 : i32
        %dma_start3A_1451 = arith.constant 0 : i32
        %dma_start3A_1452 = tpu.memref_slice %arg6[%dma_start3A_1449, %dma_start3A_1451] : memref<8x80xi32, #tpu.memory_space<vmem>> -> memref<1x80xi32, #tpu.memory_space<vmem>>
        %dma_start3A_1453 = tpu.memref_squeeze %dma_start3A_1452 : memref<1x80xi32, #tpu.memory_space<vmem>> -> memref<80xi32, #tpu.memory_space<vmem>>
        %dma_start3A_1454 = tpu.memref_slice %arg3[%add3A_1448] : memref<640000xi32, #tpu.memory_space<hbm>> -> memref<80xi32, #tpu.memory_space<hbm>>
        %dma_start3A_1455 = tpu.memref_slice %arg10[%dma_start3A_1450] : memref<8x!tpu.dma_semaphore, #tpu.memory_space<semaphore_mem>> -> memref<1x!tpu.dma_semaphore, #tpu.memory_space<semaphore_mem>>
        %dma_start3A_1456 = tpu.memref_squeeze %dma_start3A_1455 : memref<1x!tpu.dma_semaphore, #tpu.memory_space<semaphore_mem>> -> memref<!tpu.dma_semaphore, #tpu.memory_space<semaphore_mem>>
        %dma_start3A_1457 = arith.constant 0 : i32
        %dma_start3A_1458 = tpu.memref_slice %arg6[%dma_start3A_1449, %dma_start3A_1457] : memref<8x80xi32, #tpu.memory_space<vmem>> -> memref<1x80xi32, #tpu.memory_space<vmem>>
        %dma_start3A_1459 = tpu.memref_squeeze %dma_start3A_1458 : memref<1x80xi32, #tpu.memory_space<vmem>> -> memref<80xi32, #tpu.memory_space<vmem>>
        %dma_start3A_1460 = tpu.memref_slice %arg3[%add3A_1448] : memref<640000xi32, #tpu.memory_space<hbm>> -> memref<80xi32, #tpu.memory_space<hbm>>
        tpu.enqueue_dma source(%dma_start3A_1460 : memref<80xi32, #tpu.memory_space<hbm>>) target(%dma_start3A_1459 : memref<80xi32, #tpu.memory_space<vmem>>) target_semaphore(%dma_start3A_1456 : memref<!tpu.dma_semaphore, #tpu.memory_space<semaphore_mem>>)
      } else {
      }
      %add3A_1333 = arith.constant 7 : i32
      %add3A_1334 = arith.addi %add3A_654, %add3A_1333 : i32
      %dma_wait3A_1335 = arith.constant 1 : i32
      %dma_wait3A_1336 = arith.constant 1 : i32
      %dma_wait3A_1337 = arith.constant 1 : i32
      %dma_wait3A_1338 = arith.constant 0 : i32
      %dma_wait3A_1339 = arith.constant 0 : i32
      %dma_wait3A_1340 = tpu.memref_slice %arg7[%dma_wait3A_1336, %dma_wait3A_1338, %dma_wait3A_1339] : memref<4x80x128xf32, #tpu.memory_space<vmem>> -> memref<1x80x128xf32, #tpu.memory_space<vmem>>
      %dma_wait3A_1341 = tpu.memref_squeeze %dma_wait3A_1340 : memref<1x80x128xf32, #tpu.memory_space<vmem>> -> memref<80x128xf32, #tpu.memory_space<vmem>>
      %dma_wait3A_1342 = arith.constant 0 : i32
      %dma_wait3A_1343 = tpu.memref_slice %arg5[%dma_wait3A_1335, %dma_wait3A_1342] : memref<8x80xi32, #tpu.memory_space<vmem>> -> memref<1x80xi32, #tpu.memory_space<vmem>>
      %dma_wait3A_1344 = tpu.memref_squeeze %dma_wait3A_1343 : memref<1x80xi32, #tpu.memory_space<vmem>> -> memref<80xi32, #tpu.memory_space<vmem>>
      %dma_wait3A_1345 = arith.constant 0 : i32
      %dma_wait3A_1346 = arith.constant 0 : i32
      %dma_wait3A_1347 = tpu.memref_slice %arg2[%dma_wait3A_1345, %dma_wait3A_1346] : memref<10000x128xf32, #tpu.memory_space<hbm>> -> memref<10000x128xf32, #tpu.memory_space<hbm>>
      %dma_wait3A_1348 = tpu.memref_slice %arg11[%dma_wait3A_1337] : memref<4x!tpu.dma_semaphore, #tpu.memory_space<semaphore_mem>> -> memref<1x!tpu.dma_semaphore, #tpu.memory_space<semaphore_mem>>
      %dma_wait3A_1349 = tpu.memref_squeeze %dma_wait3A_1348 : memref<1x!tpu.dma_semaphore, #tpu.memory_space<semaphore_mem>> -> memref<!tpu.dma_semaphore, #tpu.memory_space<semaphore_mem>>
      tpu.wait_indirect_dma semaphore(%dma_wait3A_1349 : memref<!tpu.dma_semaphore, #tpu.memory_space<semaphore_mem>>) src(%dma_wait3A_1347 : memref<10000x128xf32, #tpu.memory_space<hbm>>) dst(%dma_wait3A_1341 : memref<80x128xf32, #tpu.memory_space<vmem>>)
      %dma_start3A_1350 = arith.constant 1 : i32
      %dma_start3A_1351 = arith.constant 1 : i32
      %dma_start3A_1352 = arith.constant 1 : i32
      %dma_start3A_1353 = arith.constant 0 : i32
      %dma_start3A_1354 = arith.constant 0 : i32
      %dma_start3A_1355 = tpu.memref_slice %arg7[%dma_start3A_1350, %dma_start3A_1353, %dma_start3A_1354] : memref<4x80x128xf32, #tpu.memory_space<vmem>> -> memref<1x80x128xf32, #tpu.memory_space<vmem>>
      %dma_start3A_1356 = tpu.memref_squeeze %dma_start3A_1355 : memref<1x80x128xf32, #tpu.memory_space<vmem>> -> memref<80x128xf32, #tpu.memory_space<vmem>>
      %dma_start3A_1357 = arith.constant 0 : i32
      %dma_start3A_1358 = tpu.memref_slice %arg6[%dma_start3A_1351, %dma_start3A_1357] : memref<8x80xi32, #tpu.memory_space<vmem>> -> memref<1x80xi32, #tpu.memory_space<vmem>>
      %dma_start3A_1359 = tpu.memref_squeeze %dma_start3A_1358 : memref<1x80xi32, #tpu.memory_space<vmem>> -> memref<80xi32, #tpu.memory_space<vmem>>
      %dma_start3A_1360 = arith.constant 0 : i32
      %dma_start3A_1361 = arith.constant 0 : i32
      %dma_start3A_1362 = tpu.memref_slice %arg9[%dma_start3A_1360, %dma_start3A_1361] : memref<10000x128xf32, #tpu.memory_space<vmem_shared>> -> memref<10000x128xf32, #tpu.memory_space<vmem_shared>>
      %dma_start3A_1363 = tpu.memref_slice %arg12[%dma_start3A_1352] : memref<4x!tpu.dma_semaphore, #tpu.memory_space<semaphore_mem>> -> memref<1x!tpu.dma_semaphore, #tpu.memory_space<semaphore_mem>>
      %dma_start3A_1364 = tpu.memref_squeeze %dma_start3A_1363 : memref<1x!tpu.dma_semaphore, #tpu.memory_space<semaphore_mem>> -> memref<!tpu.dma_semaphore, #tpu.memory_space<semaphore_mem>>
      tpu.enqueue_indirect_dma source(%dma_start3A_1356 : memref<80x128xf32, #tpu.memory_space<vmem>>) target(%dma_start3A_1362 : memref<10000x128xf32, #tpu.memory_space<vmem_shared>>) offsets(%dma_start3A_1359 : memref<80xi32, #tpu.memory_space<vmem>>) semaphore(%dma_start3A_1364 : memref<!tpu.dma_semaphore, #tpu.memory_space<semaphore_mem>>) {add = true}
      %dma_wait3A_1365 = arith.constant 3 : i32
      %dma_wait3A_1366 = arith.constant 7 : i32
      %dma_wait3A_1367 = arith.constant 3 : i32
      %dma_wait3A_1368 = arith.constant 0 : i32
      %dma_wait3A_1369 = arith.constant 0 : i32
      %dma_wait3A_1370 = tpu.memref_slice %arg7[%dma_wait3A_1365, %dma_wait3A_1368, %dma_wait3A_1369] : memref<4x80x128xf32, #tpu.memory_space<vmem>> -> memref<1x80x128xf32, #tpu.memory_space<vmem>>
      %dma_wait3A_1371 = tpu.memref_squeeze %dma_wait3A_1370 : memref<1x80x128xf32, #tpu.memory_space<vmem>> -> memref<80x128xf32, #tpu.memory_space<vmem>>
      %dma_wait3A_1372 = arith.constant 0 : i32
      %dma_wait3A_1373 = tpu.memref_slice %arg6[%dma_wait3A_1366, %dma_wait3A_1372] : memref<8x80xi32, #tpu.memory_space<vmem>> -> memref<1x80xi32, #tpu.memory_space<vmem>>
      %dma_wait3A_1374 = tpu.memref_squeeze %dma_wait3A_1373 : memref<1x80xi32, #tpu.memory_space<vmem>> -> memref<80xi32, #tpu.memory_space<vmem>>
      %dma_wait3A_1375 = arith.constant 0 : i32
      %dma_wait3A_1376 = arith.constant 0 : i32
      %dma_wait3A_1377 = tpu.memref_slice %arg9[%dma_wait3A_1375, %dma_wait3A_1376] : memref<10000x128xf32, #tpu.memory_space<vmem_shared>> -> memref<10000x128xf32, #tpu.memory_space<vmem_shared>>
      %dma_wait3A_1378 = tpu.memref_slice %arg12[%dma_wait3A_1367] : memref<4x!tpu.dma_semaphore, #tpu.memory_space<semaphore_mem>> -> memref<1x!tpu.dma_semaphore, #tpu.memory_space<semaphore_mem>>
      %dma_wait3A_1379 = tpu.memref_squeeze %dma_wait3A_1378 : memref<1x!tpu.dma_semaphore, #tpu.memory_space<semaphore_mem>> -> memref<!tpu.dma_semaphore, #tpu.memory_space<semaphore_mem>>
      tpu.wait_indirect_dma semaphore(%dma_wait3A_1379 : memref<!tpu.dma_semaphore, #tpu.memory_space<semaphore_mem>>) src(%dma_wait3A_1371 : memref<80x128xf32, #tpu.memory_space<vmem>>) dst(%dma_wait3A_1377 : memref<10000x128xf32, #tpu.memory_space<vmem_shared>>)
      %dma_wait3A_1380 = arith.constant 3 : i32
      %dma_wait3A_1381 = arith.constant 3 : i32
      %dma_wait3A_1382 = arith.constant 0 : i32
      %dma_wait3A_1383 = tpu.memref_slice %arg5[%dma_wait3A_1380, %dma_wait3A_1382] : memref<8x80xi32, #tpu.memory_space<vmem>> -> memref<1x80xi32, #tpu.memory_space<vmem>>
      %dma_wait3A_1384 = tpu.memref_squeeze %dma_wait3A_1383 : memref<1x80xi32, #tpu.memory_space<vmem>> -> memref<80xi32, #tpu.memory_space<vmem>>
      %dma_wait3A_1385 = arith.constant 0 : i32
      %dma_wait3A_1386 = tpu.memref_slice %arg3[%dma_wait3A_1385] : memref<640000xi32, #tpu.memory_space<hbm>> -> memref<80xi32, #tpu.memory_space<hbm>>
      %dma_wait3A_1387 = tpu.memref_slice %arg10[%dma_wait3A_1381] : memref<8x!tpu.dma_semaphore, #tpu.memory_space<semaphore_mem>> -> memref<1x!tpu.dma_semaphore, #tpu.memory_space<semaphore_mem>>
      %dma_wait3A_1388 = tpu.memref_squeeze %dma_wait3A_1387 : memref<1x!tpu.dma_semaphore, #tpu.memory_space<semaphore_mem>> -> memref<!tpu.dma_semaphore, #tpu.memory_space<semaphore_mem>>
      %dma_wait3A_1389 = arith.constant 0 : i32
      %dma_wait3A_1390 = tpu.memref_slice %arg5[%dma_wait3A_1380, %dma_wait3A_1389] : memref<8x80xi32, #tpu.memory_space<vmem>> -> memref<1x80xi32, #tpu.memory_space<vmem>>
      %dma_wait3A_1391 = tpu.memref_squeeze %dma_wait3A_1390 : memref<1x80xi32, #tpu.memory_space<vmem>> -> memref<80xi32, #tpu.memory_space<vmem>>
      %dma_wait3A_1392 = arith.constant 0 : i32
      %dma_wait3A_1393 = tpu.memref_slice %arg3[%dma_wait3A_1392] : memref<640000xi32, #tpu.memory_space<hbm>> -> memref<80xi32, #tpu.memory_space<hbm>>
      tpu.wait_dma2 semaphore(%dma_wait3A_1388 : memref<!tpu.dma_semaphore, #tpu.memory_space<semaphore_mem>>) src(%dma_wait3A_1393 : memref<80xi32, #tpu.memory_space<hbm>>) dst(%dma_wait3A_1391 : memref<80xi32, #tpu.memory_space<vmem>>)
      %dma_wait3A_1394 = arith.constant 3 : i32
      %dma_wait3A_1395 = arith.constant 3 : i32
      %dma_wait3A_1396 = arith.constant 0 : i32
      %dma_wait3A_1397 = tpu.memref_slice %arg6[%dma_wait3A_1394, %dma_wait3A_1396] : memref<8x80xi32, #tpu.memory_space<vmem>> -> memref<1x80xi32, #tpu.memory_space<vmem>>
      %dma_wait3A_1398 = tpu.memref_squeeze %dma_wait3A_1397 : memref<1x80xi32, #tpu.memory_space<vmem>> -> memref<80xi32, #tpu.memory_space<vmem>>
      %dma_wait3A_1399 = arith.constant 0 : i32
      %dma_wait3A_1400 = tpu.memref_slice %arg3[%dma_wait3A_1399] : memref<640000xi32, #tpu.memory_space<hbm>> -> memref<80xi32, #tpu.memory_space<hbm>>
      %dma_wait3A_1401 = tpu.memref_slice %arg10[%dma_wait3A_1395] : memref<8x!tpu.dma_semaphore, #tpu.memory_space<semaphore_mem>> -> memref<1x!tpu.dma_semaphore, #tpu.memory_space<semaphore_mem>>
      %dma_wait3A_1402 = tpu.memref_squeeze %dma_wait3A_1401 : memref<1x!tpu.dma_semaphore, #tpu.memory_space<semaphore_mem>> -> memref<!tpu.dma_semaphore, #tpu.memory_space<semaphore_mem>>
      %dma_wait3A_1403 = arith.constant 0 : i32
      %dma_wait3A_1404 = tpu.memref_slice %arg6[%dma_wait3A_1394, %dma_wait3A_1403] : memref<8x80xi32, #tpu.memory_space<vmem>> -> memref<1x80xi32, #tpu.memory_space<vmem>>
      %dma_wait3A_1405 = tpu.memref_squeeze %dma_wait3A_1404 : memref<1x80xi32, #tpu.memory_space<vmem>> -> memref<80xi32, #tpu.memory_space<vmem>>
      %dma_wait3A_1406 = arith.constant 0 : i32
      %dma_wait3A_1407 = tpu.memref_slice %arg3[%dma_wait3A_1406] : memref<640000xi32, #tpu.memory_space<hbm>> -> memref<80xi32, #tpu.memory_space<hbm>>
      tpu.wait_dma2 semaphore(%dma_wait3A_1402 : memref<!tpu.dma_semaphore, #tpu.memory_space<semaphore_mem>>) src(%dma_wait3A_1407 : memref<80xi32, #tpu.memory_space<hbm>>) dst(%dma_wait3A_1405 : memref<80xi32, #tpu.memory_space<vmem>>)
      %dma_start3A_1408 = arith.constant 3 : i32
      %dma_start3A_1409 = arith.constant 3 : i32
      %dma_start3A_1410 = arith.constant 3 : i32
      %dma_start3A_1411 = arith.constant 0 : i32
      %dma_start3A_1412 = arith.constant 0 : i32
      %dma_start3A_1413 = tpu.memref_slice %arg7[%dma_start3A_1409, %dma_start3A_1411, %dma_start3A_1412] : memref<4x80x128xf32, #tpu.memory_space<vmem>> -> memref<1x80x128xf32, #tpu.memory_space<vmem>>
      %dma_start3A_1414 = tpu.memref_squeeze %dma_start3A_1413 : memref<1x80x128xf32, #tpu.memory_space<vmem>> -> memref<80x128xf32, #tpu.memory_space<vmem>>
      %dma_start3A_1415 = arith.constant 0 : i32
      %dma_start3A_1416 = tpu.memref_slice %arg5[%dma_start3A_1408, %dma_start3A_1415] : memref<8x80xi32, #tpu.memory_space<vmem>> -> memref<1x80xi32, #tpu.memory_space<vmem>>
      %dma_start3A_1417 = tpu.memref_squeeze %dma_start3A_1416 : memref<1x80xi32, #tpu.memory_space<vmem>> -> memref<80xi32, #tpu.memory_space<vmem>>
      %dma_start3A_1418 = arith.constant 0 : i32
      %dma_start3A_1419 = arith.constant 0 : i32
      %dma_start3A_1420 = tpu.memref_slice %arg2[%dma_start3A_1418, %dma_start3A_1419] : memref<10000x128xf32, #tpu.memory_space<hbm>> -> memref<10000x128xf32, #tpu.memory_space<hbm>>
      %dma_start3A_1421 = tpu.memref_slice %arg11[%dma_start3A_1410] : memref<4x!tpu.dma_semaphore, #tpu.memory_space<semaphore_mem>> -> memref<1x!tpu.dma_semaphore, #tpu.memory_space<semaphore_mem>>
      %dma_start3A_1422 = tpu.memref_squeeze %dma_start3A_1421 : memref<1x!tpu.dma_semaphore, #tpu.memory_space<semaphore_mem>> -> memref<!tpu.dma_semaphore, #tpu.memory_space<semaphore_mem>>
      tpu.enqueue_indirect_dma source(%dma_start3A_1420 : memref<10000x128xf32, #tpu.memory_space<hbm>>) target(%dma_start3A_1414 : memref<80x128xf32, #tpu.memory_space<vmem>>) offsets(%dma_start3A_1417 : memref<80xi32, #tpu.memory_space<vmem>>) semaphore(%dma_start3A_1422 : memref<!tpu.dma_semaphore, #tpu.memory_space<semaphore_mem>>)
      %add3A_1423 = arith.constant 4 : i32
      %add3A_1424 = arith.addi %add3A_1334, %add3A_1423 : i32
      %lt3A_1425 = arith.constant 125 : i32
      %lt3A_1426 = arith.cmpi slt, %add3A_1424, %lt3A_1425 : i32
      %convert_element_type3A_1427 = arith.extui %lt3A_1426 : i1 to i32
      %cond3A_1428 = arith.constant 0 : i32
      %cond3A_1429 = arith.cmpi ne, %convert_element_type3A_1427, %cond3A_1428 : i32
      scf.if %cond3A_1429 {
        %add3A_1430 = arith.constant 4 : i32
        %add3A_1431 = arith.addi %add3A_1334, %add3A_1430 : i32
        %mul3A_1432 = arith.constant 80 : i32
        %mul3A_1433 = arith.muli %add3A_1431, %mul3A_1432 : i32
        %add3A_1434 = arith.addi %mul3A_2, %mul3A_1433 : i32
        %dma_start3A_1435 = arith.constant 5 : i32
        %dma_start3A_1436 = arith.constant 5 : i32
        %dma_start3A_1437 = arith.constant 0 : i32
        %dma_start3A_1438 = tpu.memref_slice %arg5[%dma_start3A_1435, %dma_start3A_1437] : memref<8x80xi32, #tpu.memory_space<vmem>> -> memref<1x80xi32, #tpu.memory_space<vmem>>
        %dma_start3A_1439 = tpu.memref_squeeze %dma_start3A_1438 : memref<1x80xi32, #tpu.memory_space<vmem>> -> memref<80xi32, #tpu.memory_space<vmem>>
        %dma_start3A_1440 = tpu.memref_slice %arg3[%add3A_1434] : memref<640000xi32, #tpu.memory_space<hbm>> -> memref<80xi32, #tpu.memory_space<hbm>>
        %dma_start3A_1441 = tpu.memref_slice %arg10[%dma_start3A_1436] : memref<8x!tpu.dma_semaphore, #tpu.memory_space<semaphore_mem>> -> memref<1x!tpu.dma_semaphore, #tpu.memory_space<semaphore_mem>>
        %dma_start3A_1442 = tpu.memref_squeeze %dma_start3A_1441 : memref<1x!tpu.dma_semaphore, #tpu.memory_space<semaphore_mem>> -> memref<!tpu.dma_semaphore, #tpu.memory_space<semaphore_mem>>
        %dma_start3A_1443 = arith.constant 0 : i32
        %dma_start3A_1444 = tpu.memref_slice %arg5[%dma_start3A_1435, %dma_start3A_1443] : memref<8x80xi32, #tpu.memory_space<vmem>> -> memref<1x80xi32, #tpu.memory_space<vmem>>
        %dma_start3A_1445 = tpu.memref_squeeze %dma_start3A_1444 : memref<1x80xi32, #tpu.memory_space<vmem>> -> memref<80xi32, #tpu.memory_space<vmem>>
        %dma_start3A_1446 = tpu.memref_slice %arg3[%add3A_1434] : memref<640000xi32, #tpu.memory_space<hbm>> -> memref<80xi32, #tpu.memory_space<hbm>>
        tpu.enqueue_dma source(%dma_start3A_1446 : memref<80xi32, #tpu.memory_space<hbm>>) target(%dma_start3A_1445 : memref<80xi32, #tpu.memory_space<vmem>>) target_semaphore(%dma_start3A_1442 : memref<!tpu.dma_semaphore, #tpu.memory_space<semaphore_mem>>)
        %add3A_1447 = arith.constant 320000 : i32
        %add3A_1448 = arith.addi %add3A_1447, %add3A_1434 : i32
        %dma_start3A_1449 = arith.constant 5 : i32
        %dma_start3A_1450 = arith.constant 5 : i32
        %dma_start3A_1451 = arith.constant 0 : i32
        %dma_start3A_1452 = tpu.memref_slice %arg6[%dma_start3A_1449, %dma_start3A_1451] : memref<8x80xi32, #tpu.memory_space<vmem>> -> memref<1x80xi32, #tpu.memory_space<vmem>>
        %dma_start3A_1453 = tpu.memref_squeeze %dma_start3A_1452 : memref<1x80xi32, #tpu.memory_space<vmem>> -> memref<80xi32, #tpu.memory_space<vmem>>
        %dma_start3A_1454 = tpu.memref_slice %arg3[%add3A_1448] : memref<640000xi32, #tpu.memory_space<hbm>> -> memref<80xi32, #tpu.memory_space<hbm>>
        %dma_start3A_1455 = tpu.memref_slice %arg10[%dma_start3A_1450] : memref<8x!tpu.dma_semaphore, #tpu.memory_space<semaphore_mem>> -> memref<1x!tpu.dma_semaphore, #tpu.memory_space<semaphore_mem>>
        %dma_start3A_1456 = tpu.memref_squeeze %dma_start3A_1455 : memref<1x!tpu.dma_semaphore, #tpu.memory_space<semaphore_mem>> -> memref<!tpu.dma_semaphore, #tpu.memory_space<semaphore_mem>>
        %dma_start3A_1457 = arith.constant 0 : i32
        %dma_start3A_1458 = tpu.memref_slice %arg6[%dma_start3A_1449, %dma_start3A_1457] : memref<8x80xi32, #tpu.memory_space<vmem>> -> memref<1x80xi32, #tpu.memory_space<vmem>>
        %dma_start3A_1459 = tpu.memref_squeeze %dma_start3A_1458 : memref<1x80xi32, #tpu.memory_space<vmem>> -> memref<80xi32, #tpu.memory_space<vmem>>
        %dma_start3A_1460 = tpu.memref_slice %arg3[%add3A_1448] : memref<640000xi32, #tpu.memory_space<hbm>> -> memref<80xi32, #tpu.memory_space<hbm>>
        tpu.enqueue_dma source(%dma_start3A_1460 : memref<80xi32, #tpu.memory_space<hbm>>) target(%dma_start3A_1459 : memref<80xi32, #tpu.memory_space<vmem>>) target_semaphore(%dma_start3A_1456 : memref<!tpu.dma_semaphore, #tpu.memory_space<semaphore_mem>>)
      } else {
      }
    }
    %scan3A_427 = arith.constant 15 : i32
    %dma_wait3A_428 = arith.constant 2 : i32
    %dma_wait3A_429 = arith.constant 2 : i32
    %dma_wait3A_430 = arith.constant 2 : i32
    %dma_wait3A_431 = arith.constant 0 : i32
    %dma_wait3A_432 = arith.constant 0 : i32
    %dma_wait3A_433 = tpu.memref_slice %arg7[%dma_wait3A_429, %dma_wait3A_431, %dma_wait3A_432] : memref<4x80x128xf32, #tpu.memory_space<vmem>> -> memref<1x80x128xf32, #tpu.memory_space<vmem>>
    %dma_wait3A_434 = tpu.memref_squeeze %dma_wait3A_433 : memref<1x80x128xf32, #tpu.memory_space<vmem>> -> memref<80x128xf32, #tpu.memory_space<vmem>>
    %dma_wait3A_435 = arith.constant 0 : i32
    %dma_wait3A_436 = tpu.memref_slice %arg5[%dma_wait3A_428, %dma_wait3A_435] : memref<8x80xi32, #tpu.memory_space<vmem>> -> memref<1x80xi32, #tpu.memory_space<vmem>>
    %dma_wait3A_437 = tpu.memref_squeeze %dma_wait3A_436 : memref<1x80xi32, #tpu.memory_space<vmem>> -> memref<80xi32, #tpu.memory_space<vmem>>
    %dma_wait3A_438 = arith.constant 0 : i32
    %dma_wait3A_439 = arith.constant 0 : i32
    %dma_wait3A_440 = tpu.memref_slice %arg2[%dma_wait3A_438, %dma_wait3A_439] : memref<10000x128xf32, #tpu.memory_space<hbm>> -> memref<10000x128xf32, #tpu.memory_space<hbm>>
    %dma_wait3A_441 = tpu.memref_slice %arg11[%dma_wait3A_430] : memref<4x!tpu.dma_semaphore, #tpu.memory_space<semaphore_mem>> -> memref<1x!tpu.dma_semaphore, #tpu.memory_space<semaphore_mem>>
    %dma_wait3A_442 = tpu.memref_squeeze %dma_wait3A_441 : memref<1x!tpu.dma_semaphore, #tpu.memory_space<semaphore_mem>> -> memref<!tpu.dma_semaphore, #tpu.memory_space<semaphore_mem>>
    tpu.wait_indirect_dma semaphore(%dma_wait3A_442 : memref<!tpu.dma_semaphore, #tpu.memory_space<semaphore_mem>>) src(%dma_wait3A_440 : memref<10000x128xf32, #tpu.memory_space<hbm>>) dst(%dma_wait3A_434 : memref<80x128xf32, #tpu.memory_space<vmem>>)
    %dma_start3A_443 = arith.constant 2 : i32
    %dma_start3A_444 = arith.constant 2 : i32
    %dma_start3A_445 = arith.constant 2 : i32
    %dma_start3A_446 = arith.constant 0 : i32
    %dma_start3A_447 = arith.constant 0 : i32
    %dma_start3A_448 = tpu.memref_slice %arg7[%dma_start3A_443, %dma_start3A_446, %dma_start3A_447] : memref<4x80x128xf32, #tpu.memory_space<vmem>> -> memref<1x80x128xf32, #tpu.memory_space<vmem>>
    %dma_start3A_449 = tpu.memref_squeeze %dma_start3A_448 : memref<1x80x128xf32, #tpu.memory_space<vmem>> -> memref<80x128xf32, #tpu.memory_space<vmem>>
    %dma_start3A_450 = arith.constant 0 : i32
    %dma_start3A_451 = tpu.memref_slice %arg6[%dma_start3A_444, %dma_start3A_450] : memref<8x80xi32, #tpu.memory_space<vmem>> -> memref<1x80xi32, #tpu.memory_space<vmem>>
    %dma_start3A_452 = tpu.memref_squeeze %dma_start3A_451 : memref<1x80xi32, #tpu.memory_space<vmem>> -> memref<80xi32, #tpu.memory_space<vmem>>
    %dma_start3A_453 = arith.constant 0 : i32
    %dma_start3A_454 = arith.constant 0 : i32
    %dma_start3A_455 = tpu.memref_slice %arg9[%dma_start3A_453, %dma_start3A_454] : memref<10000x128xf32, #tpu.memory_space<vmem_shared>> -> memref<10000x128xf32, #tpu.memory_space<vmem_shared>>
    %dma_start3A_456 = tpu.memref_slice %arg12[%dma_start3A_445] : memref<4x!tpu.dma_semaphore, #tpu.memory_space<semaphore_mem>> -> memref<1x!tpu.dma_semaphore, #tpu.memory_space<semaphore_mem>>
    %dma_start3A_457 = tpu.memref_squeeze %dma_start3A_456 : memref<1x!tpu.dma_semaphore, #tpu.memory_space<semaphore_mem>> -> memref<!tpu.dma_semaphore, #tpu.memory_space<semaphore_mem>>
    tpu.enqueue_indirect_dma source(%dma_start3A_449 : memref<80x128xf32, #tpu.memory_space<vmem>>) target(%dma_start3A_455 : memref<10000x128xf32, #tpu.memory_space<vmem_shared>>) offsets(%dma_start3A_452 : memref<80xi32, #tpu.memory_space<vmem>>) semaphore(%dma_start3A_457 : memref<!tpu.dma_semaphore, #tpu.memory_space<semaphore_mem>>) {add = true}
    %dma_wait3A_458 = arith.constant 0 : i32
    %dma_wait3A_459 = arith.constant 0 : i32
    %dma_wait3A_460 = arith.constant 0 : i32
    %dma_wait3A_461 = arith.constant 0 : i32
    %dma_wait3A_462 = arith.constant 0 : i32
    %dma_wait3A_463 = tpu.memref_slice %arg7[%dma_wait3A_458, %dma_wait3A_461, %dma_wait3A_462] : memref<4x80x128xf32, #tpu.memory_space<vmem>> -> memref<1x80x128xf32, #tpu.memory_space<vmem>>
    %dma_wait3A_464 = tpu.memref_squeeze %dma_wait3A_463 : memref<1x80x128xf32, #tpu.memory_space<vmem>> -> memref<80x128xf32, #tpu.memory_space<vmem>>
    %dma_wait3A_465 = arith.constant 0 : i32
    %dma_wait3A_466 = tpu.memref_slice %arg6[%dma_wait3A_459, %dma_wait3A_465] : memref<8x80xi32, #tpu.memory_space<vmem>> -> memref<1x80xi32, #tpu.memory_space<vmem>>
    %dma_wait3A_467 = tpu.memref_squeeze %dma_wait3A_466 : memref<1x80xi32, #tpu.memory_space<vmem>> -> memref<80xi32, #tpu.memory_space<vmem>>
    %dma_wait3A_468 = arith.constant 0 : i32
    %dma_wait3A_469 = arith.constant 0 : i32
    %dma_wait3A_470 = tpu.memref_slice %arg9[%dma_wait3A_468, %dma_wait3A_469] : memref<10000x128xf32, #tpu.memory_space<vmem_shared>> -> memref<10000x128xf32, #tpu.memory_space<vmem_shared>>
    %dma_wait3A_471 = tpu.memref_slice %arg12[%dma_wait3A_460] : memref<4x!tpu.dma_semaphore, #tpu.memory_space<semaphore_mem>> -> memref<1x!tpu.dma_semaphore, #tpu.memory_space<semaphore_mem>>
    %dma_wait3A_472 = tpu.memref_squeeze %dma_wait3A_471 : memref<1x!tpu.dma_semaphore, #tpu.memory_space<semaphore_mem>> -> memref<!tpu.dma_semaphore, #tpu.memory_space<semaphore_mem>>
    tpu.wait_indirect_dma semaphore(%dma_wait3A_472 : memref<!tpu.dma_semaphore, #tpu.memory_space<semaphore_mem>>) src(%dma_wait3A_464 : memref<80x128xf32, #tpu.memory_space<vmem>>) dst(%dma_wait3A_470 : memref<10000x128xf32, #tpu.memory_space<vmem_shared>>)
    %dma_wait3A_473 = arith.constant 4 : i32
    %dma_wait3A_474 = arith.constant 4 : i32
    %dma_wait3A_475 = arith.constant 0 : i32
    %dma_wait3A_476 = tpu.memref_slice %arg5[%dma_wait3A_473, %dma_wait3A_475] : memref<8x80xi32, #tpu.memory_space<vmem>> -> memref<1x80xi32, #tpu.memory_space<vmem>>
    %dma_wait3A_477 = tpu.memref_squeeze %dma_wait3A_476 : memref<1x80xi32, #tpu.memory_space<vmem>> -> memref<80xi32, #tpu.memory_space<vmem>>
    %dma_wait3A_478 = arith.constant 0 : i32
    %dma_wait3A_479 = tpu.memref_slice %arg3[%dma_wait3A_478] : memref<640000xi32, #tpu.memory_space<hbm>> -> memref<80xi32, #tpu.memory_space<hbm>>
    %dma_wait3A_480 = tpu.memref_slice %arg10[%dma_wait3A_474] : memref<8x!tpu.dma_semaphore, #tpu.memory_space<semaphore_mem>> -> memref<1x!tpu.dma_semaphore, #tpu.memory_space<semaphore_mem>>
    %dma_wait3A_481 = tpu.memref_squeeze %dma_wait3A_480 : memref<1x!tpu.dma_semaphore, #tpu.memory_space<semaphore_mem>> -> memref<!tpu.dma_semaphore, #tpu.memory_space<semaphore_mem>>
    %dma_wait3A_482 = arith.constant 0 : i32
    %dma_wait3A_483 = tpu.memref_slice %arg5[%dma_wait3A_473, %dma_wait3A_482] : memref<8x80xi32, #tpu.memory_space<vmem>> -> memref<1x80xi32, #tpu.memory_space<vmem>>
    %dma_wait3A_484 = tpu.memref_squeeze %dma_wait3A_483 : memref<1x80xi32, #tpu.memory_space<vmem>> -> memref<80xi32, #tpu.memory_space<vmem>>
    %dma_wait3A_485 = arith.constant 0 : i32
    %dma_wait3A_486 = tpu.memref_slice %arg3[%dma_wait3A_485] : memref<640000xi32, #tpu.memory_space<hbm>> -> memref<80xi32, #tpu.memory_space<hbm>>
    tpu.wait_dma2 semaphore(%dma_wait3A_481 : memref<!tpu.dma_semaphore, #tpu.memory_space<semaphore_mem>>) src(%dma_wait3A_486 : memref<80xi32, #tpu.memory_space<hbm>>) dst(%dma_wait3A_484 : memref<80xi32, #tpu.memory_space<vmem>>)
    %dma_wait3A_487 = arith.constant 4 : i32
    %dma_wait3A_488 = arith.constant 4 : i32
    %dma_wait3A_489 = arith.constant 0 : i32
    %dma_wait3A_490 = tpu.memref_slice %arg6[%dma_wait3A_487, %dma_wait3A_489] : memref<8x80xi32, #tpu.memory_space<vmem>> -> memref<1x80xi32, #tpu.memory_space<vmem>>
    %dma_wait3A_491 = tpu.memref_squeeze %dma_wait3A_490 : memref<1x80xi32, #tpu.memory_space<vmem>> -> memref<80xi32, #tpu.memory_space<vmem>>
    %dma_wait3A_492 = arith.constant 0 : i32
    %dma_wait3A_493 = tpu.memref_slice %arg3[%dma_wait3A_492] : memref<640000xi32, #tpu.memory_space<hbm>> -> memref<80xi32, #tpu.memory_space<hbm>>
    %dma_wait3A_494 = tpu.memref_slice %arg10[%dma_wait3A_488] : memref<8x!tpu.dma_semaphore, #tpu.memory_space<semaphore_mem>> -> memref<1x!tpu.dma_semaphore, #tpu.memory_space<semaphore_mem>>
    %dma_wait3A_495 = tpu.memref_squeeze %dma_wait3A_494 : memref<1x!tpu.dma_semaphore, #tpu.memory_space<semaphore_mem>> -> memref<!tpu.dma_semaphore, #tpu.memory_space<semaphore_mem>>
    %dma_wait3A_496 = arith.constant 0 : i32
    %dma_wait3A_497 = tpu.memref_slice %arg6[%dma_wait3A_487, %dma_wait3A_496] : memref<8x80xi32, #tpu.memory_space<vmem>> -> memref<1x80xi32, #tpu.memory_space<vmem>>
    %dma_wait3A_498 = tpu.memref_squeeze %dma_wait3A_497 : memref<1x80xi32, #tpu.memory_space<vmem>> -> memref<80xi32, #tpu.memory_space<vmem>>
    %dma_wait3A_499 = arith.constant 0 : i32
    %dma_wait3A_500 = tpu.memref_slice %arg3[%dma_wait3A_499] : memref<640000xi32, #tpu.memory_space<hbm>> -> memref<80xi32, #tpu.memory_space<hbm>>
    tpu.wait_dma2 semaphore(%dma_wait3A_495 : memref<!tpu.dma_semaphore, #tpu.memory_space<semaphore_mem>>) src(%dma_wait3A_500 : memref<80xi32, #tpu.memory_space<hbm>>) dst(%dma_wait3A_498 : memref<80xi32, #tpu.memory_space<vmem>>)
    %dma_start3A_501 = arith.constant 4 : i32
    %dma_start3A_502 = arith.constant 0 : i32
    %dma_start3A_503 = arith.constant 0 : i32
    %dma_start3A_504 = arith.constant 0 : i32
    %dma_start3A_505 = arith.constant 0 : i32
    %dma_start3A_506 = tpu.memref_slice %arg7[%dma_start3A_502, %dma_start3A_504, %dma_start3A_505] : memref<4x80x128xf32, #tpu.memory_space<vmem>> -> memref<1x80x128xf32, #tpu.memory_space<vmem>>
    %dma_start3A_507 = tpu.memref_squeeze %dma_start3A_506 : memref<1x80x128xf32, #tpu.memory_space<vmem>> -> memref<80x128xf32, #tpu.memory_space<vmem>>
    %dma_start3A_508 = arith.constant 0 : i32
    %dma_start3A_509 = tpu.memref_slice %arg5[%dma_start3A_501, %dma_start3A_508] : memref<8x80xi32, #tpu.memory_space<vmem>> -> memref<1x80xi32, #tpu.memory_space<vmem>>
    %dma_start3A_510 = tpu.memref_squeeze %dma_start3A_509 : memref<1x80xi32, #tpu.memory_space<vmem>> -> memref<80xi32, #tpu.memory_space<vmem>>
    %dma_start3A_511 = arith.constant 0 : i32
    %dma_start3A_512 = arith.constant 0 : i32
    %dma_start3A_513 = tpu.memref_slice %arg2[%dma_start3A_511, %dma_start3A_512] : memref<10000x128xf32, #tpu.memory_space<hbm>> -> memref<10000x128xf32, #tpu.memory_space<hbm>>
    %dma_start3A_514 = tpu.memref_slice %arg11[%dma_start3A_503] : memref<4x!tpu.dma_semaphore, #tpu.memory_space<semaphore_mem>> -> memref<1x!tpu.dma_semaphore, #tpu.memory_space<semaphore_mem>>
    %dma_start3A_515 = tpu.memref_squeeze %dma_start3A_514 : memref<1x!tpu.dma_semaphore, #tpu.memory_space<semaphore_mem>> -> memref<!tpu.dma_semaphore, #tpu.memory_space<semaphore_mem>>
    tpu.enqueue_indirect_dma source(%dma_start3A_513 : memref<10000x128xf32, #tpu.memory_space<hbm>>) target(%dma_start3A_507 : memref<80x128xf32, #tpu.memory_space<vmem>>) offsets(%dma_start3A_510 : memref<80xi32, #tpu.memory_space<vmem>>) semaphore(%dma_start3A_515 : memref<!tpu.dma_semaphore, #tpu.memory_space<semaphore_mem>>)
    %dma_wait3A_516 = arith.constant 3 : i32
    %dma_wait3A_517 = arith.constant 3 : i32
    %dma_wait3A_518 = arith.constant 3 : i32
    %dma_wait3A_519 = arith.constant 0 : i32
    %dma_wait3A_520 = arith.constant 0 : i32
    %dma_wait3A_521 = tpu.memref_slice %arg7[%dma_wait3A_517, %dma_wait3A_519, %dma_wait3A_520] : memref<4x80x128xf32, #tpu.memory_space<vmem>> -> memref<1x80x128xf32, #tpu.memory_space<vmem>>
    %dma_wait3A_522 = tpu.memref_squeeze %dma_wait3A_521 : memref<1x80x128xf32, #tpu.memory_space<vmem>> -> memref<80x128xf32, #tpu.memory_space<vmem>>
    %dma_wait3A_523 = arith.constant 0 : i32
    %dma_wait3A_524 = tpu.memref_slice %arg5[%dma_wait3A_516, %dma_wait3A_523] : memref<8x80xi32, #tpu.memory_space<vmem>> -> memref<1x80xi32, #tpu.memory_space<vmem>>
    %dma_wait3A_525 = tpu.memref_squeeze %dma_wait3A_524 : memref<1x80xi32, #tpu.memory_space<vmem>> -> memref<80xi32, #tpu.memory_space<vmem>>
    %dma_wait3A_526 = arith.constant 0 : i32
    %dma_wait3A_527 = arith.constant 0 : i32
    %dma_wait3A_528 = tpu.memref_slice %arg2[%dma_wait3A_526, %dma_wait3A_527] : memref<10000x128xf32, #tpu.memory_space<hbm>> -> memref<10000x128xf32, #tpu.memory_space<hbm>>
    %dma_wait3A_529 = tpu.memref_slice %arg11[%dma_wait3A_518] : memref<4x!tpu.dma_semaphore, #tpu.memory_space<semaphore_mem>> -> memref<1x!tpu.dma_semaphore, #tpu.memory_space<semaphore_mem>>
    %dma_wait3A_530 = tpu.memref_squeeze %dma_wait3A_529 : memref<1x!tpu.dma_semaphore, #tpu.memory_space<semaphore_mem>> -> memref<!tpu.dma_semaphore, #tpu.memory_space<semaphore_mem>>
    tpu.wait_indirect_dma semaphore(%dma_wait3A_530 : memref<!tpu.dma_semaphore, #tpu.memory_space<semaphore_mem>>) src(%dma_wait3A_528 : memref<10000x128xf32, #tpu.memory_space<hbm>>) dst(%dma_wait3A_522 : memref<80x128xf32, #tpu.memory_space<vmem>>)
    %dma_start3A_531 = arith.constant 3 : i32
    %dma_start3A_532 = arith.constant 3 : i32
    %dma_start3A_533 = arith.constant 3 : i32
    %dma_start3A_534 = arith.constant 0 : i32
    %dma_start3A_535 = arith.constant 0 : i32
    %dma_start3A_536 = tpu.memref_slice %arg7[%dma_start3A_531, %dma_start3A_534, %dma_start3A_535] : memref<4x80x128xf32, #tpu.memory_space<vmem>> -> memref<1x80x128xf32, #tpu.memory_space<vmem>>
    %dma_start3A_537 = tpu.memref_squeeze %dma_start3A_536 : memref<1x80x128xf32, #tpu.memory_space<vmem>> -> memref<80x128xf32, #tpu.memory_space<vmem>>
    %dma_start3A_538 = arith.constant 0 : i32
    %dma_start3A_539 = tpu.memref_slice %arg6[%dma_start3A_532, %dma_start3A_538] : memref<8x80xi32, #tpu.memory_space<vmem>> -> memref<1x80xi32, #tpu.memory_space<vmem>>
    %dma_start3A_540 = tpu.memref_squeeze %dma_start3A_539 : memref<1x80xi32, #tpu.memory_space<vmem>> -> memref<80xi32, #tpu.memory_space<vmem>>
    %dma_start3A_541 = arith.constant 0 : i32
    %dma_start3A_542 = arith.constant 0 : i32
    %dma_start3A_543 = tpu.memref_slice %arg9[%dma_start3A_541, %dma_start3A_542] : memref<10000x128xf32, #tpu.memory_space<vmem_shared>> -> memref<10000x128xf32, #tpu.memory_space<vmem_shared>>
    %dma_start3A_544 = tpu.memref_slice %arg12[%dma_start3A_533] : memref<4x!tpu.dma_semaphore, #tpu.memory_space<semaphore_mem>> -> memref<1x!tpu.dma_semaphore, #tpu.memory_space<semaphore_mem>>
    %dma_start3A_545 = tpu.memref_squeeze %dma_start3A_544 : memref<1x!tpu.dma_semaphore, #tpu.memory_space<semaphore_mem>> -> memref<!tpu.dma_semaphore, #tpu.memory_space<semaphore_mem>>
    tpu.enqueue_indirect_dma source(%dma_start3A_537 : memref<80x128xf32, #tpu.memory_space<vmem>>) target(%dma_start3A_543 : memref<10000x128xf32, #tpu.memory_space<vmem_shared>>) offsets(%dma_start3A_540 : memref<80xi32, #tpu.memory_space<vmem>>) semaphore(%dma_start3A_545 : memref<!tpu.dma_semaphore, #tpu.memory_space<semaphore_mem>>) {add = true}
    %dma_wait3A_546 = arith.constant 1 : i32
    %dma_wait3A_547 = arith.constant 1 : i32
    %dma_wait3A_548 = arith.constant 1 : i32
    %dma_wait3A_549 = arith.constant 0 : i32
    %dma_wait3A_550 = arith.constant 0 : i32
    %dma_wait3A_551 = tpu.memref_slice %arg7[%dma_wait3A_546, %dma_wait3A_549, %dma_wait3A_550] : memref<4x80x128xf32, #tpu.memory_space<vmem>> -> memref<1x80x128xf32, #tpu.memory_space<vmem>>
    %dma_wait3A_552 = tpu.memref_squeeze %dma_wait3A_551 : memref<1x80x128xf32, #tpu.memory_space<vmem>> -> memref<80x128xf32, #tpu.memory_space<vmem>>
    %dma_wait3A_553 = arith.constant 0 : i32
    %dma_wait3A_554 = tpu.memref_slice %arg6[%dma_wait3A_547, %dma_wait3A_553] : memref<8x80xi32, #tpu.memory_space<vmem>> -> memref<1x80xi32, #tpu.memory_space<vmem>>
    %dma_wait3A_555 = tpu.memref_squeeze %dma_wait3A_554 : memref<1x80xi32, #tpu.memory_space<vmem>> -> memref<80xi32, #tpu.memory_space<vmem>>
    %dma_wait3A_556 = arith.constant 0 : i32
    %dma_wait3A_557 = arith.constant 0 : i32
    %dma_wait3A_558 = tpu.memref_slice %arg9[%dma_wait3A_556, %dma_wait3A_557] : memref<10000x128xf32, #tpu.memory_space<vmem_shared>> -> memref<10000x128xf32, #tpu.memory_space<vmem_shared>>
    %dma_wait3A_559 = tpu.memref_slice %arg12[%dma_wait3A_548] : memref<4x!tpu.dma_semaphore, #tpu.memory_space<semaphore_mem>> -> memref<1x!tpu.dma_semaphore, #tpu.memory_space<semaphore_mem>>
    %dma_wait3A_560 = tpu.memref_squeeze %dma_wait3A_559 : memref<1x!tpu.dma_semaphore, #tpu.memory_space<semaphore_mem>> -> memref<!tpu.dma_semaphore, #tpu.memory_space<semaphore_mem>>
    tpu.wait_indirect_dma semaphore(%dma_wait3A_560 : memref<!tpu.dma_semaphore, #tpu.memory_space<semaphore_mem>>) src(%dma_wait3A_552 : memref<80x128xf32, #tpu.memory_space<vmem>>) dst(%dma_wait3A_558 : memref<10000x128xf32, #tpu.memory_space<vmem_shared>>)
    %dma_wait3A_561 = arith.constant 4 : i32
    %dma_wait3A_562 = arith.constant 0 : i32
    %dma_wait3A_563 = arith.constant 0 : i32
    %dma_wait3A_564 = arith.constant 0 : i32
    %dma_wait3A_565 = arith.constant 0 : i32
    %dma_wait3A_566 = tpu.memref_slice %arg7[%dma_wait3A_562, %dma_wait3A_564, %dma_wait3A_565] : memref<4x80x128xf32, #tpu.memory_space<vmem>> -> memref<1x80x128xf32, #tpu.memory_space<vmem>>
    %dma_wait3A_567 = tpu.memref_squeeze %dma_wait3A_566 : memref<1x80x128xf32, #tpu.memory_space<vmem>> -> memref<80x128xf32, #tpu.memory_space<vmem>>
    %dma_wait3A_568 = arith.constant 0 : i32
    %dma_wait3A_569 = tpu.memref_slice %arg5[%dma_wait3A_561, %dma_wait3A_568] : memref<8x80xi32, #tpu.memory_space<vmem>> -> memref<1x80xi32, #tpu.memory_space<vmem>>
    %dma_wait3A_570 = tpu.memref_squeeze %dma_wait3A_569 : memref<1x80xi32, #tpu.memory_space<vmem>> -> memref<80xi32, #tpu.memory_space<vmem>>
    %dma_wait3A_571 = arith.constant 0 : i32
    %dma_wait3A_572 = arith.constant 0 : i32
    %dma_wait3A_573 = tpu.memref_slice %arg2[%dma_wait3A_571, %dma_wait3A_572] : memref<10000x128xf32, #tpu.memory_space<hbm>> -> memref<10000x128xf32, #tpu.memory_space<hbm>>
    %dma_wait3A_574 = tpu.memref_slice %arg11[%dma_wait3A_563] : memref<4x!tpu.dma_semaphore, #tpu.memory_space<semaphore_mem>> -> memref<1x!tpu.dma_semaphore, #tpu.memory_space<semaphore_mem>>
    %dma_wait3A_575 = tpu.memref_squeeze %dma_wait3A_574 : memref<1x!tpu.dma_semaphore, #tpu.memory_space<semaphore_mem>> -> memref<!tpu.dma_semaphore, #tpu.memory_space<semaphore_mem>>
    tpu.wait_indirect_dma semaphore(%dma_wait3A_575 : memref<!tpu.dma_semaphore, #tpu.memory_space<semaphore_mem>>) src(%dma_wait3A_573 : memref<10000x128xf32, #tpu.memory_space<hbm>>) dst(%dma_wait3A_567 : memref<80x128xf32, #tpu.memory_space<vmem>>)
    %dma_start3A_576 = arith.constant 0 : i32
    %dma_start3A_577 = arith.constant 4 : i32
    %dma_start3A_578 = arith.constant 0 : i32
    %dma_start3A_579 = arith.constant 0 : i32
    %dma_start3A_580 = arith.constant 0 : i32
    %dma_start3A_581 = tpu.memref_slice %arg7[%dma_start3A_576, %dma_start3A_579, %dma_start3A_580] : memref<4x80x128xf32, #tpu.memory_space<vmem>> -> memref<1x80x128xf32, #tpu.memory_space<vmem>>
    %dma_start3A_582 = tpu.memref_squeeze %dma_start3A_581 : memref<1x80x128xf32, #tpu.memory_space<vmem>> -> memref<80x128xf32, #tpu.memory_space<vmem>>
    %dma_start3A_583 = arith.constant 0 : i32
    %dma_start3A_584 = tpu.memref_slice %arg6[%dma_start3A_577, %dma_start3A_583] : memref<8x80xi32, #tpu.memory_space<vmem>> -> memref<1x80xi32, #tpu.memory_space<vmem>>
    %dma_start3A_585 = tpu.memref_squeeze %dma_start3A_584 : memref<1x80xi32, #tpu.memory_space<vmem>> -> memref<80xi32, #tpu.memory_space<vmem>>
    %dma_start3A_586 = arith.constant 0 : i32
    %dma_start3A_587 = arith.constant 0 : i32
    %dma_start3A_588 = tpu.memref_slice %arg9[%dma_start3A_586, %dma_start3A_587] : memref<10000x128xf32, #tpu.memory_space<vmem_shared>> -> memref<10000x128xf32, #tpu.memory_space<vmem_shared>>
    %dma_start3A_589 = tpu.memref_slice %arg12[%dma_start3A_578] : memref<4x!tpu.dma_semaphore, #tpu.memory_space<semaphore_mem>> -> memref<1x!tpu.dma_semaphore, #tpu.memory_space<semaphore_mem>>
    %dma_start3A_590 = tpu.memref_squeeze %dma_start3A_589 : memref<1x!tpu.dma_semaphore, #tpu.memory_space<semaphore_mem>> -> memref<!tpu.dma_semaphore, #tpu.memory_space<semaphore_mem>>
    tpu.enqueue_indirect_dma source(%dma_start3A_582 : memref<80x128xf32, #tpu.memory_space<vmem>>) target(%dma_start3A_588 : memref<10000x128xf32, #tpu.memory_space<vmem_shared>>) offsets(%dma_start3A_585 : memref<80xi32, #tpu.memory_space<vmem>>) semaphore(%dma_start3A_590 : memref<!tpu.dma_semaphore, #tpu.memory_space<semaphore_mem>>) {add = true}
    %dma_wait3A_591 = arith.constant 2 : i32
    %dma_wait3A_592 = arith.constant 2 : i32
    %dma_wait3A_593 = arith.constant 2 : i32
    %dma_wait3A_594 = arith.constant 0 : i32
    %dma_wait3A_595 = arith.constant 0 : i32
    %dma_wait3A_596 = tpu.memref_slice %arg7[%dma_wait3A_591, %dma_wait3A_594, %dma_wait3A_595] : memref<4x80x128xf32, #tpu.memory_space<vmem>> -> memref<1x80x128xf32, #tpu.memory_space<vmem>>
    %dma_wait3A_597 = tpu.memref_squeeze %dma_wait3A_596 : memref<1x80x128xf32, #tpu.memory_space<vmem>> -> memref<80x128xf32, #tpu.memory_space<vmem>>
    %dma_wait3A_598 = arith.constant 0 : i32
    %dma_wait3A_599 = tpu.memref_slice %arg6[%dma_wait3A_592, %dma_wait3A_598] : memref<8x80xi32, #tpu.memory_space<vmem>> -> memref<1x80xi32, #tpu.memory_space<vmem>>
    %dma_wait3A_600 = tpu.memref_squeeze %dma_wait3A_599 : memref<1x80xi32, #tpu.memory_space<vmem>> -> memref<80xi32, #tpu.memory_space<vmem>>
    %dma_wait3A_601 = arith.constant 0 : i32
    %dma_wait3A_602 = arith.constant 0 : i32
    %dma_wait3A_603 = tpu.memref_slice %arg9[%dma_wait3A_601, %dma_wait3A_602] : memref<10000x128xf32, #tpu.memory_space<vmem_shared>> -> memref<10000x128xf32, #tpu.memory_space<vmem_shared>>
    %dma_wait3A_604 = tpu.memref_slice %arg12[%dma_wait3A_593] : memref<4x!tpu.dma_semaphore, #tpu.memory_space<semaphore_mem>> -> memref<1x!tpu.dma_semaphore, #tpu.memory_space<semaphore_mem>>
    %dma_wait3A_605 = tpu.memref_squeeze %dma_wait3A_604 : memref<1x!tpu.dma_semaphore, #tpu.memory_space<semaphore_mem>> -> memref<!tpu.dma_semaphore, #tpu.memory_space<semaphore_mem>>
    tpu.wait_indirect_dma semaphore(%dma_wait3A_605 : memref<!tpu.dma_semaphore, #tpu.memory_space<semaphore_mem>>) src(%dma_wait3A_597 : memref<80x128xf32, #tpu.memory_space<vmem>>) dst(%dma_wait3A_603 : memref<10000x128xf32, #tpu.memory_space<vmem_shared>>)
    %dma_wait3A_606 = arith.constant 3 : i32
    %dma_wait3A_607 = arith.constant 3 : i32
    %dma_wait3A_608 = arith.constant 3 : i32
    %dma_wait3A_609 = arith.constant 0 : i32
    %dma_wait3A_610 = arith.constant 0 : i32
    %dma_wait3A_611 = tpu.memref_slice %arg7[%dma_wait3A_606, %dma_wait3A_609, %dma_wait3A_610] : memref<4x80x128xf32, #tpu.memory_space<vmem>> -> memref<1x80x128xf32, #tpu.memory_space<vmem>>
    %dma_wait3A_612 = tpu.memref_squeeze %dma_wait3A_611 : memref<1x80x128xf32, #tpu.memory_space<vmem>> -> memref<80x128xf32, #tpu.memory_space<vmem>>
    %dma_wait3A_613 = arith.constant 0 : i32
    %dma_wait3A_614 = tpu.memref_slice %arg6[%dma_wait3A_607, %dma_wait3A_613] : memref<8x80xi32, #tpu.memory_space<vmem>> -> memref<1x80xi32, #tpu.memory_space<vmem>>
    %dma_wait3A_615 = tpu.memref_squeeze %dma_wait3A_614 : memref<1x80xi32, #tpu.memory_space<vmem>> -> memref<80xi32, #tpu.memory_space<vmem>>
    %dma_wait3A_616 = arith.constant 0 : i32
    %dma_wait3A_617 = arith.constant 0 : i32
    %dma_wait3A_618 = tpu.memref_slice %arg9[%dma_wait3A_616, %dma_wait3A_617] : memref<10000x128xf32, #tpu.memory_space<vmem_shared>> -> memref<10000x128xf32, #tpu.memory_space<vmem_shared>>
    %dma_wait3A_619 = tpu.memref_slice %arg12[%dma_wait3A_608] : memref<4x!tpu.dma_semaphore, #tpu.memory_space<semaphore_mem>> -> memref<1x!tpu.dma_semaphore, #tpu.memory_space<semaphore_mem>>
    %dma_wait3A_620 = tpu.memref_squeeze %dma_wait3A_619 : memref<1x!tpu.dma_semaphore, #tpu.memory_space<semaphore_mem>> -> memref<!tpu.dma_semaphore, #tpu.memory_space<semaphore_mem>>
    tpu.wait_indirect_dma semaphore(%dma_wait3A_620 : memref<!tpu.dma_semaphore, #tpu.memory_space<semaphore_mem>>) src(%dma_wait3A_612 : memref<80x128xf32, #tpu.memory_space<vmem>>) dst(%dma_wait3A_618 : memref<10000x128xf32, #tpu.memory_space<vmem_shared>>)
    %dma_wait3A_621 = arith.constant 0 : i32
    %dma_wait3A_622 = arith.constant 4 : i32
    %dma_wait3A_623 = arith.constant 0 : i32
    %dma_wait3A_624 = arith.constant 0 : i32
    %dma_wait3A_625 = arith.constant 0 : i32
    %dma_wait3A_626 = tpu.memref_slice %arg7[%dma_wait3A_621, %dma_wait3A_624, %dma_wait3A_625] : memref<4x80x128xf32, #tpu.memory_space<vmem>> -> memref<1x80x128xf32, #tpu.memory_space<vmem>>
    %dma_wait3A_627 = tpu.memref_squeeze %dma_wait3A_626 : memref<1x80x128xf32, #tpu.memory_space<vmem>> -> memref<80x128xf32, #tpu.memory_space<vmem>>
    %dma_wait3A_628 = arith.constant 0 : i32
    %dma_wait3A_629 = tpu.memref_slice %arg6[%dma_wait3A_622, %dma_wait3A_628] : memref<8x80xi32, #tpu.memory_space<vmem>> -> memref<1x80xi32, #tpu.memory_space<vmem>>
    %dma_wait3A_630 = tpu.memref_squeeze %dma_wait3A_629 : memref<1x80xi32, #tpu.memory_space<vmem>> -> memref<80xi32, #tpu.memory_space<vmem>>
    %dma_wait3A_631 = arith.constant 0 : i32
    %dma_wait3A_632 = arith.constant 0 : i32
    %dma_wait3A_633 = tpu.memref_slice %arg9[%dma_wait3A_631, %dma_wait3A_632] : memref<10000x128xf32, #tpu.memory_space<vmem_shared>> -> memref<10000x128xf32, #tpu.memory_space<vmem_shared>>
    %dma_wait3A_634 = tpu.memref_slice %arg12[%dma_wait3A_623] : memref<4x!tpu.dma_semaphore, #tpu.memory_space<semaphore_mem>> -> memref<1x!tpu.dma_semaphore, #tpu.memory_space<semaphore_mem>>
    %dma_wait3A_635 = tpu.memref_squeeze %dma_wait3A_634 : memref<1x!tpu.dma_semaphore, #tpu.memory_space<semaphore_mem>> -> memref<!tpu.dma_semaphore, #tpu.memory_space<semaphore_mem>>
    tpu.wait_indirect_dma semaphore(%dma_wait3A_635 : memref<!tpu.dma_semaphore, #tpu.memory_space<semaphore_mem>>) src(%dma_wait3A_627 : memref<80x128xf32, #tpu.memory_space<vmem>>) dst(%dma_wait3A_633 : memref<10000x128xf32, #tpu.memory_space<vmem_shared>>)
    %barrier3A_636 = arith.constant 0 : index
    tpu.barrier barrier_id(%barrier3A_636)
    %mul3A_637 = arith.constant 624 : i32
    %mul3A_638 = arith.muli %arg1, %mul3A_637 : i32
    %mul3A_639 = arith.constant 624 : i32
    %mul3A_640 = arith.muli %arg1, %mul3A_639 : i32
    "tpu.region"() ({
      %run_scoped3A = tpu.sem_alloc : memref<!tpu.dma_semaphore, #tpu.memory_space<semaphore_mem>>
      %dma_start3A_646 = arith.constant 0 : i32
      %dma_start3A_647 = tpu.memref_slice %arg4[%arg0, %mul3A_640, %dma_start3A_646] : memref<2x10000x128xf32, #tpu.memory_space<hbm>> -> memref<1x624x128xf32, #tpu.memory_space<hbm>>
      %dma_start3A_648 = tpu.memref_squeeze %dma_start3A_647 : memref<1x624x128xf32, #tpu.memory_space<hbm>> -> memref<624x128xf32, #tpu.memory_space<hbm>>
      %dma_start3A_649 = arith.constant 0 : i32
      %dma_start3A_650 = tpu.memref_slice %arg9[%mul3A_638, %dma_start3A_649] : memref<10000x128xf32, #tpu.memory_space<vmem_shared>> -> memref<624x128xf32, #tpu.memory_space<vmem_shared>>
      tpu.enqueue_dma source(%dma_start3A_650 : memref<624x128xf32, #tpu.memory_space<vmem_shared>>) target(%dma_start3A_648 : memref<624x128xf32, #tpu.memory_space<hbm>>) target_semaphore(%run_scoped3A : memref<!tpu.dma_semaphore, #tpu.memory_space<semaphore_mem>>)
      %dma_wait3A_651 = arith.constant 0 : i32
      %dma_wait3A_652 = tpu.memref_slice %arg4[%arg0, %mul3A_640, %dma_wait3A_651] : memref<2x10000x128xf32, #tpu.memory_space<hbm>> -> memref<1x624x128xf32, #tpu.memory_space<hbm>>
      %dma_wait3A_653 = tpu.memref_squeeze %dma_wait3A_652 : memref<1x624x128xf32, #tpu.memory_space<hbm>> -> memref<624x128xf32, #tpu.memory_space<hbm>>
      %dma_wait3A_654 = arith.constant 0 : i32
      %dma_wait3A_655 = tpu.memref_slice %arg9[%mul3A_638, %dma_wait3A_654] : memref<10000x128xf32, #tpu.memory_space<vmem_shared>> -> memref<624x128xf32, #tpu.memory_space<vmem_shared>>
      tpu.wait_dma2 semaphore(%run_scoped3A : memref<!tpu.dma_semaphore, #tpu.memory_space<semaphore_mem>>) src(%dma_wait3A_655 : memref<624x128xf32, #tpu.memory_space<vmem_shared>>) dst(%dma_wait3A_653 : memref<624x128xf32, #tpu.memory_space<hbm>>)
      tpu.yield
    }) : () -> ()
    %eq3A_641 = arith.constant 15 : i32
    %eq3A_642 = arith.cmpi eq, %arg1, %eq3A_641 : i32
    %convert_element_type3A_643 = arith.extui %eq3A_642 : i1 to i32
    %cond3A_644 = arith.constant 0 : i32
    %cond3A_645 = arith.cmpi ne, %convert_element_type3A_643, %cond3A_644 : i32
    scf.if %cond3A_645 {
      "tpu.region"() ({
        %run_scoped3A = tpu.sem_alloc : memref<!tpu.dma_semaphore, #tpu.memory_space<semaphore_mem>>
        %dma_start3A_646 = arith.constant 9984 : i32
        %dma_start3A_647 = arith.constant 0 : i32
        %dma_start3A_648 = tpu.memref_slice %arg4[%arg0, %dma_start3A_646, %dma_start3A_647] : memref<2x10000x128xf32, #tpu.memory_space<hbm>> -> memref<1x16x128xf32, #tpu.memory_space<hbm>>
        %dma_start3A_649 = tpu.memref_squeeze %dma_start3A_648 : memref<1x16x128xf32, #tpu.memory_space<hbm>> -> memref<16x128xf32, #tpu.memory_space<hbm>>
        %dma_start3A_650 = arith.constant 9984 : i32
        %dma_start3A_651 = arith.constant 0 : i32
        %dma_start3A_652 = tpu.memref_slice %arg9[%dma_start3A_650, %dma_start3A_651] : memref<10000x128xf32, #tpu.memory_space<vmem_shared>> -> memref<16x128xf32, #tpu.memory_space<vmem_shared>>
        tpu.enqueue_dma source(%dma_start3A_652 : memref<16x128xf32, #tpu.memory_space<vmem_shared>>) target(%dma_start3A_649 : memref<16x128xf32, #tpu.memory_space<hbm>>) target_semaphore(%run_scoped3A : memref<!tpu.dma_semaphore, #tpu.memory_space<semaphore_mem>>)
        %dma_wait3A_653 = arith.constant 9984 : i32
        %dma_wait3A_654 = arith.constant 0 : i32
        %dma_wait3A_655 = tpu.memref_slice %arg4[%arg0, %dma_wait3A_653, %dma_wait3A_654] : memref<2x10000x128xf32, #tpu.memory_space<hbm>> -> memref<1x16x128xf32, #tpu.memory_space<hbm>>
        %dma_wait3A_656 = tpu.memref_squeeze %dma_wait3A_655 : memref<1x16x128xf32, #tpu.memory_space<hbm>> -> memref<16x128xf32, #tpu.memory_space<hbm>>
        %dma_wait3A_657 = arith.constant 9984 : i32
        %dma_wait3A_658 = arith.constant 0 : i32
        %dma_wait3A_659 = tpu.memref_slice %arg9[%dma_wait3A_657, %dma_wait3A_658] : memref<10000x128xf32, #tpu.memory_space<vmem_shared>> -> memref<16x128xf32, #tpu.memory_space<vmem_shared>>
        tpu.wait_dma2 semaphore(%run_scoped3A : memref<!tpu.dma_semaphore, #tpu.memory_space<semaphore_mem>>) src(%dma_wait3A_659 : memref<16x128xf32, #tpu.memory_space<vmem_shared>>) dst(%dma_wait3A_656 : memref<16x128xf32, #tpu.memory_space<hbm>>)
        tpu.yield
      }) : () -> ()
    } else {
    }
    return
  }
}

module attributes {stable_mosaic.version = 14 : i64} {
  func.func @_tc_add_body(%arg0: i32, %arg1: memref<2x10000x128xf32, #tpu.memory_space<vmem>>, %arg2: memref<10000x128xf32, #tpu.memory_space<vmem>>) attributes {dimension_semantics = [#tpu.dimension_semantics<arbitrary>], iteration_bounds = array<i64: 1>, scalar_prefetch = 0 : i64, scratch_operands = 0 : i64, tpu.core_type = #tpu.core_type<tc>, window_params = [{transform_indices = @transform_0, window_bounds = array<i64: 2, 10000, 128>}, {transform_indices = @transform_1, window_bounds = array<i64: 10000, 128>}]} {
    %get3A = arith.constant 0 : index
    %get3A_0 = arith.constant 0 : index
    %get3A_1 = arith.constant 0 : index
    %get3A_2 = vector.load %arg1[%get3A, %get3A_0, %get3A_1] : memref<2x10000x128xf32, #tpu.memory_space<vmem>>, vector<1x10000x128xf32>
    %get3A_3 = vector.shape_cast %get3A_2 : vector<1x10000x128xf32> to vector<10000x128xf32>
    %get3A_4 = arith.constant 1 : index
    %get3A_5 = arith.constant 0 : index
    %get3A_6 = arith.constant 0 : index
    %get3A_7 = vector.load %arg1[%get3A_4, %get3A_5, %get3A_6] : memref<2x10000x128xf32, #tpu.memory_space<vmem>>, vector<1x10000x128xf32>
    %get3A_8 = vector.shape_cast %get3A_7 : vector<1x10000x128xf32> to vector<10000x128xf32>
    %add3A = arith.addf %get3A_3, %get3A_8 : vector<10000x128xf32>
    %swap3A = arith.constant 0 : index
    %swap3A_9 = arith.constant 0 : index
    %swap3A_10 = vector.load %arg2[%swap3A, %swap3A_9] : memref<10000x128xf32, #tpu.memory_space<vmem>>, vector<10000x128xf32>
    tpu.vector_store %arg2[%swap3A, %swap3A_9], %add3A {strides = array<i32>} : memref<10000x128xf32, #tpu.memory_space<vmem>>, vector<10000x128xf32>,
    return
  }
  func.func @transform_0(%arg0: i32) -> (i32, i32, i32) {
    %c0_i32 = arith.constant 0 : i32
    %c0_i32_0 = arith.constant 0 : i32
    %c0_i32_1 = arith.constant 0 : i32
    return %c0_i32, %arg0, %c0_i32_0 : i32, i32, i32
  }
  func.func @transform_1(%arg0: i32) -> (i32, i32) {
    %c0_i32 = arith.constant 0 : i32
    %c0_i32_0 = arith.constant 0 : i32
    return %arg0, %c0_i32 : i32, i32
  }
}

</mosaic_0001>

<sc_bundles>
// kernel: kernel.4.cloned.1.call-start
scs
__scs_entry_jumppad:
0x0: {  	(pc) =	sbr.rel $0x88, $3  }
0x1: {  	(tag) =	ssettag $0x0;
	lr =	simm.s32 $0x1  }
0x2: {  	[smem:$0x3F9F] =	sst lr;
	_ =	strace $0xD0000000  }
0x3: {  	_ = 	snop  }
0x4: {  	_ = 	snop  }
0x5: {  	_ = 	snop  }
0x6: {  	_ = 	snop  }
0x7: {  	_ = 	snop  }
__scs_overlays_trampoline_lowered:
0x8: {  	[smem:$0x3FAE] =	sst s0  }
0x9: {  	[smem:$0x3FAF] =	sst s1  }
0xa: {  	[smem:$0x3FB0] =	sst s2  }
0xb: {  	[smem:$0x3FB1] =	sst s3  }
0xc: {  	[smem:$0x3FB2] =	sst s4  }
0xd: {  	[smem:$0x3FB3] =	sst s5  }
0xe: {  	[smem:$0x3FB4] =	sst s6  }
0xf: {  	[smem:$0x3FB5] =	sst s7  }
0x10: {  	[smem:$0x3FB6] =	sst s8  }
0x11: {  	[smem:$0x3FB7] =	sst s9;
	s0 =	simm.s32 @!p0 $0x0  }
0x12: {  	s1 =	sld [smem:$0x3F9D];
	s0 =	simm.s32 @p0 $0x1  }
0x13: {  	[smem:$0x3FB8] =	sst s0;
	s0 =	simm.s32 @!p1 $0x0  }
0x14: {  	s2 =	sld [smem:$0x3F9C];
	s0 =	simm.s32 @p1 $0x1  }
0x15: {  	[smem:$0x3FB9] =	sst s0;
	s0 =	simm.s32 @!p2 $0x0  }
0x16: {  	s3 =	sld [smem:$0x3FDB];
	s0 =	simm.s32 @p2 $0x1  }
0x17: {  	s4 =	simm.s32 $0x1BF5;
	[smem:$0x3FBB] =	sst s0  }
0x18: {  	s0 =	sld [smem:$0x3F9E];
	_ =	swait.ge [sflag:s4], $0x0  }
0x19: {  	s7 =	sld [smem:$0x3F9F]  }
0x1a: {  	s8 =	sadd.s32 $0xFFFFE003, lr  }
0x1b: {  	s9 =	sadd.s32 $0xFFFFFEF7, lr;
	s5 =	simm.s32 $0xFFFFFFFF;
	p2 =	slt.u32 s8, $0xFFFFF086  }
0x1c: {  	p1 =	slt.u32 s9, $0xF7A;
	s5 =	simm.s32 @!p2 $0x0  }
0x1d: {  	s5 =	simm.s32 @p1 $0x1;
	p0 =	seq.s32 s7, s2  }
0x1e: {  	s7 =	smul.u32 @!p0 $0xF7A, s2;
	p2 =	seq.s32 @!p0 s5, $0x0  }
0x1f: {  	s9 =	smul.u32 $0xF7A, s1;
	s8 =	simm.s32 @!p0 $0x1BF5;
	p2 =	por !p2, p0  }
0x20: {  	[sflag:s8] =	ssyncset.s32 @!p0 $0xFFFFF086;
	s6 =	sadd.s32 @!p0 s3, s7;
	s7 =	simm.s32 @!p0 $0x108  }
0x21: {  	s3 =	sadd.s32 s3, s9;
	s6 =	sadd.s32 @!p0 $0x88, s6;
	s7 =	simm.s32 @p2 $0x1082  }
0x22: {  	[simem:s7], [sflag:s8] =	dma.local @!p0 [hbm:s6], $0xF7A  }
0x23: {  	s9 =	sor.u32 $0xD0000000, s2;
	s6 =	simm.s32 $0x108;
	_ =	swait.ge @!p0 [sflag:s8], $0x0  }
0x24: {  	s3 =	sadd.s32 $0x88, s3;
	s6 =	simm.s32 @!p1 $0x1082;
	[sflag:s4] =	ssyncset.s32 $0xFFFFF086  }
0x25: {  	[simem:s6], [sflag:s4] =	dma.local [hbm:s3], $0xF7A  }
0x26: {  	[smem:$0x3F9F] =	sst s1;
	(tag) =	ssettag s2;
	_ =	strace s9  }
0x27: {  	s1 =	sld [smem:$0x3FAF]  }
0x28: {  	s2 =	sld [smem:$0x3FB0]  }
0x29: {  	s4 =	sld [smem:$0x3FB2]  }
0x2a: {  	p0 =	seq.s32 s5, $0x0;
	s5 =	sld [smem:$0x3FB3]  }
0x2b: {  	s6 =	sld [smem:$0x3FB4]  }
0x2c: {  	s7 =	sld [smem:$0x3FB5]  }
0x2d: {  	s3 =	simm.s32 $0x108;
	s8 =	sld [smem:$0x3FB6]  }
0x2e: {  	s3 =	simm.s32 @!p0 $0x1082;
	s9 =	sld [smem:$0x3FB7]  }
0x2f: {  	lr =	sadd.s32 s0, s3;
	s0 =	sld [smem:$0x3FAE]  }
0x30: {  	s3 =	sld [smem:$0x3FB1]  }
0x31: {  	[smem:$0x3FBA] =	sst s10  }
0x32: {  	s10 =	sld [smem:$0x3FB8];
	_ =	sdelay $0x3  }
0x33: {  	p0 =	seq.s32 s10, $0x1;
	s10 =	sld [smem:$0x3FBA];
	_ =	sdelay $0x3  }
0x34: {  	[smem:$0x3FBA] =	sst s10  }
0x35: {  	s10 =	sld [smem:$0x3FB9];
	_ =	sdelay $0x3  }
0x36: {  	p1 =	seq.s32 s10, $0x1;
	s10 =	sld [smem:$0x3FBA];
	_ =	sdelay $0x3  }
0x37: {  	[smem:$0x3FBA] =	sst s10  }
0x38: {  	s10 =	sld [smem:$0x3FBB]  }
0x39: {  	_ = 	snop;
	(pc) =	sbr.ind lr, $3  }
0x3a: {  	_ = 	snop  }
0x3b: {  	_ = 	snop  }
0x3c: {  	p2 =	seq.s32 s10, $0x1;
	s10 =	sld [smem:$0x3FBA]  }
0x3d: {  	_ =	shalt  }
0x3e: {  	_ =	shalt  }
0x3f: {  	_ =	shalt  }
0x40: {  	_ =	shalt  }
0x41: {  	_ =	shalt  }
0x42: {  	_ =	shalt  }
0x43: {  	_ =	shalt  }
0x44: {  	_ =	shalt  }
0x45: {  	_ =	shalt  }
0x46: {  	_ =	shalt  }
0x47: {  	_ =	shalt  }
0x48: {  	_ =	shalt  }
0x49: {  	_ =	shalt  }
0x4a: {  	_ =	shalt  }
0x4b: {  	_ =	shalt  }
0x4c: {  	_ =	shalt  }
0x4d: {  	_ =	shalt  }
0x4e: {  	_ =	shalt  }
0x4f: {  	_ =	shalt  }
0x50: {  	_ =	shalt  }
0x51: {  	_ =	shalt  }
0x52: {  	_ =	shalt  }
0x53: {  	_ =	shalt  }
0x54: {  	_ =	shalt  }
0x55: {  	_ =	shalt  }
0x56: {  	_ =	shalt  }
0x57: {  	_ =	shalt  }
0x58: {  	_ =	shalt  }
0x59: {  	_ =	shalt  }
0x5a: {  	_ =	shalt  }
0x5b: {  	_ =	shalt  }
0x5c: {  	_ =	shalt  }
0x5d: {  	_ =	shalt  }
0x5e: {  	_ =	shalt  }
0x5f: {  	_ =	shalt  }
0x60: {  	_ =	shalt  }
0x61: {  	_ =	shalt  }
0x62: {  	_ =	shalt  }
0x63: {  	_ =	shalt  }
0x64: {  	_ =	shalt  }
0x65: {  	_ =	shalt  }
0x66: {  	_ =	shalt  }
0x67: {  	_ =	shalt  }
0x68: {  	_ =	shalt  }
0x69: {  	_ =	shalt  }
0x6a: {  	_ =	shalt  }
0x6b: {  	_ =	shalt  }
0x6c: {  	_ =	shalt  }
0x6d: {  	_ =	shalt  }
0x6e: {  	_ =	shalt  }
0x6f: {  	_ =	shalt  }
0x70: {  	_ =	shalt  }
0x71: {  	_ =	shalt  }
0x72: {  	_ =	shalt  }
0x73: {  	_ =	shalt  }
0x74: {  	_ =	shalt  }
0x75: {  	_ =	shalt  }
0x76: {  	_ =	shalt  }
0x77: {  	_ =	shalt  }
0x78: {  	_ =	shalt  }
0x79: {  	_ =	shalt  }
0x7a: {  	_ =	shalt  }
0x7b: {  	_ =	shalt  }
0x7c: {  	_ =	shalt  }
0x7d: {  	_ =	shalt  }
0x7e: {  	_ =	shalt  }
0x7f: {  	_ =	shalt  }
0x80: {  	_ =	shalt  }
0x81: {  	_ =	shalt  }
0x82: {  	_ =	shalt  }
0x83: {  	_ =	shalt  }
0x84: {  	_ =	shalt  }
0x85: {  	_ =	shalt  }
0x86: {  	_ =	shalt  }
0x87: {  	_ =	shalt  }
.Lfunc_end0:
.L_simem_size_0:
called_computation_lowered:
.L_overlay_start_0:
0x88: {  	s2 =	sld [smem:$0x3FD9]  }
0x89: {  	s3 =	sld [smem:$0x3FFE];
	_ =	sdelay $0x1  }
0x8a: {  	s1 =	srdreg.scid  }
0x8b: {  	s0 =	sand.u32 $0x1, s1  }
0x8c: {  	s17 =	sshll.u32 s0, $0xA;
	s2 =	sadd.s32 s3, s2  }
0x8d: {  	s2 =	sadd.s32 s2, s17  }
0x8e: {  	[smem:$0x3FC6] =	sst s2  }
0x8f: {  	_ = 	snop  }
0x90: {  	s2 =	sld [smem:$0x3FC9]  }
0x91: {  	s18 =	sld [smem:$0x3FD0];
	(tm) =	ssettm $0x1  }
0x92: {  	s4 =	sld [smem:$0x3FFB];
	_ =	sdelay $0x3  }
0x93: {  	_ =	strace s4  }
0x94: {  	s4 =	sld [smem:$0x3FFC];
	_ =	sdelay $0x3  }
0x95: {  	_ =	strace s4  }
0x96: {  	s4 =	sld [smem:$0x3FFD];
	_ =	sdelay $0x3  }
0x97: {  	_ =	strace s4  }
0x98: {  	_ =	strace $0x8FFFFFFF  }
0x99: {  	s19 =	sld [smem:$0x3FDB];
	_ =	sdelay $0x1  }
0x9a: {  	s5 =	simm.s32 $_scs_section_size  }
0x9b: {  	s6 =	simm.s32 $_size__tile_overlayer_lowered;
	s7 =	simm.s32 $_tile_overlayer_lowered  }
0x9c: {  	s22 =	simm.s32 $0x1BFF;
	s21 =	sshll.u32 s7, $0x1;
	s4 =	sadd.s32 s5, s19  }
0x9d: {  	s8 =	simm.s32 $0x0;
	s20 =	sshll.u32 s6, $0x1;
	s6 =	sadd.s32 s21, s4  }
0x9e: {  	[timem:s8], [sflag:s22] =	dma.local [hbm:s6], s20  }
0x9f: {  	_ =	swait.ge [sflag:s22], s20  }
0xa0: {  	s5 =	ssub.s32 $0x0, s20;
	[sflag:s22] =	ssyncset.done $0x0  }
0xa1: {  	[sflag:s22] =	ssyncadd.s32 s5;
	_ =	sdelay $0x1  }
0xa2: {  	s23 =	simm.s32 $0x1B8B  }
0xa3: {  	_ =	swait.ge [sflag:s23], $0x1  }
0xa4: {  	[sflag:s23] =	ssyncset.done $0x0  }
0xa5: {  	s25 =	simm.s32 $0x1B8E;
	s24 =	sld [smem:$0x3FFE];
	[sflag:s23] =	ssyncadd.s32 $0xFFFFFFFF  }
0xa6: {  	s26 =	simm.s32 $execute0_lowered;
	[smem:$0x3FD2] =	sst s25  }
0xa7: {  	s6 =	sshll.u32 s26, $0x1;
	_ =	strace $0x80000046;
	[dreg:$0x1] =	wrdreg $0xFFFFFFFF  }
0xa8: {  	s28 =	simm.s32 $_size_execute0_lowered;
	s4 =	sadd.s32 s4, s6;
	[dreg:$0x0] =	wrdreg $0x0  }
0xa9: {  	s6 =	sshll.u32 s28, $0x1;
	[dreg:$0x2] =	wrdreg s4  }
0xaa: {  	[dreg:$0x3] =	wrdreg s6  }
0xab: {  	[dreg:$0x4] =	wrdreg $0xC0  }
0xac: {  	_ =	task [dreg:s8], $0x5FFFF  }
0xad: {  	[dreg:$0x1] =	wrdreg $0xFFFFFFFF  }
0xae: {  	[dreg:$0x0] =	wrdreg $0x60  }
0xaf: {  	[dreg:$0x2] =	wrdreg s2  }
0xb0: {  	[dreg:$0x3] =	wrdreg s18  }
0xb1: {  	[dreg:$0x4] =	wrdreg s24  }
0xb2: {  	[dreg:$0x5] =	wrdreg $0xAC000  }
0xb3: {  	[dreg:$0x6] =	wrdreg $0x9  }
0xb4: {  	_ =	task.clear_ibuf [dreg:s8], $0x7FFFF;
	_ =	strace $0x90000046  }
0xb5: {  	s29 =	simm.s32 $0x9;
	_ =	strace $0x80000048  }
0xb6: {  	_ =	swait.ge [sflag:s29], $0x1  }
0xb7: {  	[sflag:s29] =	ssyncadd.s32 $0xFFFFFFFF  }
0xb8: {  	_ =	strace $0x90000048  }
0xb9: {  	_ =	sfence  }
0xba: {  	s30 =	sld [smem:$0x0];
	_ =	sdelay $0x2  }
0xbb: {  	s31 =	sshll.u32 s1, $0xD;
	s1 =	sshrl.u32 s1, $0x2  }
0xbc: {  	s3 =	sand.u32 $0x4000, s31;
	s1 =	sadd.s32 s1, s30  }
0xbd: {  	s0 =	sor.u32 s3, s0;
	s1 =	sshll.u32 s1, $0x11  }
0xbe: {  	s0 =	sor.u32 s1, s0  }
0xbf: {  	s0 =	sadd.s32 $0x8F2B, s0  }
0xc0: {  	[sflag:s0] =	ssyncadd.remote.s32 $0x1  }
0xc1: {  	_ =	sfence.sel $0xFFFF  }
0xc2: {  	[dreg:$0x0] =	wrdreg $0xFFFFFFFF;
	(pc) =	sbr.abs _section_cstart, $3  }
0xc3: {  	[dreg:$0x1] =	wrdreg $0xFFFFFFFF  }
0xc4: {  	_ =	task.clear_ibuf [dreg:s8], $0x2FFFF;
	_ =	strace $0x9FFFFFFF  }
0xc5: {  	(tm) =	ssettm $0x7FFFFFFF  }
tec
execute0_lowered:
.L_overlay_start_1:
0x0: {  	(tag) =	ssettag $0x1  }
0x1: {  	s12 =	rddreg [dreg:$0x1]  }
0x2: {  	s0 =	srdreg.scid;
	s2 =	rddreg [dreg:$0x2]  }
0x3: {  	s11 =	stileid.u32;
	s1 =	rddreg [dreg:$0x3]  }
0x4: {  	s22 =	simm.s32 $0x0;
	s30 =	simm.s32 $0x580;
	s28 =	simm.s32 $0x50  }
0x5: {  	s29 =	simm.s32 $0x200;
	s31 =	simm.s32 $0x780;
	s6 =	smul.u32 $0x4E000, s11  }
0x6: {  	s0 =	sand.u32 $0x1, s0;
	s3 =	sshll.u32 s11, $0x1;
	s10 =	smul.u32 $0x13800, s11  }
0x7: {  	[smem:$0x7FF] =	sst s22;
	s2 =	sadd.s32 $0x600, s2;
	s18 =	smul.u32 $0x4E20, s11  }
0x8: {  	p0 =	sne.s32 s11, $0xF;
	s3 =	sor.u32 s0, s3;
	s8 =	smul.u32 $0x138800, s0  }
0x9: {  	_ =	strace $0x80000047;
	s7 =	ssub.s32 $0x2, s0;
	s0 =	smul.u32 $0x2710, s0  }
0xa: {  	s3 =	smul.u32 $0x2710, s3;
	s9 =	sshrl.u32 s7, $0x1;
	s6 =	sshrl.u32 s6, $0x2  }
0xb: {  	s7 =	ssub.s32 s7, s9;
	s6 =	sadd.s32 s6, s1;
	s19 =	sadd.s32 s10, s8  }
0xc: {  	s8 =	sshrl.u32 s8, $0x3;
	s0 =	sadd.s32 s0, s18;
	s3 =	sshrl.u32 s3, $0x3  }
0xd: {  	s8 =	sadd.s32 s2, s8;
	s21 =	sadd.s32 $0x4E480, s0;
	s23 =	smax.u32 s7, $0x1  }
0xe: {  	s24 =	sadd.s32 $0x2D0, s0;
	s26 =	sadd.s32 $0x4E4D0, s0;
	s5 =	sadd.s32 $0x320, s0  }
0xf: {  	s10 =	sadd.s32 $0x370, s0;
	s15 =	sadd.s32 $0x4E570, s0;
	s17 =	sadd.s32 $0x3C0, s0  }
0x10: {  	s13 =	sadd.s32 s12, s3;
	s3 =	sshrl.u32 s19, $0x3;
	s20 =	sadd.s32 $0x27000, s8  }
0x11: {  	[dreg:$0x8] =	wrdreg s23;
	s25 =	sshrl.u32 s24, $0x3;
	s4 =	sshrl.u32 s26, $0x3  }
0x12: {  	s16 =	sshrl.u32 s15, $0x3;
	s18 =	sshrl.u32 s17, $0x3;
	[dreg:$0x7] =	wrdreg s20  }
0x13: {  	s19 =	sadd.s32 $0x4E5C0, s0;
	s2 =	sadd.s32 s2, s3;
	[dreg:$0x5] =	wrdreg s13  }
0x14: {  	s26 =	sadd.s32 $0x230, s0;
	s15 =	sadd.s32 $0x9C40, s13;
	[dreg:$0x6] =	wrdreg s2  }
0x15: {  	s20 =	sshrl.u32 s19, $0x3;
	s17 =	sadd.s32 $0x9C4A, s13;
	[dreg:$0x1b] =	wrdreg s15  }
0x16: {  	s3 =	sshrl.u32 s26, $0x3;
	s19 =	sadd.s32 $0x9C54, s13;
	[dreg:$0x1d] =	wrdreg s17  }
0x17: {  	s26 =	sadd.s32 $0x9C72, s13;
	s2 =	sshrl.u32 s21, $0x3;
	[dreg:$0x1f] =	wrdreg s19  }
0x18: {  	s21 =	sadd.s32 $0x410, s0;
	[smem:$0x7FD] =	sst s26;
	s2 =	sadd.s32 s2, s12  }
0x19: {  	s23 =	sshrl.u32 s21, $0x3;
	s21 =	sadd.s32 $0x9C5E, s13;
	[dreg:$0x9] =	wrdreg s2  }
0x1a: {  	s24 =	sadd.s32 $0x4E610, s0;
	s2 =	sadd.s32 s25, s12;
	[smem:$0x7F9] =	sst s21  }
0x1b: {  	s25 =	sshrl.u32 s24, $0x3;
	s24 =	sadd.s32 $0x9C68, s13;
	[dreg:$0xa] =	wrdreg s2  }
0x1c: {  	s7 =	sshrl.u32 s5, $0x3;
	s2 =	sadd.s32 s4, s12;
	[smem:$0x7FB] =	sst s24  }
0x1d: {  	s8 =	sadd.s32 $0x4E520, s0;
	[dreg:$0xb] =	wrdreg s2;
	s2 =	sadd.s32 s7, s12  }
0x1e: {  	s9 =	sshrl.u32 s8, $0x3;
	s7 =	sadd.s32 $0x138000, s1;
	[dreg:$0xc] =	wrdreg s2  }
0x1f: {  	s14 =	sshrl.u32 s10, $0x3;
	s2 =	sadd.s32 s9, s12;
	[dreg:$0x19] =	wrdreg s7  }
0x20: {  	s8 =	sadd.s32 $0x1E0, s0;
	s9 =	sadd.s32 $0x280, s0;
	[dreg:$0xd] =	wrdreg s2  }
0x21: {  	s4 =	sadd.s32 $0x4E430, s0;
	s2 =	sadd.s32 s14, s12;
	[dreg:$0x15] =	wrdreg s9  }
0x22: {  	s0 =	sadd.s32 $0x4E3E0, s0;
	s14 =	sadd.s32 $0x138400, s1;
	[dreg:$0xe] =	wrdreg s2  }
0x23: {  	s0 =	sshrl.u32 s0, $0x3;
	s2 =	sadd.s32 s16, s12;
	[dreg:$0x1a] =	wrdreg s14  }
0x24: {  	s19 =	simm.s32 $0x600;
	s0 =	sadd.s32 s0, s12;
	[dreg:$0xf] =	wrdreg s2  }
0x25: {  	s26 =	simm.s32 $0xD;
	s16 =	sadd.s32 $0xA, s13;
	[dreg:$0x18] =	wrdreg s0  }
0x26: {  	s21 =	simm.s32 $0x8000;
	s2 =	sadd.s32 s18, s12;
	[dreg:$0x1c] =	wrdreg s16  }
0x27: {  	s24 =	simm.s32 $0xC;
	s18 =	sadd.s32 $0x14, s13;
	[dreg:$0x10] =	wrdreg s2  }
0x28: {  	s5 =	sshrl.u32 s4, $0x3;
	s2 =	sadd.s32 s20, s12;
	[dreg:$0x1e] =	wrdreg s18  }
0x29: {  	s1 =	simm.s32 $0x0;
	s20 =	sadd.s32 $0x1E, s13;
	[dreg:$0x11] =	wrdreg s2  }
0x2a: {  	s0 =	simm.s32 $0x9;
	s2 =	sadd.s32 s23, s12;
	[smem:$0x7F8] =	sst s20  }
0x2b: {  	s16 =	simm.s32 $0x5800;
	s23 =	sadd.s32 $0x28, s13;
	[dreg:$0x12] =	wrdreg s2  }
0x2c: {  	s18 =	simm.s32 $0x8000;
	s2 =	sadd.s32 s25, s12;
	[smem:$0x7FA] =	sst s23  }
.Ltmp0:
0x2d: {  	s25 =	sadd.s32 $0x32, s13;
	[dreg:$0x13] =	wrdreg s2;
	(pc) =	sbr.rel .LBB2_1-.Ltmp0, $4  }
0x2e: {  	s23 =	simm.s32 $0x280;
	s2 =	sadd.s32 s3, s12;
	[smem:$0x7FC] =	sst s25  }
0x2f: {  	s3 =	sshrl.u32 s8, $0x3;
	[dreg:$0x14] =	wrdreg s2;
	s2 =	sadd.s32 s5, s12  }
0x30: {  	s25 =	simm.s32 $0xE;
	s10 =	sadd.s32 s3, s12;
	[dreg:$0x16] =	wrdreg s2  }
0x31: {  	v0 =	vimm.f32 $0.0e+00;
	s3 =	simm.s32 $0xA800;
	[dreg:$0x17] =	wrdreg s10;
	s2 =	simm.s32 $0x500  }
.LBB2_8:
0x32: {  	s7 =	simm.s32 $0xB  }
0x33: {  	_ =	swait.ge [sflag:s7], $0x2800  }
0x34: {  	[sflag:s7] =	ssyncset.done $0x0  }
0x35: {  	[sflag:s7] =	ssyncadd.s32 $0xFFFFD800  }
0x36: {  	s9 =	simm.s32 $0xD;
	s4 =	rddreg [dreg:$0x3]  }
0x37: {  	[spmem:s4] =	stream.indirect.scatter.add.f32 [tilespmem:s16], [sflag:$0xF], $0x80, s2, s28, $0xb8;
	[tilespmem:$0x1E480] =	vst v63  }
0x38: {  	_ =	swait.ge [sflag:s9], $0x2800  }
0x39: {  	[sflag:s9] =	ssyncset.done $0x0  }
0x3a: {  	s10 =	simm.s32 $0x5;
	[sflag:s9] =	ssyncadd.s32 $0xFFFFD800  }
0x3b: {  	_ =	swait.ge [sflag:s10], $0x50  }
0x3c: {  	[sflag:s10] =	ssyncset.done $0x0  }
0x3d: {  	[sflag:s10] =	ssyncadd.s32 $0xFFFFFFB0  }
0x3e: {  	_ =	swait.ge [sflag:s10], $0x50  }
0x3f: {  	[sflag:s10] =	ssyncset.done $0x0  }
0x40: {  	[sflag:s10] =	ssyncadd.s32 $0xFFFFFFB0  }
0x41: {  	s11 =	simm.s32 $0x800;
	s8 =	simm.s32 $0xC;
	s1 =	rddreg [dreg:$0x0]  }
0x42: {  	[tilespmem:s11], [sflag:$0x9] =	stream.indirect.gather [hbm4b:s1+s28], $0x80, s29, s28, $0xb8;
	[tilespmem:$0x1E480] =	vst v63  }
0x43: {  	_ =	swait.ge [sflag:s8], $0x2800  }
0x44: {  	[sflag:s8] =	ssyncset.done $0x0  }
0x45: {  	s12 =	simm.s32 $0xE;
	[sflag:s8] =	ssyncadd.s32 $0xFFFFD800  }
0x46: {  	[spmem:s4] =	stream.indirect.scatter.add.f32 [tilespmem:s21], [sflag:$0x10], $0x80, s30, s28, $0xb8;
	[tilespmem:$0x1E480] =	vst v63  }
0x47: {  	_ =	swait.ge [sflag:s12], $0x2800  }
0x48: {  	[sflag:s12] =	ssyncset.done $0x0  }
0x49: {  	[sflag:s12] =	ssyncadd.s32 $0xFFFFD800  }
0x4a: {  	_ =	swait.ge [sflag:s0], $0x2800  }
0x4b: {  	[sflag:s0] =	ssyncset.done $0x0  }
0x4c: {  	s13 =	simm.s32 $0xF;
	[sflag:s0] =	ssyncadd.s32 $0xFFFFD800  }
0x4d: {  	[spmem:s4] =	stream.indirect.scatter.add.f32 [tilespmem:s11], [sflag:$0xD], $0x80, s19, s28, $0xb8;
	[tilespmem:$0x1E480] =	vst v63  }
0x4e: {  	_ =	swait.ge [sflag:s13], $0x2800  }
0x4f: {  	[sflag:s13] =	ssyncset.done $0x0  }
0x50: {  	s14 =	simm.s32 $0x10;
	[sflag:s13] =	ssyncadd.s32 $0xFFFFD800  }
0x51: {  	_ =	swait.ge [sflag:s14], $0x2800  }
0x52: {  	[sflag:s14] =	ssyncset.done $0x0  }
0x53: {  	[sflag:s14] =	ssyncadd.s32 $0xFFFFD800  }
0x54: {  	_ =	swait.ge [sflag:s9], $0x2800  }
0x55: {  	[sflag:s9] =	ssyncset.done $0x0  }
0x56: {  	s15 =	stileid.u32;
	[sflag:s9] =	ssyncadd.s32 $0xFFFFD800  }
0x57: {  	s17 =	simm.s32 $0x11;
	s8 =	sshll.u32 s15, $0x6;
	[bflag:$0x0] =	sbarrier.arrive $0xFFFF  }
0x58: {  	s15 =	sshrl.u32 s6, $0x3;
	s8 =	sor.u32 $0x1C11, s8;
	s20 =	rddreg [dreg:$0x6]  }
0x59: {  	[hbm:s20], [sflag:s8] =	dma.local [spmem:s15], $0x2700  }
0x5a: {  	_ =	swait.ge [sflag:s17], $0x2700  }
0x5b: {  	[sflag:s17] =	ssyncset.done $0x0;
	s7 =	rddreg [dreg:$0x19]  }
0x5c: {  	s20 =	rddreg [dreg:$0x7];
	[sflag:s17] =	ssyncadd.s32 $0xFFFFD900;
	s15 =	sshrl.u32 @!p0 s7, $0x3  }
0x5d: {  	[hbm:s20], [sflag:s8] =	dma.local @!p0 [spmem:s15], $0x100  }
0x5e: {  	s8 =	simm.s32 @!p0 $0x11  }
0x5f: {  	_ =	swait.ge @!p0 [sflag:s8], $0x100  }
0x60: {  	s20 =	sld [smem:$0x7F7];
	_ =	sdelay $0x2  }
0x61: {  	s23 =	rddreg [dreg:$0x8];
	s1 =	sadd.s32 $0x1, s20  }
0x62: {  	p1 =	sne.s32 s1, s23  }
.Ltmp1:
0x63: {  	_ = 	snop;
	(pc) =	sbr.rel @!p1 .LBB2_9-.Ltmp1, $3  }
0x64: {  	_ =	sdelay $0x1  }
0x65: {  	[sflag:s8] =	ssyncset.done @!p0 $0x0  }
0x66: {  	[sflag:s8] =	ssyncadd.s32 @!p0 $0xFFFFFF00;
	s23 =	simm.s32 $0x280  }
.LBB2_1:
0x67: {  	[tilespmem:$0xA800] =	vst v0  }
0x68: {  	[tilespmem:$0xA810] =	vst v0  }
0x69: {  	[tilespmem:$0xA820] =	vst v0  }
0x6a: {  	[tilespmem:$0xA830] =	vst v0  }
0x6b: {  	[tilespmem:$0xA840] =	vst v0  }
0x6c: {  	[tilespmem:$0xA850] =	vst v0  }
0x6d: {  	[tilespmem:$0xA860] =	vst v0  }
0x6e: {  	[tilespmem:$0xA870] =	vst v0  }
0x6f: {  	[tilespmem:$0xA880] =	vst v0  }
0x70: {  	[tilespmem:$0xA890] =	vst v0  }
0x71: {  	[tilespmem:$0xA8A0] =	vst v0  }
0x72: {  	[tilespmem:$0xA8B0] =	vst v0  }
0x73: {  	[tilespmem:$0xA8C0] =	vst v0  }
0x74: {  	[tilespmem:$0xA8D0] =	vst v0  }
0x75: {  	[tilespmem:$0xA8E0] =	vst v0  }
0x76: {  	[tilespmem:$0xA8F0] =	vst v0  }
0x77: {  	[tilespmem:$0xA900] =	vst v0  }
0x78: {  	[tilespmem:$0xA910] =	vst v0  }
0x79: {  	[tilespmem:$0xA920] =	vst v0  }
0x7a: {  	[tilespmem:$0xA930] =	vst v0  }
0x7b: {  	[tilespmem:$0xA940] =	vst v0  }
0x7c: {  	[tilespmem:$0xA950] =	vst v0  }
0x7d: {  	[tilespmem:$0xA960] =	vst v0  }
0x7e: {  	[tilespmem:$0xA970] =	vst v0  }
0x7f: {  	[tilespmem:$0xA980] =	vst v0  }
0x80: {  	[tilespmem:$0xA990] =	vst v0  }
0x81: {  	[tilespmem:$0xA9A0] =	vst v0  }
0x82: {  	[tilespmem:$0xA9B0] =	vst v0  }
0x83: {  	[tilespmem:$0xA9C0] =	vst v0  }
0x84: {  	[tilespmem:$0xA9D0] =	vst v0  }
0x85: {  	[tilespmem:$0xA9E0] =	vst v0  }
0x86: {  	[tilespmem:$0xA9F0] =	vst v0  }
0x87: {  	[tilespmem:$0xAA00] =	vst v0  }
0x88: {  	[tilespmem:$0xAA10] =	vst v0  }
0x89: {  	[tilespmem:$0xAA20] =	vst v0  }
0x8a: {  	[tilespmem:$0xAA30] =	vst v0  }
0x8b: {  	[tilespmem:$0xAA40] =	vst v0  }
0x8c: {  	[tilespmem:$0xAA50] =	vst v0  }
0x8d: {  	[tilespmem:$0xAA60] =	vst v0  }
0x8e: {  	[tilespmem:$0xAA70] =	vst v0  }
0x8f: {  	[tilespmem:$0xAA80] =	vst v0  }
0x90: {  	[tilespmem:$0xAA90] =	vst v0  }
0x91: {  	[tilespmem:$0xAAA0] =	vst v0  }
0x92: {  	[tilespmem:$0xAAB0] =	vst v0  }
0x93: {  	[tilespmem:$0xAAC0] =	vst v0  }
0x94: {  	[tilespmem:$0xAAD0] =	vst v0  }
0x95: {  	[tilespmem:$0xAAE0] =	vst v0  }
0x96: {  	[tilespmem:$0xAAF0] =	vst v0  }
0x97: {  	[tilespmem:$0xAB00] =	vst v0  }
0x98: {  	[tilespmem:$0xAB10] =	vst v0  }
0x99: {  	[tilespmem:$0xAB20] =	vst v0  }
0x9a: {  	[tilespmem:$0xAB30] =	vst v0  }
0x9b: {  	[tilespmem:$0xAB40] =	vst v0  }
0x9c: {  	[tilespmem:$0xAB50] =	vst v0  }
0x9d: {  	[tilespmem:$0xAB60] =	vst v0  }
0x9e: {  	[tilespmem:$0xAB70] =	vst v0  }
0x9f: {  	[tilespmem:$0xAB80] =	vst v0  }
0xa0: {  	[tilespmem:$0xAB90] =	vst v0  }
0xa1: {  	[tilespmem:$0xABA0] =	vst v0  }
0xa2: {  	[tilespmem:$0xABB0] =	vst v0  }
0xa3: {  	[tilespmem:$0xABC0] =	vst v0  }
0xa4: {  	[tilespmem:$0xABD0] =	vst v0  }
0xa5: {  	[tilespmem:$0xABE0] =	vst v0  }
0xa6: {  	[tilespmem:$0xABF0] =	vst v0;
	s8 =	simm.s32 $0x1000;
	s15 =	sadd.s32 $0x0, s6  }
.LBB2_2:
0xa7: {  	[spmem:s15] =	stream.linear.scatter [tilespmem:s3], [sflag:$0x9], $0x400, $0x38;
	[tilespmem:$0x1E480] =	vst v63  }
0xa8: {  	s15 =	smov.u32 s8;
	p1 =	sne.s32 s8, $0x4D000  }
.Ltmp2:
0xa9: {  	s8 =	sadd.s32 $0x1000, s8;
	(pc) =	sbr.rel @p1 .LBB2_2-.Ltmp2, $3  }
0xaa: {  	_ =	sdelay $0x1  }
0xab: {  	s15 =	sshra.s32 s15, $0x2  }
0xac: {  	s15 =	sadd.s32 s15, s6  }
0xad: {  	[spmem:s15] =	stream.linear.scatter [tilespmem:s3], [sflag:$0x9], $0x400, $0x38;
	[tilespmem:$0x1E480] =	vst v63  }
0xae: {  	[smem:$0x7F7] =	sst s1;
	s8 =	simm.s32 @!p0 $0xA800  }
0xaf: {  	[spmem:s7] =	stream.linear.scatter @!p0 [tilespmem:s8], [sflag:$0x9], $0x400, $0x38;
	[tilespmem:$0x1E480] =	vst v63  }
0xb0: {  	s15 =	rddreg [dreg:$0x1a]  }
0xb1: {  	[spmem:s15] =	stream.linear.scatter @!p0 [tilespmem:s8], [sflag:$0x9], $0x400, $0x38;
	[tilespmem:$0x1E480] =	vst v63  }
0xb2: {  	_ =	swait.ge [sflag:s0], $0x400  }
0xb3: {  	s8 =	simm.s32 $0x4D;
	[sflag:s0] =	ssyncset.done $0x0  }
.LBB2_4:
0xb4: {  	p1 =	sne.s32 s8, $0x1;
	s8 =	sadd.s32 $0xFFFFFFFF, s8;
	[sflag:s0] =	ssyncadd.s32 $0xFFFFFC00  }
.Ltmp3:
0xb5: {  	(pc) =	sbr.rel @p1 .LBB2_4-.Ltmp3, $3  }
0xb6: {  	_ =	sdelay $0x1  }
0xb7: {  	_ =	swait.ge [sflag:s0], $0x400  }
0xb8: {  	[sflag:s0] =	ssyncset.done $0x0  }
0xb9: {  	[sflag:s0] =	ssyncadd.s32 $0xFFFFFC00;
	s8 =	simm.s32 @!p0 $0x9  }
0xba: {  	_ =	swait.ge @!p0 [sflag:s8], $0x400  }
0xbb: {  	[sflag:s8] =	ssyncset.done @!p0 $0x0  }
0xbc: {  	[sflag:s8] =	ssyncadd.s32 @!p0 $0xFFFFFC00  }
0xbd: {  	_ =	swait.ge @!p0 [sflag:s8], $0x400  }
0xbe: {  	[sflag:s8] =	ssyncset.done @!p0 $0x0  }
0xbf: {  	[sflag:s8] =	ssyncadd.s32 @!p0 $0xFFFFFC00  }
0xc0: {  	[bflag:$0x0] =	sbarrier.arrive $0xFFFF  }
0xc1: {  	s15 =	rddreg [dreg:$0x5]  }
0xc2: {  	s8 =	simm.s32 $0x0;
	s11 =	rddreg [dreg:$0x1b]  }
0xc3: {  	[tilespmem:s8], [sflag:$0x1] =	stream.linear.gather [hbm4b:s15+s8], $0x50, $0x38;
	[tilespmem:$0x1E480] =	vst v63  }
0xc4: {  	s20 =	simm.s32 $0x400;
	s12 =	rddreg [dreg:$0x1c]  }
0xc5: {  	[tilespmem:s20], [sflag:$0x1] =	stream.linear.gather [hbm4b:s11+s8], $0x50, $0x38;
	[tilespmem:$0x1E480] =	vst v63  }
0xc6: {  	s13 =	simm.s32 $0x80;
	s14 =	rddreg [dreg:$0x1d]  }
0xc7: {  	[tilespmem:s13], [sflag:$0x2] =	stream.linear.gather [hbm4b:s12+s8], $0x50, $0x38;
	[tilespmem:$0x1E480] =	vst v63  }
0xc8: {  	s7 =	simm.s32 $0x480;
	s17 =	rddreg [dreg:$0x1e]  }
0xc9: {  	[tilespmem:s7], [sflag:$0x2] =	stream.linear.gather [hbm4b:s14+s8], $0x50, $0x38;
	[tilespmem:$0x1E480] =	vst v63  }
0xca: {  	s1 =	rddreg [dreg:$0x1f];
	s12 =	simm.s32 $0x100  }
0xcb: {  	[tilespmem:s12], [sflag:$0x3] =	stream.linear.gather [hbm4b:s17+s8], $0x50, $0x38;
	[tilespmem:$0x1E480] =	vst v63  }
0xcc: {  	s4 =	sld [smem:$0x7F8]  }
0xcd: {  	[tilespmem:s2], [sflag:$0x3] =	stream.linear.gather [hbm4b:s1+s8], $0x50, $0x38;
	[tilespmem:$0x1E480] =	vst v63  }
0xce: {  	s5 =	sld [smem:$0x7F9];
	s2 =	simm.s32 $0x180  }
0xcf: {  	[tilespmem:s2], [sflag:$0x4] =	stream.linear.gather [hbm4b:s4+s8], $0x50, $0x38;
	[tilespmem:$0x1E480] =	vst v63  }
0xd0: {  	s14 =	simm.s32 $0x1  }
0xd1: {  	[tilespmem:s30], [sflag:$0x4] =	stream.linear.gather [hbm4b:s5+s8], $0x50, $0x38;
	[tilespmem:$0x1E480] =	vst v63  }
0xd2: {  	_ =	swait.ge [sflag:s14], $0x50  }
0xd3: {  	[sflag:s14] =	ssyncset.done $0x0  }
0xd4: {  	[sflag:s14] =	ssyncadd.s32 $0xFFFFFFB0  }
0xd5: {  	_ =	swait.ge [sflag:s14], $0x50  }
0xd6: {  	[sflag:s14] =	ssyncset.done $0x0  }
0xd7: {  	[sflag:s14] =	ssyncadd.s32 $0xFFFFFFB0  }
0xd8: {  	s9 =	simm.s32 $0x800;
	s11 =	simm.s32 $0x2;
	s1 =	rddreg [dreg:$0x0]  }
0xd9: {  	[tilespmem:s9], [sflag:$0x9] =	stream.indirect.gather [hbm4b:s1+s28], $0x80, s8, s28, $0xb8;
	[tilespmem:$0x1E480] =	vst v63  }
0xda: {  	_ =	swait.ge [sflag:s11], $0x50  }
0xdb: {  	[sflag:s11] =	ssyncset.done $0x0  }
0xdc: {  	[sflag:s11] =	ssyncadd.s32 $0xFFFFFFB0  }
0xdd: {  	_ =	swait.ge [sflag:s11], $0x50  }
0xde: {  	[sflag:s11] =	ssyncset.done $0x0  }
0xdf: {  	s10 =	simm.s32 $0x3000;
	[sflag:s11] =	ssyncadd.s32 $0xFFFFFFB0  }
0xe0: {  	[tilespmem:s10], [sflag:$0xA] =	stream.indirect.gather [hbm4b:s1+s28], $0x80, s13, s28, $0xb8;
	[tilespmem:$0x1E480] =	vst v63  }
0xe1: {  	_ =	swait.ge [sflag:s0], $0x2800  }
0xe2: {  	[sflag:s0] =	ssyncset.done $0x0  }
0xe3: {  	[sflag:s0] =	ssyncadd.s32 $0xFFFFD800  }
0xe4: {  	s15 =	simm.s32 $0x3;
	s4 =	rddreg [dreg:$0x3]  }
0xe5: {  	[spmem:s4] =	stream.indirect.scatter.add.f32 [tilespmem:s9], [sflag:$0xD], $0x80, s20, s28, $0xb8;
	[tilespmem:$0x1E480] =	vst v63  }
0xe6: {  	_ =	swait.ge [sflag:s15], $0x50  }
0xe7: {  	[sflag:s15] =	ssyncset.done $0x0  }
0xe8: {  	[sflag:s15] =	ssyncadd.s32 $0xFFFFFFB0  }
0xe9: {  	_ =	swait.ge [sflag:s15], $0x50  }
0xea: {  	[sflag:s15] =	ssyncset.done $0x0  }
0xeb: {  	[sflag:s15] =	ssyncadd.s32 $0xFFFFFFB0  }
0xec: {  	[tilespmem:s16], [sflag:$0xB] =	stream.indirect.gather [hbm4b:s1+s28], $0x80, s12, s28, $0xb8;
	[tilespmem:$0x1E480] =	vst v63  }
0xed: {  	s16 =	sld [smem:$0x7FA];
	_ =	sdelay $0x1  }
0xee: {  	s17 =	sld [smem:$0x7FB]  }
0xef: {  	[tilespmem:s29], [sflag:$0x5] =	stream.linear.gather [hbm4b:s16+s8], $0x50, $0x38;
	[tilespmem:$0x1E480] =	vst v63  }
0xf0: {  	_ = 	snop  }
0xf1: {  	[tilespmem:s19], [sflag:$0x5] =	stream.linear.gather [hbm4b:s17+s8], $0x50, $0x38;
	[tilespmem:$0x1E480] =	vst v63  }
0xf2: {  	s19 =	simm.s32 $0xA  }
0xf3: {  	_ =	swait.ge [sflag:s19], $0x2800  }
0xf4: {  	[sflag:s19] =	ssyncset.done $0x0  }
0xf5: {  	s20 =	simm.s32 $0x4;
	[sflag:s19] =	ssyncadd.s32 $0xFFFFD800  }
0xf6: {  	[spmem:s4] =	stream.indirect.scatter.add.f32 [tilespmem:s10], [sflag:$0xE], $0x80, s7, s28, $0xb8;
	[tilespmem:$0x1E480] =	vst v63  }
0xf7: {  	_ =	swait.ge [sflag:s20], $0x50  }
0xf8: {  	[sflag:s20] =	ssyncset.done $0x0  }
0xf9: {  	[sflag:s20] =	ssyncadd.s32 $0xFFFFFFB0  }
0xfa: {  	_ =	swait.ge [sflag:s20], $0x50  }
0xfb: {  	[sflag:s20] =	ssyncset.done $0x0  }
0xfc: {  	s29 =	sld [smem:$0x7FC];
	[sflag:s20] =	ssyncadd.s32 $0xFFFFFFB0  }
0xfd: {  	[tilespmem:s21], [sflag:$0xC] =	stream.indirect.gather [hbm4b:s1+s28], $0x80, s2, s28, $0xb8;
	[tilespmem:$0x1E480] =	vst v63  }
0xfe: {  	s30 =	sld [smem:$0x7FD]  }
0xff: {  	[tilespmem:s23], [sflag:$0x6] =	stream.linear.gather [hbm4b:s29+s8], $0x50, $0x38;
	[tilespmem:$0x1E480] =	vst v63  }
0x100: {  	s15 =	rddreg [dreg:$0x15];
	s2 =	simm.s32 $0x680  }
0x101: {  	[tilespmem:s2], [sflag:$0x6] =	stream.linear.gather [hbm4b:s30+s8], $0x50, $0x38;
	[tilespmem:$0x1E480] =	vst v63  }
.LBB2_6:
0x102: {  	s10 =	simm.s32 $0xB  }
0x103: {  	_ =	swait.ge [sflag:s10], $0x2800  }
0x104: {  	[sflag:s10] =	ssyncset.done $0x0  }
0x105: {  	[sflag:s10] =	ssyncadd.s32 $0xFFFFD800  }
0x106: {  	s17 =	simm.s32 $0x500;
	s13 =	simm.s32 $0x5800;
	s5 =	rddreg [dreg:$0x3]  }
0x107: {  	[spmem:s5] =	stream.indirect.scatter.add.f32 [tilespmem:s13], [sflag:$0xF], $0x80, s17, s28, $0xb8;
	[tilespmem:$0x1E480] =	vst v63  }
0x108: {  	_ =	swait.ge [sflag:s26], $0x2800  }
0x109: {  	[sflag:s26] =	ssyncset.done $0x0  }
0x10a: {  	s7 =	simm.s32 $0x5;
	[sflag:s26] =	ssyncadd.s32 $0xFFFFD800  }
0x10b: {  	_ =	swait.ge [sflag:s7], $0x50  }
0x10c: {  	[sflag:s7] =	ssyncset.done $0x0  }
0x10d: {  	[sflag:s7] =	ssyncadd.s32 $0xFFFFFFB0  }
0x10e: {  	_ =	swait.ge [sflag:s7], $0x50  }
0x10f: {  	[sflag:s7] =	ssyncset.done $0x0  }
0x110: {  	s20 =	rddreg [dreg:$0x17];
	[sflag:s7] =	ssyncadd.s32 $0xFFFFFFB0  }
0x111: {  	s16 =	simm.s32 $0x800;
	s1 =	simm.s32 $0x200;
	s4 =	rddreg [dreg:$0x0]  }
0x112: {  	[tilespmem:s16], [sflag:$0x9] =	stream.indirect.gather [hbm4b:s4+s28], $0x80, s1, s28, $0xb8;
	[tilespmem:$0x1E480] =	vst v63  }
0x113: {  	s12 =	simm.s32 $0x300;
	s20 =	sadd.s32 s8, s20;
	s7 =	rddreg [dreg:$0x18]  }
0x114: {  	[tilespmem:s12], [sflag:$0x7] =	stream.linear.gather [hbm4b:s20+s22], $0x50, $0x38;
	[tilespmem:$0x1E480] =	vst v63  }
0x115: {  	s14 =	simm.s32 $0x700;
	s20 =	sadd.s32 s8, s7  }
0x116: {  	[tilespmem:s14], [sflag:$0x7] =	stream.linear.gather [hbm4b:s20+s22], $0x50, $0x38;
	[tilespmem:$0x1E480] =	vst v63  }
0x117: {  	_ =	swait.ge [sflag:s24], $0x2800  }
0x118: {  	[sflag:s24] =	ssyncset.done $0x0  }
0x119: {  	s7 =	simm.s32 $0x580;
	[sflag:s24] =	ssyncadd.s32 $0xFFFFD800  }
0x11a: {  	[spmem:s5] =	stream.indirect.scatter.add.f32 [tilespmem:s18], [sflag:$0x10], $0x80, s7, s28, $0xb8;
	[tilespmem:$0x1E480] =	vst v63  }
0x11b: {  	_ =	swait.ge [sflag:s25], $0x2800  }
0x11c: {  	[sflag:s25] =	ssyncset.done $0x0  }
0x11d: {  	s9 =	simm.s32 $0x6;
	[sflag:s25] =	ssyncadd.s32 $0xFFFFD800  }
0x11e: {  	_ =	swait.ge [sflag:s9], $0x50  }
0x11f: {  	[sflag:s9] =	ssyncset.done $0x0  }
0x120: {  	[sflag:s9] =	ssyncadd.s32 $0xFFFFFFB0  }
0x121: {  	_ =	swait.ge [sflag:s9], $0x50  }
0x122: {  	[sflag:s9] =	ssyncset.done $0x0  }
0x123: {  	s11 =	simm.s32 $0x3000;
	[sflag:s9] =	ssyncadd.s32 $0xFFFFFFB0;
	s9 =	rddreg [dreg:$0x14]  }
0x124: {  	[tilespmem:s11], [sflag:$0xA] =	stream.indirect.gather [hbm4b:s4+s28], $0x80, s23, s28, $0xb8;
	[tilespmem:$0x1E480] =	vst v63  }
0x125: {  	s30 =	simm.s32 $0x380;
	s19 =	rddreg [dreg:$0x16];
	s20 =	sadd.s32 s8, s9  }
0x126: {  	[tilespmem:s30], [sflag:$0x8] =	stream.linear.gather [hbm4b:s20+s22], $0x50, $0x38;
	[tilespmem:$0x1E480] =	vst v63  }
0x127: {  	s20 =	sadd.s32 s8, s19  }
0x128: {  	[tilespmem:s31], [sflag:$0x8] =	stream.linear.gather [hbm4b:s20+s22], $0x50, $0x38;
	[tilespmem:$0x1E480] =	vst v63  }
0x129: {  	_ =	swait.ge [sflag:s0], $0x2800  }
0x12a: {  	[sflag:s0] =	ssyncset.done $0x0  }
0x12b: {  	s23 =	simm.s32 $0x600;
	s19 =	simm.s32 $0xF;
	[sflag:s0] =	ssyncadd.s32 $0xFFFFD800  }
0x12c: {  	[spmem:s5] =	stream.indirect.scatter.add.f32 [tilespmem:s16], [sflag:$0xD], $0x80, s23, s28, $0xb8;
	[tilespmem:$0x1E480] =	vst v63  }
0x12d: {  	_ =	swait.ge [sflag:s19], $0x2800  }
0x12e: {  	[sflag:s19] =	ssyncset.done $0x0  }
0x12f: {  	s21 =	simm.s32 $0x7;
	[sflag:s19] =	ssyncadd.s32 $0xFFFFD800  }
0x130: {  	_ =	swait.ge [sflag:s21], $0x50  }
0x131: {  	[sflag:s21] =	ssyncset.done $0x0  }
0x132: {  	[sflag:s21] =	ssyncadd.s32 $0xFFFFFFB0  }
0x133: {  	_ =	swait.ge [sflag:s21], $0x50  }
0x134: {  	[sflag:s21] =	ssyncset.done $0x0  }
0x135: {  	[sflag:s21] =	ssyncadd.s32 $0xFFFFFFB0  }
0x136: {  	[tilespmem:s13], [sflag:$0xB] =	stream.indirect.gather [hbm4b:s4+s28], $0x80, s12, s28, $0xb8;
	[tilespmem:$0x1E480] =	vst v63  }
0x137: {  	s1 =	sshrl.u32 s15, $0x3;
	s29 =	rddreg [dreg:$0x1]  }
0x138: {  	s12 =	rddreg [dreg:$0x9];
	s20 =	sadd.s32 s29, s1  }
0x139: {  	[tilespmem:s22], [sflag:$0x1] =	stream.linear.gather [hbm4b:s20+s22], $0x50, $0x38;
	[tilespmem:$0x1E480] =	vst v63  }
0x13a: {  	s21 =	simm.s32 $0xA;
	s29 =	simm.s32 $0x400;
	s20 =	sadd.s32 s8, s12  }
0x13b: {  	[tilespmem:s29], [sflag:$0x1] =	stream.linear.gather [hbm4b:s20+s22], $0x50, $0x38;
	[tilespmem:$0x1E480] =	vst v63  }
0x13c: {  	_ =	swait.ge [sflag:s21], $0x2800  }
0x13d: {  	[sflag:s21] =	ssyncset.done $0x0  }
0x13e: {  	s1 =	simm.s32 $0x10;
	[sflag:s21] =	ssyncadd.s32 $0xFFFFD800  }
0x13f: {  	[spmem:s5] =	stream.indirect.scatter.add.f32 [tilespmem:s11], [sflag:$0xE], $0x80, s2, s28, $0xb8;
	[tilespmem:$0x1E480] =	vst v63  }
0x140: {  	_ =	swait.ge [sflag:s1], $0x2800  }
0x141: {  	[sflag:s1] =	ssyncset.done $0x0  }
0x142: {  	s20 =	simm.s32 $0x8;
	[sflag:s1] =	ssyncadd.s32 $0xFFFFD800  }
0x143: {  	_ =	swait.ge [sflag:s20], $0x50  }
0x144: {  	[sflag:s20] =	ssyncset.done $0x0  }
0x145: {  	[sflag:s20] =	ssyncadd.s32 $0xFFFFFFB0  }
0x146: {  	_ =	swait.ge [sflag:s20], $0x50  }
0x147: {  	[sflag:s20] =	ssyncset.done $0x0  }
0x148: {  	s2 =	rddreg [dreg:$0xa];
	[sflag:s20] =	ssyncadd.s32 $0xFFFFFFB0  }
0x149: {  	[tilespmem:s18], [sflag:$0xC] =	stream.indirect.gather [hbm4b:s4+s28], $0x80, s30, s28, $0xb8;
	[tilespmem:$0x1E480] =	vst v63  }
0x14a: {  	s12 =	rddreg [dreg:$0xb];
	s20 =	sadd.s32 s8, s2;
	s30 =	simm.s32 $0x80  }
0x14b: {  	[tilespmem:s30], [sflag:$0x2] =	stream.linear.gather [hbm4b:s20+s22], $0x50, $0x38;
	[tilespmem:$0x1E480] =	vst v63  }
0x14c: {  	s20 =	sadd.s32 s8, s12;
	s12 =	simm.s32 $0x480  }
0x14d: {  	[tilespmem:s12], [sflag:$0x2] =	stream.linear.gather [hbm4b:s20+s22], $0x50, $0x38;
	[tilespmem:$0x1E480] =	vst v63  }
0x14e: {  	_ =	swait.ge [sflag:s10], $0x2800  }
0x14f: {  	[sflag:s10] =	ssyncset.done $0x0  }
0x150: {  	[sflag:s10] =	ssyncadd.s32 $0xFFFFD800  }
0x151: {  	[spmem:s5] =	stream.indirect.scatter.add.f32 [tilespmem:s13], [sflag:$0xF], $0x80, s14, s28, $0xb8;
	[tilespmem:$0x1E480] =	vst v63  }
0x152: {  	_ =	swait.ge [sflag:s26], $0x2800  }
0x153: {  	[sflag:s26] =	ssyncset.done $0x0  }
0x154: {  	s20 =	simm.s32 $0x1;
	[sflag:s26] =	ssyncadd.s32 $0xFFFFD800  }
0x155: {  	_ =	swait.ge [sflag:s20], $0x50  }
0x156: {  	[sflag:s20] =	ssyncset.done $0x0  }
0x157: {  	[sflag:s20] =	ssyncadd.s32 $0xFFFFFFB0  }
0x158: {  	_ =	swait.ge [sflag:s20], $0x50  }
0x159: {  	[sflag:s20] =	ssyncset.done $0x0  }
0x15a: {  	s14 =	rddreg [dreg:$0xc];
	[sflag:s20] =	ssyncadd.s32 $0xFFFFFFB0  }
0x15b: {  	[tilespmem:s16], [sflag:$0x9] =	stream.indirect.gather [hbm4b:s4+s28], $0x80, s22, s28, $0xb8;
	[tilespmem:$0x1E480] =	vst v63  }
0x15c: {  	s2 =	rddreg [dreg:$0xd];
	s20 =	sadd.s32 s8, s14;
	s14 =	simm.s32 $0x100  }
0x15d: {  	[tilespmem:s14], [sflag:$0x3] =	stream.linear.gather [hbm4b:s20+s22], $0x50, $0x38;
	[tilespmem:$0x1E480] =	vst v63  }
0x15e: {  	s20 =	sadd.s32 s8, s2  }
0x15f: {  	[tilespmem:s17], [sflag:$0x3] =	stream.linear.gather [hbm4b:s20+s22], $0x50, $0x38;
	[tilespmem:$0x1E480] =	vst v63  }
0x160: {  	_ =	swait.ge [sflag:s24], $0x2800  }
0x161: {  	[sflag:s24] =	ssyncset.done $0x0  }
0x162: {  	[sflag:s24] =	ssyncadd.s32 $0xFFFFD800  }
0x163: {  	[spmem:s5] =	stream.indirect.scatter.add.f32 [tilespmem:s18], [sflag:$0x10], $0x80, s31, s28, $0xb8;
	[tilespmem:$0x1E480] =	vst v63  }
0x164: {  	_ =	swait.ge [sflag:s25], $0x2800  }
0x165: {  	[sflag:s25] =	ssyncset.done $0x0  }
0x166: {  	s20 =	simm.s32 $0x2;
	[sflag:s25] =	ssyncadd.s32 $0xFFFFD800  }
0x167: {  	_ =	swait.ge [sflag:s20], $0x50  }
0x168: {  	[sflag:s20] =	ssyncset.done $0x0  }
0x169: {  	[sflag:s20] =	ssyncadd.s32 $0xFFFFFFB0  }
0x16a: {  	_ =	swait.ge [sflag:s20], $0x50  }
0x16b: {  	[sflag:s20] =	ssyncset.done $0x0  }
0x16c: {  	s17 =	rddreg [dreg:$0xe];
	[sflag:s20] =	ssyncadd.s32 $0xFFFFFFB0  }
0x16d: {  	[tilespmem:s11], [sflag:$0xA] =	stream.indirect.gather [hbm4b:s4+s28], $0x80, s30, s28, $0xb8;
	[tilespmem:$0x1E480] =	vst v63  }
0x16e: {  	s20 =	sadd.s32 s8, s17;
	s17 =	simm.s32 $0x180  }
0x16f: {  	[tilespmem:s17], [sflag:$0x4] =	stream.linear.gather [hbm4b:s20+s22], $0x50, $0x38;
	[tilespmem:$0x1E480] =	vst v63  }
0x170: {  	s20 =	rddreg [dreg:$0xf]  }
0x171: {  	s20 =	sadd.s32 s8, s20  }
0x172: {  	[tilespmem:s7], [sflag:$0x4] =	stream.linear.gather [hbm4b:s20+s22], $0x50, $0x38;
	[tilespmem:$0x1E480] =	vst v63  }
0x173: {  	_ =	swait.ge [sflag:s0], $0x2800  }
0x174: {  	[sflag:s0] =	ssyncset.done $0x0  }
0x175: {  	[sflag:s0] =	ssyncadd.s32 $0xFFFFD800  }
0x176: {  	[spmem:s5] =	stream.indirect.scatter.add.f32 [tilespmem:s16], [sflag:$0xD], $0x80, s29, s28, $0xb8;
	[tilespmem:$0x1E480] =	vst v63  }
0x177: {  	_ =	swait.ge [sflag:s19], $0x2800  }
0x178: {  	[sflag:s19] =	ssyncset.done $0x0  }
0x179: {  	s20 =	simm.s32 $0x3;
	[sflag:s19] =	ssyncadd.s32 $0xFFFFD800  }
0x17a: {  	_ =	swait.ge [sflag:s20], $0x50  }
0x17b: {  	[sflag:s20] =	ssyncset.done $0x0  }
0x17c: {  	[sflag:s20] =	ssyncadd.s32 $0xFFFFFFB0  }
0x17d: {  	_ =	swait.ge [sflag:s20], $0x50  }
0x17e: {  	[sflag:s20] =	ssyncset.done $0x0  }
0x17f: {  	[sflag:s20] =	ssyncadd.s32 $0xFFFFFFB0  }
0x180: {  	[tilespmem:s13], [sflag:$0xB] =	stream.indirect.gather [hbm4b:s4+s28], $0x80, s14, s28, $0xb8;
	[tilespmem:$0x1E480] =	vst v63  }
0x181: {  	s13 =	rddreg [dreg:$0x10]  }
0x182: {  	s19 =	rddreg [dreg:$0x11];
	s14 =	simm.s32 $0x200;
	s20 =	sadd.s32 s8, s13  }
0x183: {  	[tilespmem:s14], [sflag:$0x5] =	stream.linear.gather [hbm4b:s20+s22], $0x50, $0x38;
	[tilespmem:$0x1E480] =	vst v63  }
0x184: {  	s20 =	sadd.s32 s8, s19  }
0x185: {  	[tilespmem:s23], [sflag:$0x5] =	stream.linear.gather [hbm4b:s20+s22], $0x50, $0x38;
	[tilespmem:$0x1E480] =	vst v63  }
0x186: {  	_ =	swait.ge [sflag:s21], $0x2800  }
0x187: {  	[sflag:s21] =	ssyncset.done $0x0  }
0x188: {  	[sflag:s21] =	ssyncadd.s32 $0xFFFFD800  }
0x189: {  	[spmem:s5] =	stream.indirect.scatter.add.f32 [tilespmem:s11], [sflag:$0xE], $0x80, s12, s28, $0xb8;
	[tilespmem:$0x1E480] =	vst v63  }
0x18a: {  	_ =	swait.ge [sflag:s1], $0x2800  }
0x18b: {  	[sflag:s1] =	ssyncset.done $0x0  }
0x18c: {  	s23 =	simm.s32 $0x4;
	[sflag:s1] =	ssyncadd.s32 $0xFFFFD800  }
0x18d: {  	_ =	swait.ge [sflag:s23], $0x50  }
0x18e: {  	p1 =	seq.s32 s8, $0x460;
	s9 =	simm.s32 $0x280;
	[sflag:s23] =	ssyncset.done $0x0  }
.Ltmp4:
0x18f: {  	s10 =	simm.s32 $0x680;
	[sflag:s23] =	ssyncadd.s32 $0xFFFFFFB0;
	(pc) =	sbr.rel @p1 .LBB2_8-.Ltmp4, $4  }
0x190: {  	s2 =	simm.s32 $0x500;
	s30 =	simm.s32 $0x580;
	_ =	swait.ge [sflag:s23], $0x50  }
0x191: {  	s16 =	simm.s32 $0x5800;
	s29 =	simm.s32 $0x200;
	[sflag:s23] =	ssyncset.done $0x0  }
0x192: {  	s19 =	simm.s32 $0x600;
	s21 =	simm.s32 $0x8000;
	[sflag:s23] =	ssyncadd.s32 $0xFFFFFFB0  }
0x193: {  	[tilespmem:s18], [sflag:$0xC] =	stream.indirect.gather [hbm4b:s4+s28], $0x80, s17, s28, $0xb8;
	[tilespmem:$0x1E480] =	vst v63  }
0x194: {  	s20 =	rddreg [dreg:$0x12]  }
.Ltmp5:
0x195: {  	s30 =	rddreg [dreg:$0x13];
	(pc) =	sbr.rel .LBB2_6-.Ltmp5, $4  }
0x196: {  	s15 =	sadd.s32 $0x280, s15;
	s23 =	simm.s32 $0x280;
	s20 =	sadd.s32 s8, s20  }
0x197: {  	[tilespmem:s9], [sflag:$0x6] =	stream.linear.gather [hbm4b:s20+s22], $0x50, $0x38;
	[tilespmem:$0x1E480] =	vst v63  }
0x198: {  	s2 =	simm.s32 $0x680;
	s20 =	sadd.s32 s8, s30;
	s8 =	sadd.s32 $0x50, s8  }
0x199: {  	[tilespmem:s10], [sflag:$0x6] =	stream.linear.gather [hbm4b:s20+s22], $0x50, $0x38;
	[tilespmem:$0x1E480] =	vst v63  }
.LBB2_9:
0x19a: {  	_ =	sfence.sel $0x180000  }
0x19b: {  	[bflag:$0x0] =	sbarrier.arrive $0xFFFF  }
0x19c: {  	_ =	strace $0x90000047  }
0x19d: {  	s0 =	stileid.u32;
	[bflag:$0x2] =	sbarrier.arrive $0xFFFF  }
0x19e: {  	p0 =	sne.s32 s0, $0x0;
	s0 =	rddreg [dreg:$0x4]  }
0x19f: {  	s0 =	sadd.s32 @!p0 $0x100000, s0  }
0x1a0: {  	[sflag:s0] =	ssyncadd.tile.s32 @!p0 $0x1;
	_ =	shalt  }
.Lfunc_end2:
_tile_overlayer_lowered:
.L_overlay_start_2:
0x1a1: {  	(tag) =	ssettag $0x2  }
0x1a2: {  	s0 =	rddreg [dreg:$0x0];
	s2 =	stileid.u32  }
0x1a3: {  	s1 =	rddreg [dreg:$0x1];
	p0 =	sne.s32 s2, $0x0  }
0x1a4: {  	s3 =	rddreg [dreg:$0x2];
	[bflag:$0x3] =	sbarrier.arrive $0xFFFF;
	s2 =	simm.s32 @!p0 $0x1C11  }
0x1a5: {  	[timem:s3], [sflag:s2] =	dma.local @!p0 [hbm:s0], s1  }
0x1a6: {  	s0 =	simm.s32 @!p0 $0x11  }
0x1a7: {  	_ =	swait.ge @!p0 [sflag:s0], s1  }
0x1a8: {  	s1 =	ssub.s32 @!p0 $0x0, s1;
	[sflag:s0] =	ssyncset.done @!p0 $0x0  }
0x1a9: {  	[sflag:s0] =	ssyncadd.s32 @!p0 s1  }
0x1aa: {  	[bflag:$0x3] =	sbarrier.arrive $0xFFFF  }
0x1ab: {  	_ =	shalt  }

</sc_bundles>
